<compile_context>
chip_gen: v7x
topology: tpu7x:2x2x1
jax: 0.10.2.dev20260603
libtpu: 0.0.44.dev20260713+nightly
codegen_flags: <defaults>
</compile_context>

<pallas_src>
import functools

import jax
import jax.numpy as jnp
from jax import lax
from jax.experimental import pallas as pl
from jax.experimental.pallas import tpu as pltpu
from jax.experimental.pallas import tpu_sc as plsc

_K = 5
_IGNORE = -100
_B = 128
_C = 100000
_LANES = 16
_NC = 2
_NS = 16
_NW = _NC * _NS
_KV = _B // _LANES

_S_TC = 51360
_SLAB = (_C - _S_TC) // _NW
_RCH = 304
_NCH = _SLAB // _RCH

_RT = 2568
_GT = _S_TC // _RT


def _nextup(v):
    bi = lax.bitcast_convert_type(v, jnp.int32)
    bp = jnp.where(bi < 0, bi - 1, bi + 1)
    bp = jnp.where(bi == jnp.int32(-2147483648), jnp.int32(1), bp)
    return lax.bitcast_convert_type(bp, jnp.float32)


def _sc_body(x_hbm, ytrue_hbm, cnt_hbm,
             yt_v, idx_v, g_v, buf0, buf1, cnt_v,
             sem0, sem1, gsem):
    wid = lax.axis_index("s") * _NC + lax.axis_index("c")
    s0 = _S_TC + wid * _SLAB
    bufs = (buf0, buf1)
    sems = (sem0, sem1)

    def chunk_copy(c):
        off = pl.multiple_of(s0 + c * _RCH, 8)
        return pltpu.async_copy(x_hbm.at[pl.ds(off, _RCH)],
                                bufs[c % 2], sems[c % 2])

    cps = [chunk_copy(0), chunk_copy(1)]

    pltpu.sync_copy(ytrue_hbm, yt_v)
    lane_iota = lax.iota(jnp.int32, _LANES)
    for k in range(_KV):
        idx_v[pl.ds(k * _LANES, _LANES)] = jnp.clip(
            yt_v[pl.ds(k * _LANES, _LANES)], 0, _C - 1)
    pltpu.async_copy(x_hbm.at[idx_v], g_v, gsem).wait()

    ts, vps, thr0s = [], [], []
    for k in range(_KV):
        i16 = k * _LANES + lane_iota
        t_k = yt_v[pl.ds(k * _LANES, _LANES)]
        v_k = plsc.load_gather(g_v, [i16, i16])
        ts.append(t_k)
        vps.append(_nextup(v_k))
        thr0s.append(v_k)

    zero_i = jnp.zeros((_LANES,), jnp.int32)
    accs = (zero_i,) * _KV

    def fast_chunk(buf, c0, accs):
        thrs = [jnp.where(ts[k] >= c0 + _RCH, thr0s[k], vps[k])
                for k in range(_KV)]

        def step(rr, a):
            row = buf.at[rr]
            out = []
            for k in range(_KV):
                x = row[pl.ds(k * _LANES, _LANES)]
                out.append(a[k] + (x >= thrs[k]).astype(jnp.int32))
            return tuple(out)
        return lax.fori_loop(0, _RCH, step, accs)

    def slow_chunk(buf, c0, nrows, accs):
        thrs = tuple(jnp.where(ts[k] > c0, thr0s[k], vps[k])
                     for k in range(_KV))

        def step(rr, carry):
            a, th = carry
            j = jnp.full((_LANES,), c0, jnp.int32) + rr
            row = buf.at[rr]
            na, nth = [], []
            for k in range(_KV):
                x = row[pl.ds(k * _LANES, _LANES)]
                tk = jnp.where(j == ts[k], vps[k], th[k])
                na.append(a[k] + (x >= tk).astype(jnp.int32))
                nth.append(tk)
            return tuple(na), tuple(nth)
        accs, _ = lax.fori_loop(0, nrows, step, (accs, thrs))
        return accs

    for c in range(_NCH):
        cps[c].wait()
        c0 = s0 + c * _RCH
        c0s = jnp.full((_LANES,), c0, jnp.int32)
        inb = zero_i
        for k in range(_KV):
            inb = inb + plsc.all_reduce_population_count(
                (ts[k] >= c0s) & (ts[k] < c0s + _RCH))
        has_t = jnp.max(inb) > 0
        buf = bufs[c % 2]
        accs = lax.cond(
            has_t,
            functools.partial(slow_chunk, buf, c0, _RCH),
            functools.partial(fast_chunk, buf, c0),
            accs)
        if c + 2 < _NCH:
            cps.append(chunk_copy(c + 2))

    for k in range(_KV):
        cnt_v[pl.ds(k * _LANES, _LANES)] = accs[k]
    pltpu.sync_copy(cnt_v, cnt_hbm.at[wid])


def _tc_body(v_ref, t_ref, x_ref, o_ref):
    i = pl.program_id(0)

    @pl.when(i == 0)
    def _():
        o_ref[...] = jnp.zeros_like(o_ref)

    x = x_ref[...]
    v = v_ref[...]
    t = t_ref[...]
    j = lax.broadcasted_iota(jnp.int32, (_RT, _B), 0) + i * _RT
    m = (x > v) | ((x == v) & (j < t))
    o_ref[...] += m.astype(jnp.int32).sum(axis=0, keepdims=True)


@jax.jit
def kernel(y_pred, y_true):
    yt = y_true.astype(jnp.int32)
    x_t = y_pred.T

    mesh = plsc.VectorSubcoreMesh(core_axis_name="c", subcore_axis_name="s")
    sc = functools.partial(
        pl.kernel,
        mesh=mesh,
        compiler_params=pltpu.CompilerParams(needs_layout_passes=False),
        out_type=jax.ShapeDtypeStruct((_NW, _B), jnp.int32),
        scratch_types=[
            pltpu.VMEM((_B,), jnp.int32),
            pltpu.VMEM((_B,), jnp.int32),
            pltpu.VMEM((_B, _B), jnp.float32),
            pltpu.VMEM((_RCH, _B), jnp.float32),
            pltpu.VMEM((_RCH, _B), jnp.float32),
            pltpu.VMEM((_B,), jnp.int32),
            pltpu.SemaphoreType.DMA,
            pltpu.SemaphoreType.DMA,
            pltpu.SemaphoreType.DMA,
        ],
    )(_sc_body)
    sc_partials = sc(x_t, yt)

    tt = jnp.clip(yt, 0, _C - 1)
    v = jnp.take_along_axis(y_pred, tt[:, None], axis=1)[:, 0]
    tc_counts = pl.pallas_call(
        _tc_body,
        grid=(_GT,),
        in_specs=[
            pl.BlockSpec((1, _B), lambda i: (0, 0)),
            pl.BlockSpec((1, _B), lambda i: (0, 0)),
            pl.BlockSpec((_RT, _B), lambda i: (i, 0)),
        ],
        out_specs=pl.BlockSpec((1, _B), lambda i: (0, 0)),
        out_shape=jax.ShapeDtypeStruct((1, _B), jnp.int32),
    )(v[None, :], tt[None, :], x_t)

    counts = sc_partials.sum(axis=0) + tc_counts[0]
    valid = y_true != _IGNORE
    hits = ((counts < _K) & valid).astype(jnp.float32)
    w = valid.astype(jnp.float32)
    return (hits.sum() / w.sum()) * 100.0

# --- scband reference (transcript-rebuilt; emitter-appended) ---
"""Pipeline reference for scband-top-kaccuracy-5875515261264 (READ-ONLY COPY).

The authoritative reference and input builder live on the scoring server;
editing this copy changes nothing except your own understanding.
"""

import jax, jax.numpy as jnp
import numpy as np

K = 5
IGNORE_INDEX = -100
REDUCTION = 'mean'


def setup_inputs(seed: int = 0) -> dict:
    key = jax.random.key(seed)
    k1, k2 = jax.random.split(key)
    y_pred = jax.random.normal(k1, (128, 100000), dtype=jnp.float32)
    y_true = jax.random.randint(k2, (128,), 0, 100000, dtype=jnp.int64 if jax.config.jax_enable_x64 else jnp.int32)
    return {"y_pred": y_pred, "y_true": y_true}


def reference(y_pred, y_true):
    # top-k indices along class dim (dim=1)
    _, topk_idx = jax.lax.top_k(y_pred, K)
    weights = (y_true != IGNORE_INDEX).astype(jnp.float32)
    num_labels = weights.sum()
    topk_acc = (y_true[:, None] == topk_idx).any(axis=1).astype(jnp.float32) * weights
    if REDUCTION in ('mean', 'sum'):
        topk_acc = topk_acc.sum()
    if REDUCTION == 'mean':
        topk_acc = topk_acc / num_labels
    return topk_acc * 100.0

if __name__ == "__main__":
    import jax
    _d = setup_inputs()
    print(jax.jit(kernel)(*tuple(_d.values())))

</pallas_src>

<mosaic_0001>
#map = affine_map<(d0, d1) -> (0, 0)>
#map1 = affine_map<(d0, d1) -> (0)>
module attributes {stable_mosaic.version = 14 : i64} {
  func.func @_sc_body(%arg0: i32, %arg1: i32, %arg2: memref<100000x128xf32, #tpu.memory_space<hbm>>, %arg3: memref<128xi32, #tpu.memory_space<hbm>>, %arg4: memref<32x128xi32, #tpu.memory_space<hbm>>, %arg5: memref<128xi32, #tpu.memory_space<vmem>>, %arg6: memref<128xi32, #tpu.memory_space<vmem>>, %arg7: memref<128x128xf32, #tpu.memory_space<vmem>>, %arg8: memref<304x128xf32, #tpu.memory_space<vmem>>, %arg9: memref<304x128xf32, #tpu.memory_space<vmem>>, %arg10: memref<128xi32, #tpu.memory_space<vmem>>, %arg11: memref<!tpu.dma_semaphore, #tpu.memory_space<semaphore_mem>>, %arg12: memref<!tpu.dma_semaphore, #tpu.memory_space<semaphore_mem>>, %arg13: memref<!tpu.dma_semaphore, #tpu.memory_space<semaphore_mem>>) attributes {dimension_semantics = [#tpu.dimension_semantics<core_parallel>, #tpu.dimension_semantics<subcore_parallel>], iteration_bounds = array<i64: 2, 16>, scalar_prefetch = 0 : i64, scratch_operands = 9 : i64, tpu.core_type = #tpu.core_type<sc_vector_subcore>, window_params = [{transform_indices = #map}, {transform_indices = #map1}, {transform_indices = #map}]} {
    %mul3A = arith.constant 2 : i32
    %mul3A_0 = arith.muli %arg1, %mul3A : i32
    %add3A = arith.addi %mul3A_0, %arg0 : i32
    %mul3A_1 = arith.constant 1520 : i32
    %mul3A_2 = arith.muli %add3A, %mul3A_1 : i32
    %add3A_3 = arith.constant 51360 : i32
    %add3A_4 = arith.addi %add3A_3, %mul3A_2 : i32
    %add3A_5 = arith.constant 0 : i32
    %add3A_6 = arith.addi %add3A_4, %add3A_5 : i32
    %multiple_of3A = tpu.assume_multiple %add3A_6, 8 : i32
    %dma_start3A = arith.constant 0 : i32
    %dma_start3A_7 = tpu.memref_slice %arg2[%multiple_of3A, %dma_start3A] : memref<100000x128xf32, #tpu.memory_space<hbm>> -> memref<304x128xf32, #tpu.memory_space<hbm>>
    %dma_start3A_8 = arith.constant 0 : i32
    %dma_start3A_9 = tpu.memref_slice %arg2[%multiple_of3A, %dma_start3A_8] : memref<100000x128xf32, #tpu.memory_space<hbm>> -> memref<304x128xf32, #tpu.memory_space<hbm>>
    tpu.enqueue_dma source(%dma_start3A_9 : memref<304x128xf32, #tpu.memory_space<hbm>>) target(%arg8 : memref<304x128xf32, #tpu.memory_space<vmem>>) target_semaphore(%arg11 : memref<!tpu.dma_semaphore, #tpu.memory_space<semaphore_mem>>)
    %add3A_10 = arith.constant 304 : i32
    %add3A_11 = arith.addi %add3A_4, %add3A_10 : i32
    %multiple_of3A_12 = tpu.assume_multiple %add3A_11, 8 : i32
    %dma_start3A_13 = arith.constant 0 : i32
    %dma_start3A_14 = tpu.memref_slice %arg2[%multiple_of3A_12, %dma_start3A_13] : memref<100000x128xf32, #tpu.memory_space<hbm>> -> memref<304x128xf32, #tpu.memory_space<hbm>>
    %dma_start3A_15 = arith.constant 0 : i32
    %dma_start3A_16 = tpu.memref_slice %arg2[%multiple_of3A_12, %dma_start3A_15] : memref<100000x128xf32, #tpu.memory_space<hbm>> -> memref<304x128xf32, #tpu.memory_space<hbm>>
    tpu.enqueue_dma source(%dma_start3A_16 : memref<304x128xf32, #tpu.memory_space<hbm>>) target(%arg9 : memref<304x128xf32, #tpu.memory_space<vmem>>) target_semaphore(%arg12 : memref<!tpu.dma_semaphore, #tpu.memory_space<semaphore_mem>>)
    "tpu.region"() ({
      %run_scoped3A = tpu.sem_alloc : memref<!tpu.dma_semaphore, #tpu.memory_space<semaphore_mem>>
      tpu.enqueue_dma source(%arg3 : memref<128xi32, #tpu.memory_space<hbm>>) target(%arg5 : memref<128xi32, #tpu.memory_space<vmem>>) target_semaphore(%run_scoped3A : memref<!tpu.dma_semaphore, #tpu.memory_space<semaphore_mem>>)
      tpu.wait_dma2 semaphore(%run_scoped3A : memref<!tpu.dma_semaphore, #tpu.memory_space<semaphore_mem>>) src(%arg3 : memref<128xi32, #tpu.memory_space<hbm>>) dst(%arg5 : memref<128xi32, #tpu.memory_space<vmem>>)
      tpu.yield
    }) : () -> ()
    %iota3A = tpu.iota {dimensions = array<i32: 0>} : vector<16xi32>
    %get3A = arith.constant 0 : index
    %get3A_17 = tpu.vector_load %arg5[%get3A] {strides = array<i32>} : memref<128xi32, #tpu.memory_space<vmem>>, vector<16xi32>,
    %jit3A = arith.constant 0 : i32
    %jit3A_18 = arith.constant 99999 : i32
    %max3A = vector.broadcast %jit3A : i32 to vector<16xi32>
    %max3A_19 = arith.maxsi %max3A, %get3A_17 : vector<16xi32>
    %min3A = vector.broadcast %jit3A_18 : i32 to vector<16xi32>
    %min3A_20 = arith.minsi %min3A, %max3A_19 : vector<16xi32>
    %swap3A = arith.constant 0 : index
    %swap3A_21 = tpu.vector_load %arg6[%swap3A] {strides = array<i32>} : memref<128xi32, #tpu.memory_space<vmem>>, vector<16xi32>,
    tpu.vector_store %arg6[%swap3A], %min3A_20 {strides = array<i32>} : memref<128xi32, #tpu.memory_space<vmem>>, vector<16xi32>,
    %get3A_22 = arith.constant 16 : index
    %get3A_23 = tpu.vector_load %arg5[%get3A_22] {strides = array<i32>} : memref<128xi32, #tpu.memory_space<vmem>>, vector<16xi32>,
    %jit3A_24 = arith.constant 0 : i32
    %jit3A_25 = arith.constant 99999 : i32
    %max3A_26 = vector.broadcast %jit3A_24 : i32 to vector<16xi32>
    %max3A_27 = arith.maxsi %max3A_26, %get3A_23 : vector<16xi32>
    %min3A_28 = vector.broadcast %jit3A_25 : i32 to vector<16xi32>
    %min3A_29 = arith.minsi %min3A_28, %max3A_27 : vector<16xi32>
    %swap3A_30 = arith.constant 16 : index
    %swap3A_31 = tpu.vector_load %arg6[%swap3A_30] {strides = array<i32>} : memref<128xi32, #tpu.memory_space<vmem>>, vector<16xi32>,
    tpu.vector_store %arg6[%swap3A_30], %min3A_29 {strides = array<i32>} : memref<128xi32, #tpu.memory_space<vmem>>, vector<16xi32>,
    %get3A_32 = arith.constant 32 : index
    %get3A_33 = tpu.vector_load %arg5[%get3A_32] {strides = array<i32>} : memref<128xi32, #tpu.memory_space<vmem>>, vector<16xi32>,
    %jit3A_34 = arith.constant 0 : i32
    %jit3A_35 = arith.constant 99999 : i32
    %max3A_36 = vector.broadcast %jit3A_34 : i32 to vector<16xi32>
    %max3A_37 = arith.maxsi %max3A_36, %get3A_33 : vector<16xi32>
    %min3A_38 = vector.broadcast %jit3A_35 : i32 to vector<16xi32>
    %min3A_39 = arith.minsi %min3A_38, %max3A_37 : vector<16xi32>
    %swap3A_40 = arith.constant 32 : index
    %swap3A_41 = tpu.vector_load %arg6[%swap3A_40] {strides = array<i32>} : memref<128xi32, #tpu.memory_space<vmem>>, vector<16xi32>,
    tpu.vector_store %arg6[%swap3A_40], %min3A_39 {strides = array<i32>} : memref<128xi32, #tpu.memory_space<vmem>>, vector<16xi32>,
    %get3A_42 = arith.constant 48 : index
    %get3A_43 = tpu.vector_load %arg5[%get3A_42] {strides = array<i32>} : memref<128xi32, #tpu.memory_space<vmem>>, vector<16xi32>,
    %jit3A_44 = arith.constant 0 : i32
    %jit3A_45 = arith.constant 99999 : i32
    %max3A_46 = vector.broadcast %jit3A_44 : i32 to vector<16xi32>
    %max3A_47 = arith.maxsi %max3A_46, %get3A_43 : vector<16xi32>
    %min3A_48 = vector.broadcast %jit3A_45 : i32 to vector<16xi32>
    %min3A_49 = arith.minsi %min3A_48, %max3A_47 : vector<16xi32>
    %swap3A_50 = arith.constant 48 : index
    %swap3A_51 = tpu.vector_load %arg6[%swap3A_50] {strides = array<i32>} : memref<128xi32, #tpu.memory_space<vmem>>, vector<16xi32>,
    tpu.vector_store %arg6[%swap3A_50], %min3A_49 {strides = array<i32>} : memref<128xi32, #tpu.memory_space<vmem>>, vector<16xi32>,
    %get3A_52 = arith.constant 64 : index
    %get3A_53 = tpu.vector_load %arg5[%get3A_52] {strides = array<i32>} : memref<128xi32, #tpu.memory_space<vmem>>, vector<16xi32>,
    %jit3A_54 = arith.constant 0 : i32
    %jit3A_55 = arith.constant 99999 : i32
    %max3A_56 = vector.broadcast %jit3A_54 : i32 to vector<16xi32>
    %max3A_57 = arith.maxsi %max3A_56, %get3A_53 : vector<16xi32>
    %min3A_58 = vector.broadcast %jit3A_55 : i32 to vector<16xi32>
    %min3A_59 = arith.minsi %min3A_58, %max3A_57 : vector<16xi32>
    %swap3A_60 = arith.constant 64 : index
    %swap3A_61 = tpu.vector_load %arg6[%swap3A_60] {strides = array<i32>} : memref<128xi32, #tpu.memory_space<vmem>>, vector<16xi32>,
    tpu.vector_store %arg6[%swap3A_60], %min3A_59 {strides = array<i32>} : memref<128xi32, #tpu.memory_space<vmem>>, vector<16xi32>,
    %get3A_62 = arith.constant 80 : index
    %get3A_63 = tpu.vector_load %arg5[%get3A_62] {strides = array<i32>} : memref<128xi32, #tpu.memory_space<vmem>>, vector<16xi32>,
    %jit3A_64 = arith.constant 0 : i32
    %jit3A_65 = arith.constant 99999 : i32
    %max3A_66 = vector.broadcast %jit3A_64 : i32 to vector<16xi32>
    %max3A_67 = arith.maxsi %max3A_66, %get3A_63 : vector<16xi32>
    %min3A_68 = vector.broadcast %jit3A_65 : i32 to vector<16xi32>
    %min3A_69 = arith.minsi %min3A_68, %max3A_67 : vector<16xi32>
    %swap3A_70 = arith.constant 80 : index
    %swap3A_71 = tpu.vector_load %arg6[%swap3A_70] {strides = array<i32>} : memref<128xi32, #tpu.memory_space<vmem>>, vector<16xi32>,
    tpu.vector_store %arg6[%swap3A_70], %min3A_69 {strides = array<i32>} : memref<128xi32, #tpu.memory_space<vmem>>, vector<16xi32>,
    %get3A_72 = arith.constant 96 : index
    %get3A_73 = tpu.vector_load %arg5[%get3A_72] {strides = array<i32>} : memref<128xi32, #tpu.memory_space<vmem>>, vector<16xi32>,
    %jit3A_74 = arith.constant 0 : i32
    %jit3A_75 = arith.constant 99999 : i32
    %max3A_76 = vector.broadcast %jit3A_74 : i32 to vector<16xi32>
    %max3A_77 = arith.maxsi %max3A_76, %get3A_73 : vector<16xi32>
    %min3A_78 = vector.broadcast %jit3A_75 : i32 to vector<16xi32>
    %min3A_79 = arith.minsi %min3A_78, %max3A_77 : vector<16xi32>
    %swap3A_80 = arith.constant 96 : index
    %swap3A_81 = tpu.vector_load %arg6[%swap3A_80] {strides = array<i32>} : memref<128xi32, #tpu.memory_space<vmem>>, vector<16xi32>,
    tpu.vector_store %arg6[%swap3A_80], %min3A_79 {strides = array<i32>} : memref<128xi32, #tpu.memory_space<vmem>>, vector<16xi32>,
    %get3A_82 = arith.constant 112 : index
    %get3A_83 = tpu.vector_load %arg5[%get3A_82] {strides = array<i32>} : memref<128xi32, #tpu.memory_space<vmem>>, vector<16xi32>,
    %jit3A_84 = arith.constant 0 : i32
    %jit3A_85 = arith.constant 99999 : i32
    %max3A_86 = vector.broadcast %jit3A_84 : i32 to vector<16xi32>
    %max3A_87 = arith.maxsi %max3A_86, %get3A_83 : vector<16xi32>
    %min3A_88 = vector.broadcast %jit3A_85 : i32 to vector<16xi32>
    %min3A_89 = arith.minsi %min3A_88, %max3A_87 : vector<16xi32>
    %swap3A_90 = arith.constant 112 : index
    %swap3A_91 = tpu.vector_load %arg6[%swap3A_90] {strides = array<i32>} : memref<128xi32, #tpu.memory_space<vmem>>, vector<16xi32>,
    tpu.vector_store %arg6[%swap3A_90], %min3A_89 {strides = array<i32>} : memref<128xi32, #tpu.memory_space<vmem>>, vector<16xi32>,
    %dma_start3A_92 = arith.constant 0 : i32
    %dma_start3A_93 = arith.constant 0 : i32
    %dma_start3A_94 = tpu.memref_slice %arg2[%dma_start3A_92, %dma_start3A_93] : memref<100000x128xf32, #tpu.memory_space<hbm>> -> memref<100000x128xf32, #tpu.memory_space<hbm>>
    tpu.enqueue_indirect_dma source(%dma_start3A_94 : memref<100000x128xf32, #tpu.memory_space<hbm>>) target(%arg7 : memref<128x128xf32, #tpu.memory_space<vmem>>) offsets(%arg6 : memref<128xi32, #tpu.memory_space<vmem>>) semaphore(%arg13 : memref<!tpu.dma_semaphore, #tpu.memory_space<semaphore_mem>>)
    %dma_wait3A = arith.constant 0 : i32
    %dma_wait3A_95 = arith.constant 0 : i32
    %dma_wait3A_96 = tpu.memref_slice %arg2[%dma_wait3A, %dma_wait3A_95] : memref<100000x128xf32, #tpu.memory_space<hbm>> -> memref<100000x128xf32, #tpu.memory_space<hbm>>
    tpu.wait_indirect_dma semaphore(%arg13 : memref<!tpu.dma_semaphore, #tpu.memory_space<semaphore_mem>>) src(%dma_wait3A_96 : memref<100000x128xf32, #tpu.memory_space<hbm>>) dst(%arg7 : memref<128x128xf32, #tpu.memory_space<vmem>>)
    %add3A_97 = arith.constant 0 : i32
    %add3A_98 = vector.broadcast %add3A_97 : i32 to vector<16xi32>
    %add3A_99 = arith.addi %add3A_98, %iota3A : vector<16xi32>
    %get3A_100 = arith.constant 0 : index
    %get3A_101 = tpu.vector_load %arg5[%get3A_100] {strides = array<i32>} : memref<128xi32, #tpu.memory_space<vmem>>, vector<16xi32>,
    %gather3A = tpu.vector_load_idx %arg7[%add3A_99, %add3A_99] : memref<128x128xf32, #tpu.memory_space<vmem>>[vector<16xi32>, vector<16xi32>], vector<16xf32>,
    %bitcast_convert_type3A = tpu.bitcast %gather3A : vector<16xf32> -> vector<16xi32>
    %lt3A = arith.constant 0 : i32
    %lt3A_102 = vector.broadcast %lt3A : i32 to vector<16xi32>
    %lt3A_103 = arith.cmpi slt, %bitcast_convert_type3A, %lt3A_102 : vector<16xi32>
    %sub3A = arith.constant 1 : i32
    %sub3A_104 = vector.broadcast %sub3A : i32 to vector<16xi32>
    %sub3A_105 = arith.subi %bitcast_convert_type3A, %sub3A_104 : vector<16xi32>
    %add3A_106 = arith.constant 1 : i32
    %add3A_107 = vector.broadcast %add3A_106 : i32 to vector<16xi32>
    %add3A_108 = arith.addi %bitcast_convert_type3A, %add3A_107 : vector<16xi32>
    %select_n3A = arith.select %lt3A_103, %sub3A_105, %add3A_108 : vector<16xi1>, vector<16xi32>
    %eq3A = arith.constant -2147483648 : i32
    %eq3A_109 = vector.broadcast %eq3A : i32 to vector<16xi32>
    %eq3A_110 = arith.cmpi eq, %bitcast_convert_type3A, %eq3A_109 : vector<16xi32>
    %jit3A_111 = arith.constant 1 : i32
    %broadcast_in_dim3A = vector.broadcast %jit3A_111 : i32 to vector<16xi32>
    %select_n3A_112 = arith.select %eq3A_110, %broadcast_in_dim3A, %select_n3A : vector<16xi1>, vector<16xi32>
    %bitcast_convert_type3A_113 = tpu.bitcast %select_n3A_112 : vector<16xi32> -> vector<16xf32>
    %add3A_114 = arith.constant 16 : i32
    %add3A_115 = vector.broadcast %add3A_114 : i32 to vector<16xi32>
    %add3A_116 = arith.addi %add3A_115, %iota3A : vector<16xi32>
    %get3A_117 = arith.constant 16 : index
    %get3A_118 = tpu.vector_load %arg5[%get3A_117] {strides = array<i32>} : memref<128xi32, #tpu.memory_space<vmem>>, vector<16xi32>,
    %gather3A_119 = tpu.vector_load_idx %arg7[%add3A_116, %add3A_116] : memref<128x128xf32, #tpu.memory_space<vmem>>[vector<16xi32>, vector<16xi32>], vector<16xf32>,
    %bitcast_convert_type3A_120 = tpu.bitcast %gather3A_119 : vector<16xf32> -> vector<16xi32>
    %lt3A_121 = arith.constant 0 : i32
    %lt3A_122 = vector.broadcast %lt3A_121 : i32 to vector<16xi32>
    %lt3A_123 = arith.cmpi slt, %bitcast_convert_type3A_120, %lt3A_122 : vector<16xi32>
    %sub3A_124 = arith.constant 1 : i32
    %sub3A_125 = vector.broadcast %sub3A_124 : i32 to vector<16xi32>
    %sub3A_126 = arith.subi %bitcast_convert_type3A_120, %sub3A_125 : vector<16xi32>
    %add3A_127 = arith.constant 1 : i32
    %add3A_128 = vector.broadcast %add3A_127 : i32 to vector<16xi32>
    %add3A_129 = arith.addi %bitcast_convert_type3A_120, %add3A_128 : vector<16xi32>
    %select_n3A_130 = arith.select %lt3A_123, %sub3A_126, %add3A_129 : vector<16xi1>, vector<16xi32>
    %eq3A_131 = arith.constant -2147483648 : i32
    %eq3A_132 = vector.broadcast %eq3A_131 : i32 to vector<16xi32>
    %eq3A_133 = arith.cmpi eq, %bitcast_convert_type3A_120, %eq3A_132 : vector<16xi32>
    %jit3A_134 = arith.constant 1 : i32
    %broadcast_in_dim3A_135 = vector.broadcast %jit3A_134 : i32 to vector<16xi32>
    %select_n3A_136 = arith.select %eq3A_133, %broadcast_in_dim3A_135, %select_n3A_130 : vector<16xi1>, vector<16xi32>
    %bitcast_convert_type3A_137 = tpu.bitcast %select_n3A_136 : vector<16xi32> -> vector<16xf32>
    %add3A_138 = arith.constant 32 : i32
    %add3A_139 = vector.broadcast %add3A_138 : i32 to vector<16xi32>
    %add3A_140 = arith.addi %add3A_139, %iota3A : vector<16xi32>
    %get3A_141 = arith.constant 32 : index
    %get3A_142 = tpu.vector_load %arg5[%get3A_141] {strides = array<i32>} : memref<128xi32, #tpu.memory_space<vmem>>, vector<16xi32>,
    %gather3A_143 = tpu.vector_load_idx %arg7[%add3A_140, %add3A_140] : memref<128x128xf32, #tpu.memory_space<vmem>>[vector<16xi32>, vector<16xi32>], vector<16xf32>,
    %bitcast_convert_type3A_144 = tpu.bitcast %gather3A_143 : vector<16xf32> -> vector<16xi32>
    %lt3A_145 = arith.constant 0 : i32
    %lt3A_146 = vector.broadcast %lt3A_145 : i32 to vector<16xi32>
    %lt3A_147 = arith.cmpi slt, %bitcast_convert_type3A_144, %lt3A_146 : vector<16xi32>
    %sub3A_148 = arith.constant 1 : i32
    %sub3A_149 = vector.broadcast %sub3A_148 : i32 to vector<16xi32>
    %sub3A_150 = arith.subi %bitcast_convert_type3A_144, %sub3A_149 : vector<16xi32>
    %add3A_151 = arith.constant 1 : i32
    %add3A_152 = vector.broadcast %add3A_151 : i32 to vector<16xi32>
    %add3A_153 = arith.addi %bitcast_convert_type3A_144, %add3A_152 : vector<16xi32>
    %select_n3A_154 = arith.select %lt3A_147, %sub3A_150, %add3A_153 : vector<16xi1>, vector<16xi32>
    %eq3A_155 = arith.constant -2147483648 : i32
    %eq3A_156 = vector.broadcast %eq3A_155 : i32 to vector<16xi32>
    %eq3A_157 = arith.cmpi eq, %bitcast_convert_type3A_144, %eq3A_156 : vector<16xi32>
    %jit3A_158 = arith.constant 1 : i32
    %broadcast_in_dim3A_159 = vector.broadcast %jit3A_158 : i32 to vector<16xi32>
    %select_n3A_160 = arith.select %eq3A_157, %broadcast_in_dim3A_159, %select_n3A_154 : vector<16xi1>, vector<16xi32>
    %bitcast_convert_type3A_161 = tpu.bitcast %select_n3A_160 : vector<16xi32> -> vector<16xf32>
    %add3A_162 = arith.constant 48 : i32
    %add3A_163 = vector.broadcast %add3A_162 : i32 to vector<16xi32>
    %add3A_164 = arith.addi %add3A_163, %iota3A : vector<16xi32>
    %get3A_165 = arith.constant 48 : index
    %get3A_166 = tpu.vector_load %arg5[%get3A_165] {strides = array<i32>} : memref<128xi32, #tpu.memory_space<vmem>>, vector<16xi32>,
    %gather3A_167 = tpu.vector_load_idx %arg7[%add3A_164, %add3A_164] : memref<128x128xf32, #tpu.memory_space<vmem>>[vector<16xi32>, vector<16xi32>], vector<16xf32>,
    %bitcast_convert_type3A_168 = tpu.bitcast %gather3A_167 : vector<16xf32> -> vector<16xi32>
    %lt3A_169 = arith.constant 0 : i32
    %lt3A_170 = vector.broadcast %lt3A_169 : i32 to vector<16xi32>
    %lt3A_171 = arith.cmpi slt, %bitcast_convert_type3A_168, %lt3A_170 : vector<16xi32>
    %sub3A_172 = arith.constant 1 : i32
    %sub3A_173 = vector.broadcast %sub3A_172 : i32 to vector<16xi32>
    %sub3A_174 = arith.subi %bitcast_convert_type3A_168, %sub3A_173 : vector<16xi32>
    %add3A_175 = arith.constant 1 : i32
    %add3A_176 = vector.broadcast %add3A_175 : i32 to vector<16xi32>
    %add3A_177 = arith.addi %bitcast_convert_type3A_168, %add3A_176 : vector<16xi32>
    %select_n3A_178 = arith.select %lt3A_171, %sub3A_174, %add3A_177 : vector<16xi1>, vector<16xi32>
    %eq3A_179 = arith.constant -2147483648 : i32
    %eq3A_180 = vector.broadcast %eq3A_179 : i32 to vector<16xi32>
    %eq3A_181 = arith.cmpi eq, %bitcast_convert_type3A_168, %eq3A_180 : vector<16xi32>
    %jit3A_182 = arith.constant 1 : i32
    %broadcast_in_dim3A_183 = vector.broadcast %jit3A_182 : i32 to vector<16xi32>
    %select_n3A_184 = arith.select %eq3A_181, %broadcast_in_dim3A_183, %select_n3A_178 : vector<16xi1>, vector<16xi32>
    %bitcast_convert_type3A_185 = tpu.bitcast %select_n3A_184 : vector<16xi32> -> vector<16xf32>
    %add3A_186 = arith.constant 64 : i32
    %add3A_187 = vector.broadcast %add3A_186 : i32 to vector<16xi32>
    %add3A_188 = arith.addi %add3A_187, %iota3A : vector<16xi32>
    %get3A_189 = arith.constant 64 : index
    %get3A_190 = tpu.vector_load %arg5[%get3A_189] {strides = array<i32>} : memref<128xi32, #tpu.memory_space<vmem>>, vector<16xi32>,
    %gather3A_191 = tpu.vector_load_idx %arg7[%add3A_188, %add3A_188] : memref<128x128xf32, #tpu.memory_space<vmem>>[vector<16xi32>, vector<16xi32>], vector<16xf32>,
    %bitcast_convert_type3A_192 = tpu.bitcast %gather3A_191 : vector<16xf32> -> vector<16xi32>
    %lt3A_193 = arith.constant 0 : i32
    %lt3A_194 = vector.broadcast %lt3A_193 : i32 to vector<16xi32>
    %lt3A_195 = arith.cmpi slt, %bitcast_convert_type3A_192, %lt3A_194 : vector<16xi32>
    %sub3A_196 = arith.constant 1 : i32
    %sub3A_197 = vector.broadcast %sub3A_196 : i32 to vector<16xi32>
    %sub3A_198 = arith.subi %bitcast_convert_type3A_192, %sub3A_197 : vector<16xi32>
    %add3A_199 = arith.constant 1 : i32
    %add3A_200 = vector.broadcast %add3A_199 : i32 to vector<16xi32>
    %add3A_201 = arith.addi %bitcast_convert_type3A_192, %add3A_200 : vector<16xi32>
    %select_n3A_202 = arith.select %lt3A_195, %sub3A_198, %add3A_201 : vector<16xi1>, vector<16xi32>
    %eq3A_203 = arith.constant -2147483648 : i32
    %eq3A_204 = vector.broadcast %eq3A_203 : i32 to vector<16xi32>
    %eq3A_205 = arith.cmpi eq, %bitcast_convert_type3A_192, %eq3A_204 : vector<16xi32>
    %jit3A_206 = arith.constant 1 : i32
    %broadcast_in_dim3A_207 = vector.broadcast %jit3A_206 : i32 to vector<16xi32>
    %select_n3A_208 = arith.select %eq3A_205, %broadcast_in_dim3A_207, %select_n3A_202 : vector<16xi1>, vector<16xi32>
    %bitcast_convert_type3A_209 = tpu.bitcast %select_n3A_208 : vector<16xi32> -> vector<16xf32>
    %add3A_210 = arith.constant 80 : i32
    %add3A_211 = vector.broadcast %add3A_210 : i32 to vector<16xi32>
    %add3A_212 = arith.addi %add3A_211, %iota3A : vector<16xi32>
    %get3A_213 = arith.constant 80 : index
    %get3A_214 = tpu.vector_load %arg5[%get3A_213] {strides = array<i32>} : memref<128xi32, #tpu.memory_space<vmem>>, vector<16xi32>,
    %gather3A_215 = tpu.vector_load_idx %arg7[%add3A_212, %add3A_212] : memref<128x128xf32, #tpu.memory_space<vmem>>[vector<16xi32>, vector<16xi32>], vector<16xf32>,
    %bitcast_convert_type3A_216 = tpu.bitcast %gather3A_215 : vector<16xf32> -> vector<16xi32>
    %lt3A_217 = arith.constant 0 : i32
    %lt3A_218 = vector.broadcast %lt3A_217 : i32 to vector<16xi32>
    %lt3A_219 = arith.cmpi slt, %bitcast_convert_type3A_216, %lt3A_218 : vector<16xi32>
    %sub3A_220 = arith.constant 1 : i32
    %sub3A_221 = vector.broadcast %sub3A_220 : i32 to vector<16xi32>
    %sub3A_222 = arith.subi %bitcast_convert_type3A_216, %sub3A_221 : vector<16xi32>
    %add3A_223 = arith.constant 1 : i32
    %add3A_224 = vector.broadcast %add3A_223 : i32 to vector<16xi32>
    %add3A_225 = arith.addi %bitcast_convert_type3A_216, %add3A_224 : vector<16xi32>
    %select_n3A_226 = arith.select %lt3A_219, %sub3A_222, %add3A_225 : vector<16xi1>, vector<16xi32>
    %eq3A_227 = arith.constant -2147483648 : i32
    %eq3A_228 = vector.broadcast %eq3A_227 : i32 to vector<16xi32>
    %eq3A_229 = arith.cmpi eq, %bitcast_convert_type3A_216, %eq3A_228 : vector<16xi32>
    %jit3A_230 = arith.constant 1 : i32
    %broadcast_in_dim3A_231 = vector.broadcast %jit3A_230 : i32 to vector<16xi32>
    %select_n3A_232 = arith.select %eq3A_229, %broadcast_in_dim3A_231, %select_n3A_226 : vector<16xi1>, vector<16xi32>
    %bitcast_convert_type3A_233 = tpu.bitcast %select_n3A_232 : vector<16xi32> -> vector<16xf32>
    %add3A_234 = arith.constant 96 : i32
    %add3A_235 = vector.broadcast %add3A_234 : i32 to vector<16xi32>
    %add3A_236 = arith.addi %add3A_235, %iota3A : vector<16xi32>
    %get3A_237 = arith.constant 96 : index
    %get3A_238 = tpu.vector_load %arg5[%get3A_237] {strides = array<i32>} : memref<128xi32, #tpu.memory_space<vmem>>, vector<16xi32>,
    %gather3A_239 = tpu.vector_load_idx %arg7[%add3A_236, %add3A_236] : memref<128x128xf32, #tpu.memory_space<vmem>>[vector<16xi32>, vector<16xi32>], vector<16xf32>,
    %bitcast_convert_type3A_240 = tpu.bitcast %gather3A_239 : vector<16xf32> -> vector<16xi32>
    %lt3A_241 = arith.constant 0 : i32
    %lt3A_242 = vector.broadcast %lt3A_241 : i32 to vector<16xi32>
    %lt3A_243 = arith.cmpi slt, %bitcast_convert_type3A_240, %lt3A_242 : vector<16xi32>
    %sub3A_244 = arith.constant 1 : i32
    %sub3A_245 = vector.broadcast %sub3A_244 : i32 to vector<16xi32>
    %sub3A_246 = arith.subi %bitcast_convert_type3A_240, %sub3A_245 : vector<16xi32>
    %add3A_247 = arith.constant 1 : i32
    %add3A_248 = vector.broadcast %add3A_247 : i32 to vector<16xi32>
    %add3A_249 = arith.addi %bitcast_convert_type3A_240, %add3A_248 : vector<16xi32>
    %select_n3A_250 = arith.select %lt3A_243, %sub3A_246, %add3A_249 : vector<16xi1>, vector<16xi32>
    %eq3A_251 = arith.constant -2147483648 : i32
    %eq3A_252 = vector.broadcast %eq3A_251 : i32 to vector<16xi32>
    %eq3A_253 = arith.cmpi eq, %bitcast_convert_type3A_240, %eq3A_252 : vector<16xi32>
    %jit3A_254 = arith.constant 1 : i32
    %broadcast_in_dim3A_255 = vector.broadcast %jit3A_254 : i32 to vector<16xi32>
    %select_n3A_256 = arith.select %eq3A_253, %broadcast_in_dim3A_255, %select_n3A_250 : vector<16xi1>, vector<16xi32>
    %bitcast_convert_type3A_257 = tpu.bitcast %select_n3A_256 : vector<16xi32> -> vector<16xf32>
    %add3A_258 = arith.constant 112 : i32
    %add3A_259 = vector.broadcast %add3A_258 : i32 to vector<16xi32>
    %add3A_260 = arith.addi %add3A_259, %iota3A : vector<16xi32>
    %get3A_261 = arith.constant 112 : index
    %get3A_262 = tpu.vector_load %arg5[%get3A_261] {strides = array<i32>} : memref<128xi32, #tpu.memory_space<vmem>>, vector<16xi32>,
    %gather3A_263 = tpu.vector_load_idx %arg7[%add3A_260, %add3A_260] : memref<128x128xf32, #tpu.memory_space<vmem>>[vector<16xi32>, vector<16xi32>], vector<16xf32>,
    %bitcast_convert_type3A_264 = tpu.bitcast %gather3A_263 : vector<16xf32> -> vector<16xi32>
    %lt3A_265 = arith.constant 0 : i32
    %lt3A_266 = vector.broadcast %lt3A_265 : i32 to vector<16xi32>
    %lt3A_267 = arith.cmpi slt, %bitcast_convert_type3A_264, %lt3A_266 : vector<16xi32>
    %sub3A_268 = arith.constant 1 : i32
    %sub3A_269 = vector.broadcast %sub3A_268 : i32 to vector<16xi32>
    %sub3A_270 = arith.subi %bitcast_convert_type3A_264, %sub3A_269 : vector<16xi32>
    %add3A_271 = arith.constant 1 : i32
    %add3A_272 = vector.broadcast %add3A_271 : i32 to vector<16xi32>
    %add3A_273 = arith.addi %bitcast_convert_type3A_264, %add3A_272 : vector<16xi32>
    %select_n3A_274 = arith.select %lt3A_267, %sub3A_270, %add3A_273 : vector<16xi1>, vector<16xi32>
    %eq3A_275 = arith.constant -2147483648 : i32
    %eq3A_276 = vector.broadcast %eq3A_275 : i32 to vector<16xi32>
    %eq3A_277 = arith.cmpi eq, %bitcast_convert_type3A_264, %eq3A_276 : vector<16xi32>
    %jit3A_278 = arith.constant 1 : i32
    %broadcast_in_dim3A_279 = vector.broadcast %jit3A_278 : i32 to vector<16xi32>
    %select_n3A_280 = arith.select %eq3A_277, %broadcast_in_dim3A_279, %select_n3A_274 : vector<16xi1>, vector<16xi32>
    %bitcast_convert_type3A_281 = tpu.bitcast %select_n3A_280 : vector<16xi32> -> vector<16xf32>
    %broadcast_in_dim3A_282 = arith.constant 0 : i32
    %broadcast_in_dim3A_283 = vector.broadcast %broadcast_in_dim3A_282 : i32 to vector<16xi32>
    %dma_wait3A_284 = arith.constant 0 : i32
    %dma_wait3A_285 = tpu.memref_slice %arg2[%multiple_of3A, %dma_wait3A_284] : memref<100000x128xf32, #tpu.memory_space<hbm>> -> memref<304x128xf32, #tpu.memory_space<hbm>>
    %dma_wait3A_286 = arith.constant 0 : i32
    %dma_wait3A_287 = tpu.memref_slice %arg2[%multiple_of3A, %dma_wait3A_286] : memref<100000x128xf32, #tpu.memory_space<hbm>> -> memref<304x128xf32, #tpu.memory_space<hbm>>
    tpu.wait_dma2 semaphore(%arg11 : memref<!tpu.dma_semaphore, #tpu.memory_space<semaphore_mem>>) src(%dma_wait3A_287 : memref<304x128xf32, #tpu.memory_space<hbm>>) dst(%arg8 : memref<304x128xf32, #tpu.memory_space<vmem>>)
    %add3A_288 = arith.constant 0 : i32
    %add3A_289 = arith.addi %add3A_4, %add3A_288 : i32
    %broadcast_in_dim3A_290 = vector.broadcast %add3A_289 : i32 to vector<16xi32>
    %ge3A = arith.cmpi sge, %get3A_101, %broadcast_in_dim3A_290 : vector<16xi32>
    %add3A_291 = arith.constant 304 : i32
    %add3A_292 = vector.broadcast %add3A_291 : i32 to vector<16xi32>
    %add3A_293 = arith.addi %broadcast_in_dim3A_290, %add3A_292 : vector<16xi32>
    %lt3A_294 = arith.cmpi slt, %get3A_101, %add3A_293 : vector<16xi32>
    %and3A = arith.andi %ge3A, %lt3A_294 : vector<16xi1>
    %all_reduce_population_count3A = tpu.all_reduce %and3A {dim = 0 : i64, kind = #tpu.reduction_kind<sum>} : vector<16xi1> -> vector<16xi32>
    %add3A_295 = arith.addi %broadcast_in_dim3A_283, %all_reduce_population_count3A : vector<16xi32>
    %ge3A_296 = arith.cmpi sge, %get3A_118, %broadcast_in_dim3A_290 : vector<16xi32>
    %add3A_297 = arith.constant 304 : i32
    %add3A_298 = vector.broadcast %add3A_297 : i32 to vector<16xi32>
    %add3A_299 = arith.addi %broadcast_in_dim3A_290, %add3A_298 : vector<16xi32>
    %lt3A_300 = arith.cmpi slt, %get3A_118, %add3A_299 : vector<16xi32>
    %and3A_301 = arith.andi %ge3A_296, %lt3A_300 : vector<16xi1>
    %all_reduce_population_count3A_302 = tpu.all_reduce %and3A_301 {dim = 0 : i64, kind = #tpu.reduction_kind<sum>} : vector<16xi1> -> vector<16xi32>
    %add3A_303 = arith.addi %add3A_295, %all_reduce_population_count3A_302 : vector<16xi32>
    %ge3A_304 = arith.cmpi sge, %get3A_142, %broadcast_in_dim3A_290 : vector<16xi32>
    %add3A_305 = arith.constant 304 : i32
    %add3A_306 = vector.broadcast %add3A_305 : i32 to vector<16xi32>
    %add3A_307 = arith.addi %broadcast_in_dim3A_290, %add3A_306 : vector<16xi32>
    %lt3A_308 = arith.cmpi slt, %get3A_142, %add3A_307 : vector<16xi32>
    %and3A_309 = arith.andi %ge3A_304, %lt3A_308 : vector<16xi1>
    %all_reduce_population_count3A_310 = tpu.all_reduce %and3A_309 {dim = 0 : i64, kind = #tpu.reduction_kind<sum>} : vector<16xi1> -> vector<16xi32>
    %add3A_311 = arith.addi %add3A_303, %all_reduce_population_count3A_310 : vector<16xi32>
    %ge3A_312 = arith.cmpi sge, %get3A_166, %broadcast_in_dim3A_290 : vector<16xi32>
    %add3A_313 = arith.constant 304 : i32
    %add3A_314 = vector.broadcast %add3A_313 : i32 to vector<16xi32>
    %add3A_315 = arith.addi %broadcast_in_dim3A_290, %add3A_314 : vector<16xi32>
    %lt3A_316 = arith.cmpi slt, %get3A_166, %add3A_315 : vector<16xi32>
    %and3A_317 = arith.andi %ge3A_312, %lt3A_316 : vector<16xi1>
    %all_reduce_population_count3A_318 = tpu.all_reduce %and3A_317 {dim = 0 : i64, kind = #tpu.reduction_kind<sum>} : vector<16xi1> -> vector<16xi32>
    %add3A_319 = arith.addi %add3A_311, %all_reduce_population_count3A_318 : vector<16xi32>
    %ge3A_320 = arith.cmpi sge, %get3A_190, %broadcast_in_dim3A_290 : vector<16xi32>
    %add3A_321 = arith.constant 304 : i32
    %add3A_322 = vector.broadcast %add3A_321 : i32 to vector<16xi32>
    %add3A_323 = arith.addi %broadcast_in_dim3A_290, %add3A_322 : vector<16xi32>
    %lt3A_324 = arith.cmpi slt, %get3A_190, %add3A_323 : vector<16xi32>
    %and3A_325 = arith.andi %ge3A_320, %lt3A_324 : vector<16xi1>
    %all_reduce_population_count3A_326 = tpu.all_reduce %and3A_325 {dim = 0 : i64, kind = #tpu.reduction_kind<sum>} : vector<16xi1> -> vector<16xi32>
    %add3A_327 = arith.addi %add3A_319, %all_reduce_population_count3A_326 : vector<16xi32>
    %ge3A_328 = arith.cmpi sge, %get3A_214, %broadcast_in_dim3A_290 : vector<16xi32>
    %add3A_329 = arith.constant 304 : i32
    %add3A_330 = vector.broadcast %add3A_329 : i32 to vector<16xi32>
    %add3A_331 = arith.addi %broadcast_in_dim3A_290, %add3A_330 : vector<16xi32>
    %lt3A_332 = arith.cmpi slt, %get3A_214, %add3A_331 : vector<16xi32>
    %and3A_333 = arith.andi %ge3A_328, %lt3A_332 : vector<16xi1>
    %all_reduce_population_count3A_334 = tpu.all_reduce %and3A_333 {dim = 0 : i64, kind = #tpu.reduction_kind<sum>} : vector<16xi1> -> vector<16xi32>
    %add3A_335 = arith.addi %add3A_327, %all_reduce_population_count3A_334 : vector<16xi32>
    %ge3A_336 = arith.cmpi sge, %get3A_238, %broadcast_in_dim3A_290 : vector<16xi32>
    %add3A_337 = arith.constant 304 : i32
    %add3A_338 = vector.broadcast %add3A_337 : i32 to vector<16xi32>
    %add3A_339 = arith.addi %broadcast_in_dim3A_290, %add3A_338 : vector<16xi32>
    %lt3A_340 = arith.cmpi slt, %get3A_238, %add3A_339 : vector<16xi32>
    %and3A_341 = arith.andi %ge3A_336, %lt3A_340 : vector<16xi1>
    %all_reduce_population_count3A_342 = tpu.all_reduce %and3A_341 {dim = 0 : i64, kind = #tpu.reduction_kind<sum>} : vector<16xi1> -> vector<16xi32>
    %add3A_343 = arith.addi %add3A_335, %all_reduce_population_count3A_342 : vector<16xi32>
    %ge3A_344 = arith.cmpi sge, %get3A_262, %broadcast_in_dim3A_290 : vector<16xi32>
    %add3A_345 = arith.constant 304 : i32
    %add3A_346 = vector.broadcast %add3A_345 : i32 to vector<16xi32>
    %add3A_347 = arith.addi %broadcast_in_dim3A_290, %add3A_346 : vector<16xi32>
    %lt3A_348 = arith.cmpi slt, %get3A_262, %add3A_347 : vector<16xi32>
    %and3A_349 = arith.andi %ge3A_344, %lt3A_348 : vector<16xi1>
    %all_reduce_population_count3A_350 = tpu.all_reduce %and3A_349 {dim = 0 : i64, kind = #tpu.reduction_kind<sum>} : vector<16xi1> -> vector<16xi32>
    %add3A_351 = arith.addi %add3A_343, %all_reduce_population_count3A_350 : vector<16xi32>
    %reduce_max3A = arith.constant true
    %reduce_max3A_352 = vector.broadcast %reduce_max3A : i1 to vector<16xi1>
    %reduce_max3A_353 = arith.constant -2147483648 : i32
    %reduce_max3A_354 = vector.broadcast %reduce_max3A_353 : i32 to vector<16xi32>
    %reduce_max3A_355 = arith.xori %add3A_351, %reduce_max3A_354 : vector<16xi32>
    %reduce_max3A_356 = tpu.scan <max>, %reduce_max3A_355 masked %reduce_max3A_352 : vector<16xi32>, vector<16xi1> -> vector<16xi32>
    %reduce_max3A_357 = arith.xori %reduce_max3A_356, %reduce_max3A_354 : vector<16xi32>
    %reduce_max3A_358 = vector.extract %reduce_max3A_357[15] : i32 from vector<16xi32>
    %gt3A = arith.constant 0 : i32
    %gt3A_359 = arith.cmpi sgt, %reduce_max3A_358, %gt3A : i32
    %convert_element_type3A = arith.extui %gt3A_359 : i1 to i32
    %cond3A = arith.constant 0 : i32
    %cond3A_360 = arith.cmpi ne, %convert_element_type3A, %cond3A : i32
    %cond3A_361:8 = scf.if %cond3A_360 -> (vector<16xi32>, vector<16xi32>, vector<16xi32>, vector<16xi32>, vector<16xi32>, vector<16xi32>, vector<16xi32>, vector<16xi32>) {
      %gt3A_739 = vector.broadcast %add3A_289 : i32 to vector<16xi32>
      %gt3A_740 = arith.cmpi sgt, %get3A_101, %gt3A_739 : vector<16xi32>
      %select_n3A_741 = arith.select %gt3A_740, %gather3A, %bitcast_convert_type3A_113 : vector<16xi1>, vector<16xf32>
      %gt3A_742 = vector.broadcast %add3A_289 : i32 to vector<16xi32>
      %gt3A_743 = arith.cmpi sgt, %get3A_118, %gt3A_742 : vector<16xi32>
      %select_n3A_744 = arith.select %gt3A_743, %gather3A_119, %bitcast_convert_type3A_137 : vector<16xi1>, vector<16xf32>
      %gt3A_745 = vector.broadcast %add3A_289 : i32 to vector<16xi32>
      %gt3A_746 = arith.cmpi sgt, %get3A_142, %gt3A_745 : vector<16xi32>
      %select_n3A_747 = arith.select %gt3A_746, %gather3A_143, %bitcast_convert_type3A_161 : vector<16xi1>, vector<16xf32>
      %gt3A_748 = vector.broadcast %add3A_289 : i32 to vector<16xi32>
      %gt3A_749 = arith.cmpi sgt, %get3A_166, %gt3A_748 : vector<16xi32>
      %select_n3A_750 = arith.select %gt3A_749, %gather3A_167, %bitcast_convert_type3A_185 : vector<16xi1>, vector<16xf32>
      %gt3A_751 = vector.broadcast %add3A_289 : i32 to vector<16xi32>
      %gt3A_752 = arith.cmpi sgt, %get3A_190, %gt3A_751 : vector<16xi32>
      %select_n3A_753 = arith.select %gt3A_752, %gather3A_191, %bitcast_convert_type3A_209 : vector<16xi1>, vector<16xf32>
      %gt3A_754 = vector.broadcast %add3A_289 : i32 to vector<16xi32>
      %gt3A_755 = arith.cmpi sgt, %get3A_214, %gt3A_754 : vector<16xi32>
      %select_n3A_756 = arith.select %gt3A_755, %gather3A_215, %bitcast_convert_type3A_233 : vector<16xi1>, vector<16xf32>
      %gt3A_757 = vector.broadcast %add3A_289 : i32 to vector<16xi32>
      %gt3A_758 = arith.cmpi sgt, %get3A_238, %gt3A_757 : vector<16xi32>
      %select_n3A_759 = arith.select %gt3A_758, %gather3A_239, %bitcast_convert_type3A_257 : vector<16xi1>, vector<16xf32>
      %gt3A_760 = vector.broadcast %add3A_289 : i32 to vector<16xi32>
      %gt3A_761 = arith.cmpi sgt, %get3A_262, %gt3A_760 : vector<16xi32>
      %select_n3A_762 = arith.select %gt3A_761, %gather3A_263, %bitcast_convert_type3A_281 : vector<16xi1>, vector<16xf32>
      %scan3A = arith.constant 0 : i32
      %scan3A_763 = arith.constant 304 : i32
      %scan3A_764 = arith.addi %scan3A, %scan3A_763 : i32
      %scan3A_765 = arith.constant 1 : i32
      %scan3A_766:16 = scf.for %scan3A_768 = %scan3A to %scan3A_764 step %scan3A_765 iter_args(%scan3A_769 = %broadcast_in_dim3A_283, %scan3A_770 = %broadcast_in_dim3A_283, %scan3A_771 = %broadcast_in_dim3A_283, %scan3A_772 = %broadcast_in_dim3A_283, %scan3A_773 = %broadcast_in_dim3A_283, %scan3A_774 = %broadcast_in_dim3A_283, %scan3A_775 = %broadcast_in_dim3A_283, %scan3A_776 = %broadcast_in_dim3A_283, %scan3A_777 = %select_n3A_741, %scan3A_778 = %select_n3A_744, %scan3A_779 = %select_n3A_747, %scan3A_780 = %select_n3A_750, %scan3A_781 = %select_n3A_753, %scan3A_782 = %select_n3A_756, %scan3A_783 = %select_n3A_759, %scan3A_784 = %select_n3A_762) -> (vector<16xi32>, vector<16xi32>, vector<16xi32>, vector<16xi32>, vector<16xi32>, vector<16xi32>, vector<16xi32>, vector<16xi32>, vector<16xf32>, vector<16xf32>, vector<16xf32>, vector<16xf32>, vector<16xf32>, vector<16xf32>, vector<16xf32>, vector<16xf32>)  : i32 {
        %broadcast_in_dim3A_785 = vector.broadcast %add3A_289 : i32 to vector<16xi32>
        %add3A_786 = vector.broadcast %scan3A_768 : i32 to vector<16xi32>
        %add3A_787 = arith.addi %broadcast_in_dim3A_785, %add3A_786 : vector<16xi32>
        %get3A_788 = arith.constant 0 : i32
        %get3A_789 = tpu.memref_slice %arg8[%scan3A_768, %get3A_788] : memref<304x128xf32, #tpu.memory_space<vmem>> -> memref<1x128xf32, #tpu.memory_space<vmem>>
        %get3A_790 = tpu.memref_squeeze %get3A_789 : memref<1x128xf32, #tpu.memory_space<vmem>> -> memref<128xf32, #tpu.memory_space<vmem>>
        %get3A_791 = arith.constant 0 : index
        %get3A_792 = tpu.vector_load %get3A_790[%get3A_791] {strides = array<i32>} : memref<128xf32, #tpu.memory_space<vmem>>, vector<16xf32>,
        %eq3A_793 = arith.cmpi eq, %add3A_787, %get3A_101 : vector<16xi32>
        %select_n3A_794 = arith.select %eq3A_793, %bitcast_convert_type3A_113, %scan3A_777 : vector<16xi1>, vector<16xf32>
        %ge3A_795 = arith.cmpf oge, %get3A_792, %select_n3A_794 : vector<16xf32>
        %convert_element_type3A_796 = arith.extui %ge3A_795 : vector<16xi1> to vector<16xi32>
        %add3A_797 = arith.addi %scan3A_769, %convert_element_type3A_796 : vector<16xi32>
        %get3A_798 = arith.constant 0 : i32
        %get3A_799 = tpu.memref_slice %arg8[%scan3A_768, %get3A_798] : memref<304x128xf32, #tpu.memory_space<vmem>> -> memref<1x128xf32, #tpu.memory_space<vmem>>
        %get3A_800 = tpu.memref_squeeze %get3A_799 : memref<1x128xf32, #tpu.memory_space<vmem>> -> memref<128xf32, #tpu.memory_space<vmem>>
        %get3A_801 = arith.constant 16 : index
        %get3A_802 = tpu.vector_load %get3A_800[%get3A_801] {strides = array<i32>} : memref<128xf32, #tpu.memory_space<vmem>>, vector<16xf32>,
        %eq3A_803 = arith.cmpi eq, %add3A_787, %get3A_118 : vector<16xi32>
        %select_n3A_804 = arith.select %eq3A_803, %bitcast_convert_type3A_137, %scan3A_778 : vector<16xi1>, vector<16xf32>
        %ge3A_805 = arith.cmpf oge, %get3A_802, %select_n3A_804 : vector<16xf32>
        %convert_element_type3A_806 = arith.extui %ge3A_805 : vector<16xi1> to vector<16xi32>
        %add3A_807 = arith.addi %scan3A_770, %convert_element_type3A_806 : vector<16xi32>
        %get3A_808 = arith.constant 0 : i32
        %get3A_809 = tpu.memref_slice %arg8[%scan3A_768, %get3A_808] : memref<304x128xf32, #tpu.memory_space<vmem>> -> memref<1x128xf32, #tpu.memory_space<vmem>>
        %get3A_810 = tpu.memref_squeeze %get3A_809 : memref<1x128xf32, #tpu.memory_space<vmem>> -> memref<128xf32, #tpu.memory_space<vmem>>
        %get3A_811 = arith.constant 32 : index
        %get3A_812 = tpu.vector_load %get3A_810[%get3A_811] {strides = array<i32>} : memref<128xf32, #tpu.memory_space<vmem>>, vector<16xf32>,
        %eq3A_813 = arith.cmpi eq, %add3A_787, %get3A_142 : vector<16xi32>
        %select_n3A_814 = arith.select %eq3A_813, %bitcast_convert_type3A_161, %scan3A_779 : vector<16xi1>, vector<16xf32>
        %ge3A_815 = arith.cmpf oge, %get3A_812, %select_n3A_814 : vector<16xf32>
        %convert_element_type3A_816 = arith.extui %ge3A_815 : vector<16xi1> to vector<16xi32>
        %add3A_817 = arith.addi %scan3A_771, %convert_element_type3A_816 : vector<16xi32>
        %get3A_818 = arith.constant 0 : i32
        %get3A_819 = tpu.memref_slice %arg8[%scan3A_768, %get3A_818] : memref<304x128xf32, #tpu.memory_space<vmem>> -> memref<1x128xf32, #tpu.memory_space<vmem>>
        %get3A_820 = tpu.memref_squeeze %get3A_819 : memref<1x128xf32, #tpu.memory_space<vmem>> -> memref<128xf32, #tpu.memory_space<vmem>>
        %get3A_821 = arith.constant 48 : index
        %get3A_822 = tpu.vector_load %get3A_820[%get3A_821] {strides = array<i32>} : memref<128xf32, #tpu.memory_space<vmem>>, vector<16xf32>,
        %eq3A_823 = arith.cmpi eq, %add3A_787, %get3A_166 : vector<16xi32>
        %select_n3A_824 = arith.select %eq3A_823, %bitcast_convert_type3A_185, %scan3A_780 : vector<16xi1>, vector<16xf32>
        %ge3A_825 = arith.cmpf oge, %get3A_822, %select_n3A_824 : vector<16xf32>
        %convert_element_type3A_826 = arith.extui %ge3A_825 : vector<16xi1> to vector<16xi32>
        %add3A_827 = arith.addi %scan3A_772, %convert_element_type3A_826 : vector<16xi32>
        %get3A_828 = arith.constant 0 : i32
        %get3A_829 = tpu.memref_slice %arg8[%scan3A_768, %get3A_828] : memref<304x128xf32, #tpu.memory_space<vmem>> -> memref<1x128xf32, #tpu.memory_space<vmem>>
        %get3A_830 = tpu.memref_squeeze %get3A_829 : memref<1x128xf32, #tpu.memory_space<vmem>> -> memref<128xf32, #tpu.memory_space<vmem>>
        %get3A_831 = arith.constant 64 : index
        %get3A_832 = tpu.vector_load %get3A_830[%get3A_831] {strides = array<i32>} : memref<128xf32, #tpu.memory_space<vmem>>, vector<16xf32>,
        %eq3A_833 = arith.cmpi eq, %add3A_787, %get3A_190 : vector<16xi32>
        %select_n3A_834 = arith.select %eq3A_833, %bitcast_convert_type3A_209, %scan3A_781 : vector<16xi1>, vector<16xf32>
        %ge3A_835 = arith.cmpf oge, %get3A_832, %select_n3A_834 : vector<16xf32>
        %convert_element_type3A_836 = arith.extui %ge3A_835 : vector<16xi1> to vector<16xi32>
        %add3A_837 = arith.addi %scan3A_773, %convert_element_type3A_836 : vector<16xi32>
        %get3A_838 = arith.constant 0 : i32
        %get3A_839 = tpu.memref_slice %arg8[%scan3A_768, %get3A_838] : memref<304x128xf32, #tpu.memory_space<vmem>> -> memref<1x128xf32, #tpu.memory_space<vmem>>
        %get3A_840 = tpu.memref_squeeze %get3A_839 : memref<1x128xf32, #tpu.memory_space<vmem>> -> memref<128xf32, #tpu.memory_space<vmem>>
        %get3A_841 = arith.constant 80 : index
        %get3A_842 = tpu.vector_load %get3A_840[%get3A_841] {strides = array<i32>} : memref<128xf32, #tpu.memory_space<vmem>>, vector<16xf32>,
        %eq3A_843 = arith.cmpi eq, %add3A_787, %get3A_214 : vector<16xi32>
        %select_n3A_844 = arith.select %eq3A_843, %bitcast_convert_type3A_233, %scan3A_782 : vector<16xi1>, vector<16xf32>
        %ge3A_845 = arith.cmpf oge, %get3A_842, %select_n3A_844 : vector<16xf32>
        %convert_element_type3A_846 = arith.extui %ge3A_845 : vector<16xi1> to vector<16xi32>
        %add3A_847 = arith.addi %scan3A_774, %convert_element_type3A_846 : vector<16xi32>
        %get3A_848 = arith.constant 0 : i32
        %get3A_849 = tpu.memref_slice %arg8[%scan3A_768, %get3A_848] : memref<304x128xf32, #tpu.memory_space<vmem>> -> memref<1x128xf32, #tpu.memory_space<vmem>>
        %get3A_850 = tpu.memref_squeeze %get3A_849 : memref<1x128xf32, #tpu.memory_space<vmem>> -> memref<128xf32, #tpu.memory_space<vmem>>
        %get3A_851 = arith.constant 96 : index
        %get3A_852 = tpu.vector_load %get3A_850[%get3A_851] {strides = array<i32>} : memref<128xf32, #tpu.memory_space<vmem>>, vector<16xf32>,
        %eq3A_853 = arith.cmpi eq, %add3A_787, %get3A_238 : vector<16xi32>
        %select_n3A_854 = arith.select %eq3A_853, %bitcast_convert_type3A_257, %scan3A_783 : vector<16xi1>, vector<16xf32>
        %ge3A_855 = arith.cmpf oge, %get3A_852, %select_n3A_854 : vector<16xf32>
        %convert_element_type3A_856 = arith.extui %ge3A_855 : vector<16xi1> to vector<16xi32>
        %add3A_857 = arith.addi %scan3A_775, %convert_element_type3A_856 : vector<16xi32>
        %get3A_858 = arith.constant 0 : i32
        %get3A_859 = tpu.memref_slice %arg8[%scan3A_768, %get3A_858] : memref<304x128xf32, #tpu.memory_space<vmem>> -> memref<1x128xf32, #tpu.memory_space<vmem>>
        %get3A_860 = tpu.memref_squeeze %get3A_859 : memref<1x128xf32, #tpu.memory_space<vmem>> -> memref<128xf32, #tpu.memory_space<vmem>>
        %get3A_861 = arith.constant 112 : index
        %get3A_862 = tpu.vector_load %get3A_860[%get3A_861] {strides = array<i32>} : memref<128xf32, #tpu.memory_space<vmem>>, vector<16xf32>,
        %eq3A_863 = arith.cmpi eq, %add3A_787, %get3A_262 : vector<16xi32>
        %select_n3A_864 = arith.select %eq3A_863, %bitcast_convert_type3A_281, %scan3A_784 : vector<16xi1>, vector<16xf32>
        %ge3A_865 = arith.cmpf oge, %get3A_862, %select_n3A_864 : vector<16xf32>
        %convert_element_type3A_866 = arith.extui %ge3A_865 : vector<16xi1> to vector<16xi32>
        %add3A_867 = arith.addi %scan3A_776, %convert_element_type3A_866 : vector<16xi32>
        scf.yield %add3A_797, %add3A_807, %add3A_817, %add3A_827, %add3A_837, %add3A_847, %add3A_857, %add3A_867, %select_n3A_794, %select_n3A_804, %select_n3A_814, %select_n3A_824, %select_n3A_834, %select_n3A_844, %select_n3A_854, %select_n3A_864 : vector<16xi32>, vector<16xi32>, vector<16xi32>, vector<16xi32>, vector<16xi32>, vector<16xi32>, vector<16xi32>, vector<16xi32>, vector<16xf32>, vector<16xf32>, vector<16xf32>, vector<16xf32>, vector<16xf32>, vector<16xf32>, vector<16xf32>, vector<16xf32>
      }
      %scan3A_767 = arith.constant 304 : i32
      scf.yield %scan3A_766#0, %scan3A_766#1, %scan3A_766#2, %scan3A_766#3, %scan3A_766#4, %scan3A_766#5, %scan3A_766#6, %scan3A_766#7 : vector<16xi32>, vector<16xi32>, vector<16xi32>, vector<16xi32>, vector<16xi32>, vector<16xi32>, vector<16xi32>, vector<16xi32>
    } else {
      %add3A_739 = arith.constant 304 : i32
      %add3A_740 = arith.addi %add3A_289, %add3A_739 : i32
      %ge3A_741 = vector.broadcast %add3A_740 : i32 to vector<16xi32>
      %ge3A_742 = arith.cmpi sge, %get3A_101, %ge3A_741 : vector<16xi32>
      %select_n3A_743 = arith.select %ge3A_742, %gather3A, %bitcast_convert_type3A_113 : vector<16xi1>, vector<16xf32>
      %add3A_744 = arith.constant 304 : i32
      %add3A_745 = arith.addi %add3A_289, %add3A_744 : i32
      %ge3A_746 = vector.broadcast %add3A_745 : i32 to vector<16xi32>
      %ge3A_747 = arith.cmpi sge, %get3A_118, %ge3A_746 : vector<16xi32>
      %select_n3A_748 = arith.select %ge3A_747, %gather3A_119, %bitcast_convert_type3A_137 : vector<16xi1>, vector<16xf32>
      %add3A_749 = arith.constant 304 : i32
      %add3A_750 = arith.addi %add3A_289, %add3A_749 : i32
      %ge3A_751 = vector.broadcast %add3A_750 : i32 to vector<16xi32>
      %ge3A_752 = arith.cmpi sge, %get3A_142, %ge3A_751 : vector<16xi32>
      %select_n3A_753 = arith.select %ge3A_752, %gather3A_143, %bitcast_convert_type3A_161 : vector<16xi1>, vector<16xf32>
      %add3A_754 = arith.constant 304 : i32
      %add3A_755 = arith.addi %add3A_289, %add3A_754 : i32
      %ge3A_756 = vector.broadcast %add3A_755 : i32 to vector<16xi32>
      %ge3A_757 = arith.cmpi sge, %get3A_166, %ge3A_756 : vector<16xi32>
      %select_n3A_758 = arith.select %ge3A_757, %gather3A_167, %bitcast_convert_type3A_185 : vector<16xi1>, vector<16xf32>
      %add3A_759 = arith.constant 304 : i32
      %add3A_760 = arith.addi %add3A_289, %add3A_759 : i32
      %ge3A_761 = vector.broadcast %add3A_760 : i32 to vector<16xi32>
      %ge3A_762 = arith.cmpi sge, %get3A_190, %ge3A_761 : vector<16xi32>
      %select_n3A_763 = arith.select %ge3A_762, %gather3A_191, %bitcast_convert_type3A_209 : vector<16xi1>, vector<16xf32>
      %add3A_764 = arith.constant 304 : i32
      %add3A_765 = arith.addi %add3A_289, %add3A_764 : i32
      %ge3A_766 = vector.broadcast %add3A_765 : i32 to vector<16xi32>
      %ge3A_767 = arith.cmpi sge, %get3A_214, %ge3A_766 : vector<16xi32>
      %select_n3A_768 = arith.select %ge3A_767, %gather3A_215, %bitcast_convert_type3A_233 : vector<16xi1>, vector<16xf32>
      %add3A_769 = arith.constant 304 : i32
      %add3A_770 = arith.addi %add3A_289, %add3A_769 : i32
      %ge3A_771 = vector.broadcast %add3A_770 : i32 to vector<16xi32>
      %ge3A_772 = arith.cmpi sge, %get3A_238, %ge3A_771 : vector<16xi32>
      %select_n3A_773 = arith.select %ge3A_772, %gather3A_239, %bitcast_convert_type3A_257 : vector<16xi1>, vector<16xf32>
      %add3A_774 = arith.constant 304 : i32
      %add3A_775 = arith.addi %add3A_289, %add3A_774 : i32
      %ge3A_776 = vector.broadcast %add3A_775 : i32 to vector<16xi32>
      %ge3A_777 = arith.cmpi sge, %get3A_262, %ge3A_776 : vector<16xi32>
      %select_n3A_778 = arith.select %ge3A_777, %gather3A_263, %bitcast_convert_type3A_281 : vector<16xi1>, vector<16xf32>
      %scan3A = arith.constant 0 : i32
      %scan3A_779 = arith.constant 304 : i32
      %scan3A_780 = arith.addi %scan3A, %scan3A_779 : i32
      %scan3A_781 = arith.constant 1 : i32
      %scan3A_782:8 = scf.for %scan3A_784 = %scan3A to %scan3A_780 step %scan3A_781 iter_args(%scan3A_785 = %broadcast_in_dim3A_283, %scan3A_786 = %broadcast_in_dim3A_283, %scan3A_787 = %broadcast_in_dim3A_283, %scan3A_788 = %broadcast_in_dim3A_283, %scan3A_789 = %broadcast_in_dim3A_283, %scan3A_790 = %broadcast_in_dim3A_283, %scan3A_791 = %broadcast_in_dim3A_283, %scan3A_792 = %broadcast_in_dim3A_283) -> (vector<16xi32>, vector<16xi32>, vector<16xi32>, vector<16xi32>, vector<16xi32>, vector<16xi32>, vector<16xi32>, vector<16xi32>)  : i32 {
        %get3A_793 = arith.constant 0 : i32
        %get3A_794 = tpu.memref_slice %arg8[%scan3A_784, %get3A_793] : memref<304x128xf32, #tpu.memory_space<vmem>> -> memref<1x128xf32, #tpu.memory_space<vmem>>
        %get3A_795 = tpu.memref_squeeze %get3A_794 : memref<1x128xf32, #tpu.memory_space<vmem>> -> memref<128xf32, #tpu.memory_space<vmem>>
        %get3A_796 = arith.constant 0 : index
        %get3A_797 = tpu.vector_load %get3A_795[%get3A_796] {strides = array<i32>} : memref<128xf32, #tpu.memory_space<vmem>>, vector<16xf32>,
        %ge3A_798 = arith.cmpf oge, %get3A_797, %select_n3A_743 : vector<16xf32>
        %convert_element_type3A_799 = arith.extui %ge3A_798 : vector<16xi1> to vector<16xi32>
        %add3A_800 = arith.addi %scan3A_785, %convert_element_type3A_799 : vector<16xi32>
        %get3A_801 = arith.constant 0 : i32
        %get3A_802 = tpu.memref_slice %arg8[%scan3A_784, %get3A_801] : memref<304x128xf32, #tpu.memory_space<vmem>> -> memref<1x128xf32, #tpu.memory_space<vmem>>
        %get3A_803 = tpu.memref_squeeze %get3A_802 : memref<1x128xf32, #tpu.memory_space<vmem>> -> memref<128xf32, #tpu.memory_space<vmem>>
        %get3A_804 = arith.constant 16 : index
        %get3A_805 = tpu.vector_load %get3A_803[%get3A_804] {strides = array<i32>} : memref<128xf32, #tpu.memory_space<vmem>>, vector<16xf32>,
        %ge3A_806 = arith.cmpf oge, %get3A_805, %select_n3A_748 : vector<16xf32>
        %convert_element_type3A_807 = arith.extui %ge3A_806 : vector<16xi1> to vector<16xi32>
        %add3A_808 = arith.addi %scan3A_786, %convert_element_type3A_807 : vector<16xi32>
        %get3A_809 = arith.constant 0 : i32
        %get3A_810 = tpu.memref_slice %arg8[%scan3A_784, %get3A_809] : memref<304x128xf32, #tpu.memory_space<vmem>> -> memref<1x128xf32, #tpu.memory_space<vmem>>
        %get3A_811 = tpu.memref_squeeze %get3A_810 : memref<1x128xf32, #tpu.memory_space<vmem>> -> memref<128xf32, #tpu.memory_space<vmem>>
        %get3A_812 = arith.constant 32 : index
        %get3A_813 = tpu.vector_load %get3A_811[%get3A_812] {strides = array<i32>} : memref<128xf32, #tpu.memory_space<vmem>>, vector<16xf32>,
        %ge3A_814 = arith.cmpf oge, %get3A_813, %select_n3A_753 : vector<16xf32>
        %convert_element_type3A_815 = arith.extui %ge3A_814 : vector<16xi1> to vector<16xi32>
        %add3A_816 = arith.addi %scan3A_787, %convert_element_type3A_815 : vector<16xi32>
        %get3A_817 = arith.constant 0 : i32
        %get3A_818 = tpu.memref_slice %arg8[%scan3A_784, %get3A_817] : memref<304x128xf32, #tpu.memory_space<vmem>> -> memref<1x128xf32, #tpu.memory_space<vmem>>
        %get3A_819 = tpu.memref_squeeze %get3A_818 : memref<1x128xf32, #tpu.memory_space<vmem>> -> memref<128xf32, #tpu.memory_space<vmem>>
        %get3A_820 = arith.constant 48 : index
        %get3A_821 = tpu.vector_load %get3A_819[%get3A_820] {strides = array<i32>} : memref<128xf32, #tpu.memory_space<vmem>>, vector<16xf32>,
        %ge3A_822 = arith.cmpf oge, %get3A_821, %select_n3A_758 : vector<16xf32>
        %convert_element_type3A_823 = arith.extui %ge3A_822 : vector<16xi1> to vector<16xi32>
        %add3A_824 = arith.addi %scan3A_788, %convert_element_type3A_823 : vector<16xi32>
        %get3A_825 = arith.constant 0 : i32
        %get3A_826 = tpu.memref_slice %arg8[%scan3A_784, %get3A_825] : memref<304x128xf32, #tpu.memory_space<vmem>> -> memref<1x128xf32, #tpu.memory_space<vmem>>
        %get3A_827 = tpu.memref_squeeze %get3A_826 : memref<1x128xf32, #tpu.memory_space<vmem>> -> memref<128xf32, #tpu.memory_space<vmem>>
        %get3A_828 = arith.constant 64 : index
        %get3A_829 = tpu.vector_load %get3A_827[%get3A_828] {strides = array<i32>} : memref<128xf32, #tpu.memory_space<vmem>>, vector<16xf32>,
        %ge3A_830 = arith.cmpf oge, %get3A_829, %select_n3A_763 : vector<16xf32>
        %convert_element_type3A_831 = arith.extui %ge3A_830 : vector<16xi1> to vector<16xi32>
        %add3A_832 = arith.addi %scan3A_789, %convert_element_type3A_831 : vector<16xi32>
        %get3A_833 = arith.constant 0 : i32
        %get3A_834 = tpu.memref_slice %arg8[%scan3A_784, %get3A_833] : memref<304x128xf32, #tpu.memory_space<vmem>> -> memref<1x128xf32, #tpu.memory_space<vmem>>
        %get3A_835 = tpu.memref_squeeze %get3A_834 : memref<1x128xf32, #tpu.memory_space<vmem>> -> memref<128xf32, #tpu.memory_space<vmem>>
        %get3A_836 = arith.constant 80 : index
        %get3A_837 = tpu.vector_load %get3A_835[%get3A_836] {strides = array<i32>} : memref<128xf32, #tpu.memory_space<vmem>>, vector<16xf32>,
        %ge3A_838 = arith.cmpf oge, %get3A_837, %select_n3A_768 : vector<16xf32>
        %convert_element_type3A_839 = arith.extui %ge3A_838 : vector<16xi1> to vector<16xi32>
        %add3A_840 = arith.addi %scan3A_790, %convert_element_type3A_839 : vector<16xi32>
        %get3A_841 = arith.constant 0 : i32
        %get3A_842 = tpu.memref_slice %arg8[%scan3A_784, %get3A_841] : memref<304x128xf32, #tpu.memory_space<vmem>> -> memref<1x128xf32, #tpu.memory_space<vmem>>
        %get3A_843 = tpu.memref_squeeze %get3A_842 : memref<1x128xf32, #tpu.memory_space<vmem>> -> memref<128xf32, #tpu.memory_space<vmem>>
        %get3A_844 = arith.constant 96 : index
        %get3A_845 = tpu.vector_load %get3A_843[%get3A_844] {strides = array<i32>} : memref<128xf32, #tpu.memory_space<vmem>>, vector<16xf32>,
        %ge3A_846 = arith.cmpf oge, %get3A_845, %select_n3A_773 : vector<16xf32>
        %convert_element_type3A_847 = arith.extui %ge3A_846 : vector<16xi1> to vector<16xi32>
        %add3A_848 = arith.addi %scan3A_791, %convert_element_type3A_847 : vector<16xi32>
        %get3A_849 = arith.constant 0 : i32
        %get3A_850 = tpu.memref_slice %arg8[%scan3A_784, %get3A_849] : memref<304x128xf32, #tpu.memory_space<vmem>> -> memref<1x128xf32, #tpu.memory_space<vmem>>
        %get3A_851 = tpu.memref_squeeze %get3A_850 : memref<1x128xf32, #tpu.memory_space<vmem>> -> memref<128xf32, #tpu.memory_space<vmem>>
        %get3A_852 = arith.constant 112 : index
        %get3A_853 = tpu.vector_load %get3A_851[%get3A_852] {strides = array<i32>} : memref<128xf32, #tpu.memory_space<vmem>>, vector<16xf32>,
        %ge3A_854 = arith.cmpf oge, %get3A_853, %select_n3A_778 : vector<16xf32>
        %convert_element_type3A_855 = arith.extui %ge3A_854 : vector<16xi1> to vector<16xi32>
        %add3A_856 = arith.addi %scan3A_792, %convert_element_type3A_855 : vector<16xi32>
        scf.yield %add3A_800, %add3A_808, %add3A_816, %add3A_824, %add3A_832, %add3A_840, %add3A_848, %add3A_856 : vector<16xi32>, vector<16xi32>, vector<16xi32>, vector<16xi32>, vector<16xi32>, vector<16xi32>, vector<16xi32>, vector<16xi32>
      }
      %scan3A_783 = arith.constant 304 : i32
      scf.yield %scan3A_782#0, %scan3A_782#1, %scan3A_782#2, %scan3A_782#3, %scan3A_782#4, %scan3A_782#5, %scan3A_782#6, %scan3A_782#7 : vector<16xi32>, vector<16xi32>, vector<16xi32>, vector<16xi32>, vector<16xi32>, vector<16xi32>, vector<16xi32>, vector<16xi32>
    }
    %add3A_362 = arith.constant 608 : i32
    %add3A_363 = arith.addi %add3A_4, %add3A_362 : i32
    %multiple_of3A_364 = tpu.assume_multiple %add3A_363, 8 : i32
    %dma_start3A_365 = arith.constant 0 : i32
    %dma_start3A_366 = tpu.memref_slice %arg2[%multiple_of3A_364, %dma_start3A_365] : memref<100000x128xf32, #tpu.memory_space<hbm>> -> memref<304x128xf32, #tpu.memory_space<hbm>>
    %dma_start3A_367 = arith.constant 0 : i32
    %dma_start3A_368 = tpu.memref_slice %arg2[%multiple_of3A_364, %dma_start3A_367] : memref<100000x128xf32, #tpu.memory_space<hbm>> -> memref<304x128xf32, #tpu.memory_space<hbm>>
    tpu.enqueue_dma source(%dma_start3A_368 : memref<304x128xf32, #tpu.memory_space<hbm>>) target(%arg8 : memref<304x128xf32, #tpu.memory_space<vmem>>) target_semaphore(%arg11 : memref<!tpu.dma_semaphore, #tpu.memory_space<semaphore_mem>>)
    %dma_wait3A_369 = arith.constant 0 : i32
    %dma_wait3A_370 = tpu.memref_slice %arg2[%multiple_of3A_12, %dma_wait3A_369] : memref<100000x128xf32, #tpu.memory_space<hbm>> -> memref<304x128xf32, #tpu.memory_space<hbm>>
    %dma_wait3A_371 = arith.constant 0 : i32
    %dma_wait3A_372 = tpu.memref_slice %arg2[%multiple_of3A_12, %dma_wait3A_371] : memref<100000x128xf32, #tpu.memory_space<hbm>> -> memref<304x128xf32, #tpu.memory_space<hbm>>
    tpu.wait_dma2 semaphore(%arg12 : memref<!tpu.dma_semaphore, #tpu.memory_space<semaphore_mem>>) src(%dma_wait3A_372 : memref<304x128xf32, #tpu.memory_space<hbm>>) dst(%arg9 : memref<304x128xf32, #tpu.memory_space<vmem>>)
    %add3A_373 = arith.constant 304 : i32
    %add3A_374 = arith.addi %add3A_4, %add3A_373 : i32
    %broadcast_in_dim3A_375 = vector.broadcast %add3A_374 : i32 to vector<16xi32>
    %ge3A_376 = arith.cmpi sge, %get3A_101, %broadcast_in_dim3A_375 : vector<16xi32>
    %add3A_377 = arith.constant 304 : i32
    %add3A_378 = vector.broadcast %add3A_377 : i32 to vector<16xi32>
    %add3A_379 = arith.addi %broadcast_in_dim3A_375, %add3A_378 : vector<16xi32>
    %lt3A_380 = arith.cmpi slt, %get3A_101, %add3A_379 : vector<16xi32>
    %and3A_381 = arith.andi %ge3A_376, %lt3A_380 : vector<16xi1>
    %all_reduce_population_count3A_382 = tpu.all_reduce %and3A_381 {dim = 0 : i64, kind = #tpu.reduction_kind<sum>} : vector<16xi1> -> vector<16xi32>
    %add3A_383 = arith.addi %broadcast_in_dim3A_283, %all_reduce_population_count3A_382 : vector<16xi32>
    %ge3A_384 = arith.cmpi sge, %get3A_118, %broadcast_in_dim3A_375 : vector<16xi32>
    %add3A_385 = arith.constant 304 : i32
    %add3A_386 = vector.broadcast %add3A_385 : i32 to vector<16xi32>
    %add3A_387 = arith.addi %broadcast_in_dim3A_375, %add3A_386 : vector<16xi32>
    %lt3A_388 = arith.cmpi slt, %get3A_118, %add3A_387 : vector<16xi32>
    %and3A_389 = arith.andi %ge3A_384, %lt3A_388 : vector<16xi1>
    %all_reduce_population_count3A_390 = tpu.all_reduce %and3A_389 {dim = 0 : i64, kind = #tpu.reduction_kind<sum>} : vector<16xi1> -> vector<16xi32>
    %add3A_391 = arith.addi %add3A_383, %all_reduce_population_count3A_390 : vector<16xi32>
    %ge3A_392 = arith.cmpi sge, %get3A_142, %broadcast_in_dim3A_375 : vector<16xi32>
    %add3A_393 = arith.constant 304 : i32
    %add3A_394 = vector.broadcast %add3A_393 : i32 to vector<16xi32>
    %add3A_395 = arith.addi %broadcast_in_dim3A_375, %add3A_394 : vector<16xi32>
    %lt3A_396 = arith.cmpi slt, %get3A_142, %add3A_395 : vector<16xi32>
    %and3A_397 = arith.andi %ge3A_392, %lt3A_396 : vector<16xi1>
    %all_reduce_population_count3A_398 = tpu.all_reduce %and3A_397 {dim = 0 : i64, kind = #tpu.reduction_kind<sum>} : vector<16xi1> -> vector<16xi32>
    %add3A_399 = arith.addi %add3A_391, %all_reduce_population_count3A_398 : vector<16xi32>
    %ge3A_400 = arith.cmpi sge, %get3A_166, %broadcast_in_dim3A_375 : vector<16xi32>
    %add3A_401 = arith.constant 304 : i32
    %add3A_402 = vector.broadcast %add3A_401 : i32 to vector<16xi32>
    %add3A_403 = arith.addi %broadcast_in_dim3A_375, %add3A_402 : vector<16xi32>
    %lt3A_404 = arith.cmpi slt, %get3A_166, %add3A_403 : vector<16xi32>
    %and3A_405 = arith.andi %ge3A_400, %lt3A_404 : vector<16xi1>
    %all_reduce_population_count3A_406 = tpu.all_reduce %and3A_405 {dim = 0 : i64, kind = #tpu.reduction_kind<sum>} : vector<16xi1> -> vector<16xi32>
    %add3A_407 = arith.addi %add3A_399, %all_reduce_population_count3A_406 : vector<16xi32>
    %ge3A_408 = arith.cmpi sge, %get3A_190, %broadcast_in_dim3A_375 : vector<16xi32>
    %add3A_409 = arith.constant 304 : i32
    %add3A_410 = vector.broadcast %add3A_409 : i32 to vector<16xi32>
    %add3A_411 = arith.addi %broadcast_in_dim3A_375, %add3A_410 : vector<16xi32>
    %lt3A_412 = arith.cmpi slt, %get3A_190, %add3A_411 : vector<16xi32>
    %and3A_413 = arith.andi %ge3A_408, %lt3A_412 : vector<16xi1>
    %all_reduce_population_count3A_414 = tpu.all_reduce %and3A_413 {dim = 0 : i64, kind = #tpu.reduction_kind<sum>} : vector<16xi1> -> vector<16xi32>
    %add3A_415 = arith.addi %add3A_407, %all_reduce_population_count3A_414 : vector<16xi32>
    %ge3A_416 = arith.cmpi sge, %get3A_214, %broadcast_in_dim3A_375 : vector<16xi32>
    %add3A_417 = arith.constant 304 : i32
    %add3A_418 = vector.broadcast %add3A_417 : i32 to vector<16xi32>
    %add3A_419 = arith.addi %broadcast_in_dim3A_375, %add3A_418 : vector<16xi32>
    %lt3A_420 = arith.cmpi slt, %get3A_214, %add3A_419 : vector<16xi32>
    %and3A_421 = arith.andi %ge3A_416, %lt3A_420 : vector<16xi1>
    %all_reduce_population_count3A_422 = tpu.all_reduce %and3A_421 {dim = 0 : i64, kind = #tpu.reduction_kind<sum>} : vector<16xi1> -> vector<16xi32>
    %add3A_423 = arith.addi %add3A_415, %all_reduce_population_count3A_422 : vector<16xi32>
    %ge3A_424 = arith.cmpi sge, %get3A_238, %broadcast_in_dim3A_375 : vector<16xi32>
    %add3A_425 = arith.constant 304 : i32
    %add3A_426 = vector.broadcast %add3A_425 : i32 to vector<16xi32>
    %add3A_427 = arith.addi %broadcast_in_dim3A_375, %add3A_426 : vector<16xi32>
    %lt3A_428 = arith.cmpi slt, %get3A_238, %add3A_427 : vector<16xi32>
    %and3A_429 = arith.andi %ge3A_424, %lt3A_428 : vector<16xi1>
    %all_reduce_population_count3A_430 = tpu.all_reduce %and3A_429 {dim = 0 : i64, kind = #tpu.reduction_kind<sum>} : vector<16xi1> -> vector<16xi32>
    %add3A_431 = arith.addi %add3A_423, %all_reduce_population_count3A_430 : vector<16xi32>
    %ge3A_432 = arith.cmpi sge, %get3A_262, %broadcast_in_dim3A_375 : vector<16xi32>
    %add3A_433 = arith.constant 304 : i32
    %add3A_434 = vector.broadcast %add3A_433 : i32 to vector<16xi32>
    %add3A_435 = arith.addi %broadcast_in_dim3A_375, %add3A_434 : vector<16xi32>
    %lt3A_436 = arith.cmpi slt, %get3A_262, %add3A_435 : vector<16xi32>
    %and3A_437 = arith.andi %ge3A_432, %lt3A_436 : vector<16xi1>
    %all_reduce_population_count3A_438 = tpu.all_reduce %and3A_437 {dim = 0 : i64, kind = #tpu.reduction_kind<sum>} : vector<16xi1> -> vector<16xi32>
    %add3A_439 = arith.addi %add3A_431, %all_reduce_population_count3A_438 : vector<16xi32>
    %reduce_max3A_440 = arith.constant true
    %reduce_max3A_441 = vector.broadcast %reduce_max3A_440 : i1 to vector<16xi1>
    %reduce_max3A_442 = arith.constant -2147483648 : i32
    %reduce_max3A_443 = vector.broadcast %reduce_max3A_442 : i32 to vector<16xi32>
    %reduce_max3A_444 = arith.xori %add3A_439, %reduce_max3A_443 : vector<16xi32>
    %reduce_max3A_445 = tpu.scan <max>, %reduce_max3A_444 masked %reduce_max3A_441 : vector<16xi32>, vector<16xi1> -> vector<16xi32>
    %reduce_max3A_446 = arith.xori %reduce_max3A_445, %reduce_max3A_443 : vector<16xi32>
    %reduce_max3A_447 = vector.extract %reduce_max3A_446[15] : i32 from vector<16xi32>
    %gt3A_448 = arith.constant 0 : i32
    %gt3A_449 = arith.cmpi sgt, %reduce_max3A_447, %gt3A_448 : i32
    %convert_element_type3A_450 = arith.extui %gt3A_449 : i1 to i32
    %cond3A_451 = arith.constant 0 : i32
    %cond3A_452 = arith.cmpi ne, %convert_element_type3A_450, %cond3A_451 : i32
    %cond3A_453:8 = scf.if %cond3A_452 -> (vector<16xi32>, vector<16xi32>, vector<16xi32>, vector<16xi32>, vector<16xi32>, vector<16xi32>, vector<16xi32>, vector<16xi32>) {
      %gt3A_739 = vector.broadcast %add3A_374 : i32 to vector<16xi32>
      %gt3A_740 = arith.cmpi sgt, %get3A_101, %gt3A_739 : vector<16xi32>
      %select_n3A_741 = arith.select %gt3A_740, %gather3A, %bitcast_convert_type3A_113 : vector<16xi1>, vector<16xf32>
      %gt3A_742 = vector.broadcast %add3A_374 : i32 to vector<16xi32>
      %gt3A_743 = arith.cmpi sgt, %get3A_118, %gt3A_742 : vector<16xi32>
      %select_n3A_744 = arith.select %gt3A_743, %gather3A_119, %bitcast_convert_type3A_137 : vector<16xi1>, vector<16xf32>
      %gt3A_745 = vector.broadcast %add3A_374 : i32 to vector<16xi32>
      %gt3A_746 = arith.cmpi sgt, %get3A_142, %gt3A_745 : vector<16xi32>
      %select_n3A_747 = arith.select %gt3A_746, %gather3A_143, %bitcast_convert_type3A_161 : vector<16xi1>, vector<16xf32>
      %gt3A_748 = vector.broadcast %add3A_374 : i32 to vector<16xi32>
      %gt3A_749 = arith.cmpi sgt, %get3A_166, %gt3A_748 : vector<16xi32>
      %select_n3A_750 = arith.select %gt3A_749, %gather3A_167, %bitcast_convert_type3A_185 : vector<16xi1>, vector<16xf32>
      %gt3A_751 = vector.broadcast %add3A_374 : i32 to vector<16xi32>
      %gt3A_752 = arith.cmpi sgt, %get3A_190, %gt3A_751 : vector<16xi32>
      %select_n3A_753 = arith.select %gt3A_752, %gather3A_191, %bitcast_convert_type3A_209 : vector<16xi1>, vector<16xf32>
      %gt3A_754 = vector.broadcast %add3A_374 : i32 to vector<16xi32>
      %gt3A_755 = arith.cmpi sgt, %get3A_214, %gt3A_754 : vector<16xi32>
      %select_n3A_756 = arith.select %gt3A_755, %gather3A_215, %bitcast_convert_type3A_233 : vector<16xi1>, vector<16xf32>
      %gt3A_757 = vector.broadcast %add3A_374 : i32 to vector<16xi32>
      %gt3A_758 = arith.cmpi sgt, %get3A_238, %gt3A_757 : vector<16xi32>
      %select_n3A_759 = arith.select %gt3A_758, %gather3A_239, %bitcast_convert_type3A_257 : vector<16xi1>, vector<16xf32>
      %gt3A_760 = vector.broadcast %add3A_374 : i32 to vector<16xi32>
      %gt3A_761 = arith.cmpi sgt, %get3A_262, %gt3A_760 : vector<16xi32>
      %select_n3A_762 = arith.select %gt3A_761, %gather3A_263, %bitcast_convert_type3A_281 : vector<16xi1>, vector<16xf32>
      %scan3A = arith.constant 0 : i32
      %scan3A_763 = arith.constant 304 : i32
      %scan3A_764 = arith.addi %scan3A, %scan3A_763 : i32
      %scan3A_765 = arith.constant 1 : i32
      %scan3A_766:16 = scf.for %scan3A_768 = %scan3A to %scan3A_764 step %scan3A_765 iter_args(%scan3A_769 = %cond3A_361#0, %scan3A_770 = %cond3A_361#1, %scan3A_771 = %cond3A_361#2, %scan3A_772 = %cond3A_361#3, %scan3A_773 = %cond3A_361#4, %scan3A_774 = %cond3A_361#5, %scan3A_775 = %cond3A_361#6, %scan3A_776 = %cond3A_361#7, %scan3A_777 = %select_n3A_741, %scan3A_778 = %select_n3A_744, %scan3A_779 = %select_n3A_747, %scan3A_780 = %select_n3A_750, %scan3A_781 = %select_n3A_753, %scan3A_782 = %select_n3A_756, %scan3A_783 = %select_n3A_759, %scan3A_784 = %select_n3A_762) -> (vector<16xi32>, vector<16xi32>, vector<16xi32>, vector<16xi32>, vector<16xi32>, vector<16xi32>, vector<16xi32>, vector<16xi32>, vector<16xf32>, vector<16xf32>, vector<16xf32>, vector<16xf32>, vector<16xf32>, vector<16xf32>, vector<16xf32>, vector<16xf32>)  : i32 {
        %broadcast_in_dim3A_785 = vector.broadcast %add3A_374 : i32 to vector<16xi32>
        %add3A_786 = vector.broadcast %scan3A_768 : i32 to vector<16xi32>
        %add3A_787 = arith.addi %broadcast_in_dim3A_785, %add3A_786 : vector<16xi32>
        %get3A_788 = arith.constant 0 : i32
        %get3A_789 = tpu.memref_slice %arg9[%scan3A_768, %get3A_788] : memref<304x128xf32, #tpu.memory_space<vmem>> -> memref<1x128xf32, #tpu.memory_space<vmem>>
        %get3A_790 = tpu.memref_squeeze %get3A_789 : memref<1x128xf32, #tpu.memory_space<vmem>> -> memref<128xf32, #tpu.memory_space<vmem>>
        %get3A_791 = arith.constant 0 : index
        %get3A_792 = tpu.vector_load %get3A_790[%get3A_791] {strides = array<i32>} : memref<128xf32, #tpu.memory_space<vmem>>, vector<16xf32>,
        %eq3A_793 = arith.cmpi eq, %add3A_787, %get3A_101 : vector<16xi32>
        %select_n3A_794 = arith.select %eq3A_793, %bitcast_convert_type3A_113, %scan3A_777 : vector<16xi1>, vector<16xf32>
        %ge3A_795 = arith.cmpf oge, %get3A_792, %select_n3A_794 : vector<16xf32>
        %convert_element_type3A_796 = arith.extui %ge3A_795 : vector<16xi1> to vector<16xi32>
        %add3A_797 = arith.addi %scan3A_769, %convert_element_type3A_796 : vector<16xi32>
        %get3A_798 = arith.constant 0 : i32
        %get3A_799 = tpu.memref_slice %arg9[%scan3A_768, %get3A_798] : memref<304x128xf32, #tpu.memory_space<vmem>> -> memref<1x128xf32, #tpu.memory_space<vmem>>
        %get3A_800 = tpu.memref_squeeze %get3A_799 : memref<1x128xf32, #tpu.memory_space<vmem>> -> memref<128xf32, #tpu.memory_space<vmem>>
        %get3A_801 = arith.constant 16 : index
        %get3A_802 = tpu.vector_load %get3A_800[%get3A_801] {strides = array<i32>} : memref<128xf32, #tpu.memory_space<vmem>>, vector<16xf32>,
        %eq3A_803 = arith.cmpi eq, %add3A_787, %get3A_118 : vector<16xi32>
        %select_n3A_804 = arith.select %eq3A_803, %bitcast_convert_type3A_137, %scan3A_778 : vector<16xi1>, vector<16xf32>
        %ge3A_805 = arith.cmpf oge, %get3A_802, %select_n3A_804 : vector<16xf32>
        %convert_element_type3A_806 = arith.extui %ge3A_805 : vector<16xi1> to vector<16xi32>
        %add3A_807 = arith.addi %scan3A_770, %convert_element_type3A_806 : vector<16xi32>
        %get3A_808 = arith.constant 0 : i32
        %get3A_809 = tpu.memref_slice %arg9[%scan3A_768, %get3A_808] : memref<304x128xf32, #tpu.memory_space<vmem>> -> memref<1x128xf32, #tpu.memory_space<vmem>>
        %get3A_810 = tpu.memref_squeeze %get3A_809 : memref<1x128xf32, #tpu.memory_space<vmem>> -> memref<128xf32, #tpu.memory_space<vmem>>
        %get3A_811 = arith.constant 32 : index
        %get3A_812 = tpu.vector_load %get3A_810[%get3A_811] {strides = array<i32>} : memref<128xf32, #tpu.memory_space<vmem>>, vector<16xf32>,
        %eq3A_813 = arith.cmpi eq, %add3A_787, %get3A_142 : vector<16xi32>
        %select_n3A_814 = arith.select %eq3A_813, %bitcast_convert_type3A_161, %scan3A_779 : vector<16xi1>, vector<16xf32>
        %ge3A_815 = arith.cmpf oge, %get3A_812, %select_n3A_814 : vector<16xf32>
        %convert_element_type3A_816 = arith.extui %ge3A_815 : vector<16xi1> to vector<16xi32>
        %add3A_817 = arith.addi %scan3A_771, %convert_element_type3A_816 : vector<16xi32>
        %get3A_818 = arith.constant 0 : i32
        %get3A_819 = tpu.memref_slice %arg9[%scan3A_768, %get3A_818] : memref<304x128xf32, #tpu.memory_space<vmem>> -> memref<1x128xf32, #tpu.memory_space<vmem>>
        %get3A_820 = tpu.memref_squeeze %get3A_819 : memref<1x128xf32, #tpu.memory_space<vmem>> -> memref<128xf32, #tpu.memory_space<vmem>>
        %get3A_821 = arith.constant 48 : index
        %get3A_822 = tpu.vector_load %get3A_820[%get3A_821] {strides = array<i32>} : memref<128xf32, #tpu.memory_space<vmem>>, vector<16xf32>,
        %eq3A_823 = arith.cmpi eq, %add3A_787, %get3A_166 : vector<16xi32>
        %select_n3A_824 = arith.select %eq3A_823, %bitcast_convert_type3A_185, %scan3A_780 : vector<16xi1>, vector<16xf32>
        %ge3A_825 = arith.cmpf oge, %get3A_822, %select_n3A_824 : vector<16xf32>
        %convert_element_type3A_826 = arith.extui %ge3A_825 : vector<16xi1> to vector<16xi32>
        %add3A_827 = arith.addi %scan3A_772, %convert_element_type3A_826 : vector<16xi32>
        %get3A_828 = arith.constant 0 : i32
        %get3A_829 = tpu.memref_slice %arg9[%scan3A_768, %get3A_828] : memref<304x128xf32, #tpu.memory_space<vmem>> -> memref<1x128xf32, #tpu.memory_space<vmem>>
        %get3A_830 = tpu.memref_squeeze %get3A_829 : memref<1x128xf32, #tpu.memory_space<vmem>> -> memref<128xf32, #tpu.memory_space<vmem>>
        %get3A_831 = arith.constant 64 : index
        %get3A_832 = tpu.vector_load %get3A_830[%get3A_831] {strides = array<i32>} : memref<128xf32, #tpu.memory_space<vmem>>, vector<16xf32>,
        %eq3A_833 = arith.cmpi eq, %add3A_787, %get3A_190 : vector<16xi32>
        %select_n3A_834 = arith.select %eq3A_833, %bitcast_convert_type3A_209, %scan3A_781 : vector<16xi1>, vector<16xf32>
        %ge3A_835 = arith.cmpf oge, %get3A_832, %select_n3A_834 : vector<16xf32>
        %convert_element_type3A_836 = arith.extui %ge3A_835 : vector<16xi1> to vector<16xi32>
        %add3A_837 = arith.addi %scan3A_773, %convert_element_type3A_836 : vector<16xi32>
        %get3A_838 = arith.constant 0 : i32
        %get3A_839 = tpu.memref_slice %arg9[%scan3A_768, %get3A_838] : memref<304x128xf32, #tpu.memory_space<vmem>> -> memref<1x128xf32, #tpu.memory_space<vmem>>
        %get3A_840 = tpu.memref_squeeze %get3A_839 : memref<1x128xf32, #tpu.memory_space<vmem>> -> memref<128xf32, #tpu.memory_space<vmem>>
        %get3A_841 = arith.constant 80 : index
        %get3A_842 = tpu.vector_load %get3A_840[%get3A_841] {strides = array<i32>} : memref<128xf32, #tpu.memory_space<vmem>>, vector<16xf32>,
        %eq3A_843 = arith.cmpi eq, %add3A_787, %get3A_214 : vector<16xi32>
        %select_n3A_844 = arith.select %eq3A_843, %bitcast_convert_type3A_233, %scan3A_782 : vector<16xi1>, vector<16xf32>
        %ge3A_845 = arith.cmpf oge, %get3A_842, %select_n3A_844 : vector<16xf32>
        %convert_element_type3A_846 = arith.extui %ge3A_845 : vector<16xi1> to vector<16xi32>
        %add3A_847 = arith.addi %scan3A_774, %convert_element_type3A_846 : vector<16xi32>
        %get3A_848 = arith.constant 0 : i32
        %get3A_849 = tpu.memref_slice %arg9[%scan3A_768, %get3A_848] : memref<304x128xf32, #tpu.memory_space<vmem>> -> memref<1x128xf32, #tpu.memory_space<vmem>>
        %get3A_850 = tpu.memref_squeeze %get3A_849 : memref<1x128xf32, #tpu.memory_space<vmem>> -> memref<128xf32, #tpu.memory_space<vmem>>
        %get3A_851 = arith.constant 96 : index
        %get3A_852 = tpu.vector_load %get3A_850[%get3A_851] {strides = array<i32>} : memref<128xf32, #tpu.memory_space<vmem>>, vector<16xf32>,
        %eq3A_853 = arith.cmpi eq, %add3A_787, %get3A_238 : vector<16xi32>
        %select_n3A_854 = arith.select %eq3A_853, %bitcast_convert_type3A_257, %scan3A_783 : vector<16xi1>, vector<16xf32>
        %ge3A_855 = arith.cmpf oge, %get3A_852, %select_n3A_854 : vector<16xf32>
        %convert_element_type3A_856 = arith.extui %ge3A_855 : vector<16xi1> to vector<16xi32>
        %add3A_857 = arith.addi %scan3A_775, %convert_element_type3A_856 : vector<16xi32>
        %get3A_858 = arith.constant 0 : i32
        %get3A_859 = tpu.memref_slice %arg9[%scan3A_768, %get3A_858] : memref<304x128xf32, #tpu.memory_space<vmem>> -> memref<1x128xf32, #tpu.memory_space<vmem>>
        %get3A_860 = tpu.memref_squeeze %get3A_859 : memref<1x128xf32, #tpu.memory_space<vmem>> -> memref<128xf32, #tpu.memory_space<vmem>>
        %get3A_861 = arith.constant 112 : index
        %get3A_862 = tpu.vector_load %get3A_860[%get3A_861] {strides = array<i32>} : memref<128xf32, #tpu.memory_space<vmem>>, vector<16xf32>,
        %eq3A_863 = arith.cmpi eq, %add3A_787, %get3A_262 : vector<16xi32>
        %select_n3A_864 = arith.select %eq3A_863, %bitcast_convert_type3A_281, %scan3A_784 : vector<16xi1>, vector<16xf32>
        %ge3A_865 = arith.cmpf oge, %get3A_862, %select_n3A_864 : vector<16xf32>
        %convert_element_type3A_866 = arith.extui %ge3A_865 : vector<16xi1> to vector<16xi32>
        %add3A_867 = arith.addi %scan3A_776, %convert_element_type3A_866 : vector<16xi32>
        scf.yield %add3A_797, %add3A_807, %add3A_817, %add3A_827, %add3A_837, %add3A_847, %add3A_857, %add3A_867, %select_n3A_794, %select_n3A_804, %select_n3A_814, %select_n3A_824, %select_n3A_834, %select_n3A_844, %select_n3A_854, %select_n3A_864 : vector<16xi32>, vector<16xi32>, vector<16xi32>, vector<16xi32>, vector<16xi32>, vector<16xi32>, vector<16xi32>, vector<16xi32>, vector<16xf32>, vector<16xf32>, vector<16xf32>, vector<16xf32>, vector<16xf32>, vector<16xf32>, vector<16xf32>, vector<16xf32>
      }
      %scan3A_767 = arith.constant 304 : i32
      scf.yield %scan3A_766#0, %scan3A_766#1, %scan3A_766#2, %scan3A_766#3, %scan3A_766#4, %scan3A_766#5, %scan3A_766#6, %scan3A_766#7 : vector<16xi32>, vector<16xi32>, vector<16xi32>, vector<16xi32>, vector<16xi32>, vector<16xi32>, vector<16xi32>, vector<16xi32>
    } else {
      %add3A_739 = arith.constant 304 : i32
      %add3A_740 = arith.addi %add3A_374, %add3A_739 : i32
      %ge3A_741 = vector.broadcast %add3A_740 : i32 to vector<16xi32>
      %ge3A_742 = arith.cmpi sge, %get3A_101, %ge3A_741 : vector<16xi32>
      %select_n3A_743 = arith.select %ge3A_742, %gather3A, %bitcast_convert_type3A_113 : vector<16xi1>, vector<16xf32>
      %add3A_744 = arith.constant 304 : i32
      %add3A_745 = arith.addi %add3A_374, %add3A_744 : i32
      %ge3A_746 = vector.broadcast %add3A_745 : i32 to vector<16xi32>
      %ge3A_747 = arith.cmpi sge, %get3A_118, %ge3A_746 : vector<16xi32>
      %select_n3A_748 = arith.select %ge3A_747, %gather3A_119, %bitcast_convert_type3A_137 : vector<16xi1>, vector<16xf32>
      %add3A_749 = arith.constant 304 : i32
      %add3A_750 = arith.addi %add3A_374, %add3A_749 : i32
      %ge3A_751 = vector.broadcast %add3A_750 : i32 to vector<16xi32>
      %ge3A_752 = arith.cmpi sge, %get3A_142, %ge3A_751 : vector<16xi32>
      %select_n3A_753 = arith.select %ge3A_752, %gather3A_143, %bitcast_convert_type3A_161 : vector<16xi1>, vector<16xf32>
      %add3A_754 = arith.constant 304 : i32
      %add3A_755 = arith.addi %add3A_374, %add3A_754 : i32
      %ge3A_756 = vector.broadcast %add3A_755 : i32 to vector<16xi32>
      %ge3A_757 = arith.cmpi sge, %get3A_166, %ge3A_756 : vector<16xi32>
      %select_n3A_758 = arith.select %ge3A_757, %gather3A_167, %bitcast_convert_type3A_185 : vector<16xi1>, vector<16xf32>
      %add3A_759 = arith.constant 304 : i32
      %add3A_760 = arith.addi %add3A_374, %add3A_759 : i32
      %ge3A_761 = vector.broadcast %add3A_760 : i32 to vector<16xi32>
      %ge3A_762 = arith.cmpi sge, %get3A_190, %ge3A_761 : vector<16xi32>
      %select_n3A_763 = arith.select %ge3A_762, %gather3A_191, %bitcast_convert_type3A_209 : vector<16xi1>, vector<16xf32>
      %add3A_764 = arith.constant 304 : i32
      %add3A_765 = arith.addi %add3A_374, %add3A_764 : i32
      %ge3A_766 = vector.broadcast %add3A_765 : i32 to vector<16xi32>
      %ge3A_767 = arith.cmpi sge, %get3A_214, %ge3A_766 : vector<16xi32>
      %select_n3A_768 = arith.select %ge3A_767, %gather3A_215, %bitcast_convert_type3A_233 : vector<16xi1>, vector<16xf32>
      %add3A_769 = arith.constant 304 : i32
      %add3A_770 = arith.addi %add3A_374, %add3A_769 : i32
      %ge3A_771 = vector.broadcast %add3A_770 : i32 to vector<16xi32>
      %ge3A_772 = arith.cmpi sge, %get3A_238, %ge3A_771 : vector<16xi32>
      %select_n3A_773 = arith.select %ge3A_772, %gather3A_239, %bitcast_convert_type3A_257 : vector<16xi1>, vector<16xf32>
      %add3A_774 = arith.constant 304 : i32
      %add3A_775 = arith.addi %add3A_374, %add3A_774 : i32
      %ge3A_776 = vector.broadcast %add3A_775 : i32 to vector<16xi32>
      %ge3A_777 = arith.cmpi sge, %get3A_262, %ge3A_776 : vector<16xi32>
      %select_n3A_778 = arith.select %ge3A_777, %gather3A_263, %bitcast_convert_type3A_281 : vector<16xi1>, vector<16xf32>
      %scan3A = arith.constant 0 : i32
      %scan3A_779 = arith.constant 304 : i32
      %scan3A_780 = arith.addi %scan3A, %scan3A_779 : i32
      %scan3A_781 = arith.constant 1 : i32
      %scan3A_782:8 = scf.for %scan3A_784 = %scan3A to %scan3A_780 step %scan3A_781 iter_args(%scan3A_785 = %cond3A_361#0, %scan3A_786 = %cond3A_361#1, %scan3A_787 = %cond3A_361#2, %scan3A_788 = %cond3A_361#3, %scan3A_789 = %cond3A_361#4, %scan3A_790 = %cond3A_361#5, %scan3A_791 = %cond3A_361#6, %scan3A_792 = %cond3A_361#7) -> (vector<16xi32>, vector<16xi32>, vector<16xi32>, vector<16xi32>, vector<16xi32>, vector<16xi32>, vector<16xi32>, vector<16xi32>)  : i32 {
        %get3A_793 = arith.constant 0 : i32
        %get3A_794 = tpu.memref_slice %arg9[%scan3A_784, %get3A_793] : memref<304x128xf32, #tpu.memory_space<vmem>> -> memref<1x128xf32, #tpu.memory_space<vmem>>
        %get3A_795 = tpu.memref_squeeze %get3A_794 : memref<1x128xf32, #tpu.memory_space<vmem>> -> memref<128xf32, #tpu.memory_space<vmem>>
        %get3A_796 = arith.constant 0 : index
        %get3A_797 = tpu.vector_load %get3A_795[%get3A_796] {strides = array<i32>} : memref<128xf32, #tpu.memory_space<vmem>>, vector<16xf32>,
        %ge3A_798 = arith.cmpf oge, %get3A_797, %select_n3A_743 : vector<16xf32>
        %convert_element_type3A_799 = arith.extui %ge3A_798 : vector<16xi1> to vector<16xi32>
        %add3A_800 = arith.addi %scan3A_785, %convert_element_type3A_799 : vector<16xi32>
        %get3A_801 = arith.constant 0 : i32
        %get3A_802 = tpu.memref_slice %arg9[%scan3A_784, %get3A_801] : memref<304x128xf32, #tpu.memory_space<vmem>> -> memref<1x128xf32, #tpu.memory_space<vmem>>
        %get3A_803 = tpu.memref_squeeze %get3A_802 : memref<1x128xf32, #tpu.memory_space<vmem>> -> memref<128xf32, #tpu.memory_space<vmem>>
        %get3A_804 = arith.constant 16 : index
        %get3A_805 = tpu.vector_load %get3A_803[%get3A_804] {strides = array<i32>} : memref<128xf32, #tpu.memory_space<vmem>>, vector<16xf32>,
        %ge3A_806 = arith.cmpf oge, %get3A_805, %select_n3A_748 : vector<16xf32>
        %convert_element_type3A_807 = arith.extui %ge3A_806 : vector<16xi1> to vector<16xi32>
        %add3A_808 = arith.addi %scan3A_786, %convert_element_type3A_807 : vector<16xi32>
        %get3A_809 = arith.constant 0 : i32
        %get3A_810 = tpu.memref_slice %arg9[%scan3A_784, %get3A_809] : memref<304x128xf32, #tpu.memory_space<vmem>> -> memref<1x128xf32, #tpu.memory_space<vmem>>
        %get3A_811 = tpu.memref_squeeze %get3A_810 : memref<1x128xf32, #tpu.memory_space<vmem>> -> memref<128xf32, #tpu.memory_space<vmem>>
        %get3A_812 = arith.constant 32 : index
        %get3A_813 = tpu.vector_load %get3A_811[%get3A_812] {strides = array<i32>} : memref<128xf32, #tpu.memory_space<vmem>>, vector<16xf32>,
        %ge3A_814 = arith.cmpf oge, %get3A_813, %select_n3A_753 : vector<16xf32>
        %convert_element_type3A_815 = arith.extui %ge3A_814 : vector<16xi1> to vector<16xi32>
        %add3A_816 = arith.addi %scan3A_787, %convert_element_type3A_815 : vector<16xi32>
        %get3A_817 = arith.constant 0 : i32
        %get3A_818 = tpu.memref_slice %arg9[%scan3A_784, %get3A_817] : memref<304x128xf32, #tpu.memory_space<vmem>> -> memref<1x128xf32, #tpu.memory_space<vmem>>
        %get3A_819 = tpu.memref_squeeze %get3A_818 : memref<1x128xf32, #tpu.memory_space<vmem>> -> memref<128xf32, #tpu.memory_space<vmem>>
        %get3A_820 = arith.constant 48 : index
        %get3A_821 = tpu.vector_load %get3A_819[%get3A_820] {strides = array<i32>} : memref<128xf32, #tpu.memory_space<vmem>>, vector<16xf32>,
        %ge3A_822 = arith.cmpf oge, %get3A_821, %select_n3A_758 : vector<16xf32>
        %convert_element_type3A_823 = arith.extui %ge3A_822 : vector<16xi1> to vector<16xi32>
        %add3A_824 = arith.addi %scan3A_788, %convert_element_type3A_823 : vector<16xi32>
        %get3A_825 = arith.constant 0 : i32
        %get3A_826 = tpu.memref_slice %arg9[%scan3A_784, %get3A_825] : memref<304x128xf32, #tpu.memory_space<vmem>> -> memref<1x128xf32, #tpu.memory_space<vmem>>
        %get3A_827 = tpu.memref_squeeze %get3A_826 : memref<1x128xf32, #tpu.memory_space<vmem>> -> memref<128xf32, #tpu.memory_space<vmem>>
        %get3A_828 = arith.constant 64 : index
        %get3A_829 = tpu.vector_load %get3A_827[%get3A_828] {strides = array<i32>} : memref<128xf32, #tpu.memory_space<vmem>>, vector<16xf32>,
        %ge3A_830 = arith.cmpf oge, %get3A_829, %select_n3A_763 : vector<16xf32>
        %convert_element_type3A_831 = arith.extui %ge3A_830 : vector<16xi1> to vector<16xi32>
        %add3A_832 = arith.addi %scan3A_789, %convert_element_type3A_831 : vector<16xi32>
        %get3A_833 = arith.constant 0 : i32
        %get3A_834 = tpu.memref_slice %arg9[%scan3A_784, %get3A_833] : memref<304x128xf32, #tpu.memory_space<vmem>> -> memref<1x128xf32, #tpu.memory_space<vmem>>
        %get3A_835 = tpu.memref_squeeze %get3A_834 : memref<1x128xf32, #tpu.memory_space<vmem>> -> memref<128xf32, #tpu.memory_space<vmem>>
        %get3A_836 = arith.constant 80 : index
        %get3A_837 = tpu.vector_load %get3A_835[%get3A_836] {strides = array<i32>} : memref<128xf32, #tpu.memory_space<vmem>>, vector<16xf32>,
        %ge3A_838 = arith.cmpf oge, %get3A_837, %select_n3A_768 : vector<16xf32>
        %convert_element_type3A_839 = arith.extui %ge3A_838 : vector<16xi1> to vector<16xi32>
        %add3A_840 = arith.addi %scan3A_790, %convert_element_type3A_839 : vector<16xi32>
        %get3A_841 = arith.constant 0 : i32
        %get3A_842 = tpu.memref_slice %arg9[%scan3A_784, %get3A_841] : memref<304x128xf32, #tpu.memory_space<vmem>> -> memref<1x128xf32, #tpu.memory_space<vmem>>
        %get3A_843 = tpu.memref_squeeze %get3A_842 : memref<1x128xf32, #tpu.memory_space<vmem>> -> memref<128xf32, #tpu.memory_space<vmem>>
        %get3A_844 = arith.constant 96 : index
        %get3A_845 = tpu.vector_load %get3A_843[%get3A_844] {strides = array<i32>} : memref<128xf32, #tpu.memory_space<vmem>>, vector<16xf32>,
        %ge3A_846 = arith.cmpf oge, %get3A_845, %select_n3A_773 : vector<16xf32>
        %convert_element_type3A_847 = arith.extui %ge3A_846 : vector<16xi1> to vector<16xi32>
        %add3A_848 = arith.addi %scan3A_791, %convert_element_type3A_847 : vector<16xi32>
        %get3A_849 = arith.constant 0 : i32
        %get3A_850 = tpu.memref_slice %arg9[%scan3A_784, %get3A_849] : memref<304x128xf32, #tpu.memory_space<vmem>> -> memref<1x128xf32, #tpu.memory_space<vmem>>
        %get3A_851 = tpu.memref_squeeze %get3A_850 : memref<1x128xf32, #tpu.memory_space<vmem>> -> memref<128xf32, #tpu.memory_space<vmem>>
        %get3A_852 = arith.constant 112 : index
        %get3A_853 = tpu.vector_load %get3A_851[%get3A_852] {strides = array<i32>} : memref<128xf32, #tpu.memory_space<vmem>>, vector<16xf32>,
        %ge3A_854 = arith.cmpf oge, %get3A_853, %select_n3A_778 : vector<16xf32>
        %convert_element_type3A_855 = arith.extui %ge3A_854 : vector<16xi1> to vector<16xi32>
        %add3A_856 = arith.addi %scan3A_792, %convert_element_type3A_855 : vector<16xi32>
        scf.yield %add3A_800, %add3A_808, %add3A_816, %add3A_824, %add3A_832, %add3A_840, %add3A_848, %add3A_856 : vector<16xi32>, vector<16xi32>, vector<16xi32>, vector<16xi32>, vector<16xi32>, vector<16xi32>, vector<16xi32>, vector<16xi32>
      }
      %scan3A_783 = arith.constant 304 : i32
      scf.yield %scan3A_782#0, %scan3A_782#1, %scan3A_782#2, %scan3A_782#3, %scan3A_782#4, %scan3A_782#5, %scan3A_782#6, %scan3A_782#7 : vector<16xi32>, vector<16xi32>, vector<16xi32>, vector<16xi32>, vector<16xi32>, vector<16xi32>, vector<16xi32>, vector<16xi32>
    }
    %add3A_454 = arith.constant 912 : i32
    %add3A_455 = arith.addi %add3A_4, %add3A_454 : i32
    %multiple_of3A_456 = tpu.assume_multiple %add3A_455, 8 : i32
    %dma_start3A_457 = arith.constant 0 : i32
    %dma_start3A_458 = tpu.memref_slice %arg2[%multiple_of3A_456, %dma_start3A_457] : memref<100000x128xf32, #tpu.memory_space<hbm>> -> memref<304x128xf32, #tpu.memory_space<hbm>>
    %dma_start3A_459 = arith.constant 0 : i32
    %dma_start3A_460 = tpu.memref_slice %arg2[%multiple_of3A_456, %dma_start3A_459] : memref<100000x128xf32, #tpu.memory_space<hbm>> -> memref<304x128xf32, #tpu.memory_space<hbm>>
    tpu.enqueue_dma source(%dma_start3A_460 : memref<304x128xf32, #tpu.memory_space<hbm>>) target(%arg9 : memref<304x128xf32, #tpu.memory_space<vmem>>) target_semaphore(%arg12 : memref<!tpu.dma_semaphore, #tpu.memory_space<semaphore_mem>>)
    %dma_wait3A_461 = arith.constant 0 : i32
    %dma_wait3A_462 = tpu.memref_slice %arg2[%multiple_of3A_364, %dma_wait3A_461] : memref<100000x128xf32, #tpu.memory_space<hbm>> -> memref<304x128xf32, #tpu.memory_space<hbm>>
    %dma_wait3A_463 = arith.constant 0 : i32
    %dma_wait3A_464 = tpu.memref_slice %arg2[%multiple_of3A_364, %dma_wait3A_463] : memref<100000x128xf32, #tpu.memory_space<hbm>> -> memref<304x128xf32, #tpu.memory_space<hbm>>
    tpu.wait_dma2 semaphore(%arg11 : memref<!tpu.dma_semaphore, #tpu.memory_space<semaphore_mem>>) src(%dma_wait3A_464 : memref<304x128xf32, #tpu.memory_space<hbm>>) dst(%arg8 : memref<304x128xf32, #tpu.memory_space<vmem>>)
    %add3A_465 = arith.constant 608 : i32
    %add3A_466 = arith.addi %add3A_4, %add3A_465 : i32
    %broadcast_in_dim3A_467 = vector.broadcast %add3A_466 : i32 to vector<16xi32>
    %ge3A_468 = arith.cmpi sge, %get3A_101, %broadcast_in_dim3A_467 : vector<16xi32>
    %add3A_469 = arith.constant 304 : i32
    %add3A_470 = vector.broadcast %add3A_469 : i32 to vector<16xi32>
    %add3A_471 = arith.addi %broadcast_in_dim3A_467, %add3A_470 : vector<16xi32>
    %lt3A_472 = arith.cmpi slt, %get3A_101, %add3A_471 : vector<16xi32>
    %and3A_473 = arith.andi %ge3A_468, %lt3A_472 : vector<16xi1>
    %all_reduce_population_count3A_474 = tpu.all_reduce %and3A_473 {dim = 0 : i64, kind = #tpu.reduction_kind<sum>} : vector<16xi1> -> vector<16xi32>
    %add3A_475 = arith.addi %broadcast_in_dim3A_283, %all_reduce_population_count3A_474 : vector<16xi32>
    %ge3A_476 = arith.cmpi sge, %get3A_118, %broadcast_in_dim3A_467 : vector<16xi32>
    %add3A_477 = arith.constant 304 : i32
    %add3A_478 = vector.broadcast %add3A_477 : i32 to vector<16xi32>
    %add3A_479 = arith.addi %broadcast_in_dim3A_467, %add3A_478 : vector<16xi32>
    %lt3A_480 = arith.cmpi slt, %get3A_118, %add3A_479 : vector<16xi32>
    %and3A_481 = arith.andi %ge3A_476, %lt3A_480 : vector<16xi1>
    %all_reduce_population_count3A_482 = tpu.all_reduce %and3A_481 {dim = 0 : i64, kind = #tpu.reduction_kind<sum>} : vector<16xi1> -> vector<16xi32>
    %add3A_483 = arith.addi %add3A_475, %all_reduce_population_count3A_482 : vector<16xi32>
    %ge3A_484 = arith.cmpi sge, %get3A_142, %broadcast_in_dim3A_467 : vector<16xi32>
    %add3A_485 = arith.constant 304 : i32
    %add3A_486 = vector.broadcast %add3A_485 : i32 to vector<16xi32>
    %add3A_487 = arith.addi %broadcast_in_dim3A_467, %add3A_486 : vector<16xi32>
    %lt3A_488 = arith.cmpi slt, %get3A_142, %add3A_487 : vector<16xi32>
    %and3A_489 = arith.andi %ge3A_484, %lt3A_488 : vector<16xi1>
    %all_reduce_population_count3A_490 = tpu.all_reduce %and3A_489 {dim = 0 : i64, kind = #tpu.reduction_kind<sum>} : vector<16xi1> -> vector<16xi32>
    %add3A_491 = arith.addi %add3A_483, %all_reduce_population_count3A_490 : vector<16xi32>
    %ge3A_492 = arith.cmpi sge, %get3A_166, %broadcast_in_dim3A_467 : vector<16xi32>
    %add3A_493 = arith.constant 304 : i32
    %add3A_494 = vector.broadcast %add3A_493 : i32 to vector<16xi32>
    %add3A_495 = arith.addi %broadcast_in_dim3A_467, %add3A_494 : vector<16xi32>
    %lt3A_496 = arith.cmpi slt, %get3A_166, %add3A_495 : vector<16xi32>
    %and3A_497 = arith.andi %ge3A_492, %lt3A_496 : vector<16xi1>
    %all_reduce_population_count3A_498 = tpu.all_reduce %and3A_497 {dim = 0 : i64, kind = #tpu.reduction_kind<sum>} : vector<16xi1> -> vector<16xi32>
    %add3A_499 = arith.addi %add3A_491, %all_reduce_population_count3A_498 : vector<16xi32>
    %ge3A_500 = arith.cmpi sge, %get3A_190, %broadcast_in_dim3A_467 : vector<16xi32>
    %add3A_501 = arith.constant 304 : i32
    %add3A_502 = vector.broadcast %add3A_501 : i32 to vector<16xi32>
    %add3A_503 = arith.addi %broadcast_in_dim3A_467, %add3A_502 : vector<16xi32>
    %lt3A_504 = arith.cmpi slt, %get3A_190, %add3A_503 : vector<16xi32>
    %and3A_505 = arith.andi %ge3A_500, %lt3A_504 : vector<16xi1>
    %all_reduce_population_count3A_506 = tpu.all_reduce %and3A_505 {dim = 0 : i64, kind = #tpu.reduction_kind<sum>} : vector<16xi1> -> vector<16xi32>
    %add3A_507 = arith.addi %add3A_499, %all_reduce_population_count3A_506 : vector<16xi32>
    %ge3A_508 = arith.cmpi sge, %get3A_214, %broadcast_in_dim3A_467 : vector<16xi32>
    %add3A_509 = arith.constant 304 : i32
    %add3A_510 = vector.broadcast %add3A_509 : i32 to vector<16xi32>
    %add3A_511 = arith.addi %broadcast_in_dim3A_467, %add3A_510 : vector<16xi32>
    %lt3A_512 = arith.cmpi slt, %get3A_214, %add3A_511 : vector<16xi32>
    %and3A_513 = arith.andi %ge3A_508, %lt3A_512 : vector<16xi1>
    %all_reduce_population_count3A_514 = tpu.all_reduce %and3A_513 {dim = 0 : i64, kind = #tpu.reduction_kind<sum>} : vector<16xi1> -> vector<16xi32>
    %add3A_515 = arith.addi %add3A_507, %all_reduce_population_count3A_514 : vector<16xi32>
    %ge3A_516 = arith.cmpi sge, %get3A_238, %broadcast_in_dim3A_467 : vector<16xi32>
    %add3A_517 = arith.constant 304 : i32
    %add3A_518 = vector.broadcast %add3A_517 : i32 to vector<16xi32>
    %add3A_519 = arith.addi %broadcast_in_dim3A_467, %add3A_518 : vector<16xi32>
    %lt3A_520 = arith.cmpi slt, %get3A_238, %add3A_519 : vector<16xi32>
    %and3A_521 = arith.andi %ge3A_516, %lt3A_520 : vector<16xi1>
    %all_reduce_population_count3A_522 = tpu.all_reduce %and3A_521 {dim = 0 : i64, kind = #tpu.reduction_kind<sum>} : vector<16xi1> -> vector<16xi32>
    %add3A_523 = arith.addi %add3A_515, %all_reduce_population_count3A_522 : vector<16xi32>
    %ge3A_524 = arith.cmpi sge, %get3A_262, %broadcast_in_dim3A_467 : vector<16xi32>
    %add3A_525 = arith.constant 304 : i32
    %add3A_526 = vector.broadcast %add3A_525 : i32 to vector<16xi32>
    %add3A_527 = arith.addi %broadcast_in_dim3A_467, %add3A_526 : vector<16xi32>
    %lt3A_528 = arith.cmpi slt, %get3A_262, %add3A_527 : vector<16xi32>
    %and3A_529 = arith.andi %ge3A_524, %lt3A_528 : vector<16xi1>
    %all_reduce_population_count3A_530 = tpu.all_reduce %and3A_529 {dim = 0 : i64, kind = #tpu.reduction_kind<sum>} : vector<16xi1> -> vector<16xi32>
    %add3A_531 = arith.addi %add3A_523, %all_reduce_population_count3A_530 : vector<16xi32>
    %reduce_max3A_532 = arith.constant true
    %reduce_max3A_533 = vector.broadcast %reduce_max3A_532 : i1 to vector<16xi1>
    %reduce_max3A_534 = arith.constant -2147483648 : i32
    %reduce_max3A_535 = vector.broadcast %reduce_max3A_534 : i32 to vector<16xi32>
    %reduce_max3A_536 = arith.xori %add3A_531, %reduce_max3A_535 : vector<16xi32>
    %reduce_max3A_537 = tpu.scan <max>, %reduce_max3A_536 masked %reduce_max3A_533 : vector<16xi32>, vector<16xi1> -> vector<16xi32>
    %reduce_max3A_538 = arith.xori %reduce_max3A_537, %reduce_max3A_535 : vector<16xi32>
    %reduce_max3A_539 = vector.extract %reduce_max3A_538[15] : i32 from vector<16xi32>
    %gt3A_540 = arith.constant 0 : i32
    %gt3A_541 = arith.cmpi sgt, %reduce_max3A_539, %gt3A_540 : i32
    %convert_element_type3A_542 = arith.extui %gt3A_541 : i1 to i32
    %cond3A_543 = arith.constant 0 : i32
    %cond3A_544 = arith.cmpi ne, %convert_element_type3A_542, %cond3A_543 : i32
    %cond3A_545:8 = scf.if %cond3A_544 -> (vector<16xi32>, vector<16xi32>, vector<16xi32>, vector<16xi32>, vector<16xi32>, vector<16xi32>, vector<16xi32>, vector<16xi32>) {
      %gt3A_739 = vector.broadcast %add3A_466 : i32 to vector<16xi32>
      %gt3A_740 = arith.cmpi sgt, %get3A_101, %gt3A_739 : vector<16xi32>
      %select_n3A_741 = arith.select %gt3A_740, %gather3A, %bitcast_convert_type3A_113 : vector<16xi1>, vector<16xf32>
      %gt3A_742 = vector.broadcast %add3A_466 : i32 to vector<16xi32>
      %gt3A_743 = arith.cmpi sgt, %get3A_118, %gt3A_742 : vector<16xi32>
      %select_n3A_744 = arith.select %gt3A_743, %gather3A_119, %bitcast_convert_type3A_137 : vector<16xi1>, vector<16xf32>
      %gt3A_745 = vector.broadcast %add3A_466 : i32 to vector<16xi32>
      %gt3A_746 = arith.cmpi sgt, %get3A_142, %gt3A_745 : vector<16xi32>
      %select_n3A_747 = arith.select %gt3A_746, %gather3A_143, %bitcast_convert_type3A_161 : vector<16xi1>, vector<16xf32>
      %gt3A_748 = vector.broadcast %add3A_466 : i32 to vector<16xi32>
      %gt3A_749 = arith.cmpi sgt, %get3A_166, %gt3A_748 : vector<16xi32>
      %select_n3A_750 = arith.select %gt3A_749, %gather3A_167, %bitcast_convert_type3A_185 : vector<16xi1>, vector<16xf32>
      %gt3A_751 = vector.broadcast %add3A_466 : i32 to vector<16xi32>
      %gt3A_752 = arith.cmpi sgt, %get3A_190, %gt3A_751 : vector<16xi32>
      %select_n3A_753 = arith.select %gt3A_752, %gather3A_191, %bitcast_convert_type3A_209 : vector<16xi1>, vector<16xf32>
      %gt3A_754 = vector.broadcast %add3A_466 : i32 to vector<16xi32>
      %gt3A_755 = arith.cmpi sgt, %get3A_214, %gt3A_754 : vector<16xi32>
      %select_n3A_756 = arith.select %gt3A_755, %gather3A_215, %bitcast_convert_type3A_233 : vector<16xi1>, vector<16xf32>
      %gt3A_757 = vector.broadcast %add3A_466 : i32 to vector<16xi32>
      %gt3A_758 = arith.cmpi sgt, %get3A_238, %gt3A_757 : vector<16xi32>
      %select_n3A_759 = arith.select %gt3A_758, %gather3A_239, %bitcast_convert_type3A_257 : vector<16xi1>, vector<16xf32>
      %gt3A_760 = vector.broadcast %add3A_466 : i32 to vector<16xi32>
      %gt3A_761 = arith.cmpi sgt, %get3A_262, %gt3A_760 : vector<16xi32>
      %select_n3A_762 = arith.select %gt3A_761, %gather3A_263, %bitcast_convert_type3A_281 : vector<16xi1>, vector<16xf32>
      %scan3A = arith.constant 0 : i32
      %scan3A_763 = arith.constant 304 : i32
      %scan3A_764 = arith.addi %scan3A, %scan3A_763 : i32
      %scan3A_765 = arith.constant 1 : i32
      %scan3A_766:16 = scf.for %scan3A_768 = %scan3A to %scan3A_764 step %scan3A_765 iter_args(%scan3A_769 = %cond3A_453#0, %scan3A_770 = %cond3A_453#1, %scan3A_771 = %cond3A_453#2, %scan3A_772 = %cond3A_453#3, %scan3A_773 = %cond3A_453#4, %scan3A_774 = %cond3A_453#5, %scan3A_775 = %cond3A_453#6, %scan3A_776 = %cond3A_453#7, %scan3A_777 = %select_n3A_741, %scan3A_778 = %select_n3A_744, %scan3A_779 = %select_n3A_747, %scan3A_780 = %select_n3A_750, %scan3A_781 = %select_n3A_753, %scan3A_782 = %select_n3A_756, %scan3A_783 = %select_n3A_759, %scan3A_784 = %select_n3A_762) -> (vector<16xi32>, vector<16xi32>, vector<16xi32>, vector<16xi32>, vector<16xi32>, vector<16xi32>, vector<16xi32>, vector<16xi32>, vector<16xf32>, vector<16xf32>, vector<16xf32>, vector<16xf32>, vector<16xf32>, vector<16xf32>, vector<16xf32>, vector<16xf32>)  : i32 {
        %broadcast_in_dim3A_785 = vector.broadcast %add3A_466 : i32 to vector<16xi32>
        %add3A_786 = vector.broadcast %scan3A_768 : i32 to vector<16xi32>
        %add3A_787 = arith.addi %broadcast_in_dim3A_785, %add3A_786 : vector<16xi32>
        %get3A_788 = arith.constant 0 : i32
        %get3A_789 = tpu.memref_slice %arg8[%scan3A_768, %get3A_788] : memref<304x128xf32, #tpu.memory_space<vmem>> -> memref<1x128xf32, #tpu.memory_space<vmem>>
        %get3A_790 = tpu.memref_squeeze %get3A_789 : memref<1x128xf32, #tpu.memory_space<vmem>> -> memref<128xf32, #tpu.memory_space<vmem>>
        %get3A_791 = arith.constant 0 : index
        %get3A_792 = tpu.vector_load %get3A_790[%get3A_791] {strides = array<i32>} : memref<128xf32, #tpu.memory_space<vmem>>, vector<16xf32>,
        %eq3A_793 = arith.cmpi eq, %add3A_787, %get3A_101 : vector<16xi32>
        %select_n3A_794 = arith.select %eq3A_793, %bitcast_convert_type3A_113, %scan3A_777 : vector<16xi1>, vector<16xf32>
        %ge3A_795 = arith.cmpf oge, %get3A_792, %select_n3A_794 : vector<16xf32>
        %convert_element_type3A_796 = arith.extui %ge3A_795 : vector<16xi1> to vector<16xi32>
        %add3A_797 = arith.addi %scan3A_769, %convert_element_type3A_796 : vector<16xi32>
        %get3A_798 = arith.constant 0 : i32
        %get3A_799 = tpu.memref_slice %arg8[%scan3A_768, %get3A_798] : memref<304x128xf32, #tpu.memory_space<vmem>> -> memref<1x128xf32, #tpu.memory_space<vmem>>
        %get3A_800 = tpu.memref_squeeze %get3A_799 : memref<1x128xf32, #tpu.memory_space<vmem>> -> memref<128xf32, #tpu.memory_space<vmem>>
        %get3A_801 = arith.constant 16 : index
        %get3A_802 = tpu.vector_load %get3A_800[%get3A_801] {strides = array<i32>} : memref<128xf32, #tpu.memory_space<vmem>>, vector<16xf32>,
        %eq3A_803 = arith.cmpi eq, %add3A_787, %get3A_118 : vector<16xi32>
        %select_n3A_804 = arith.select %eq3A_803, %bitcast_convert_type3A_137, %scan3A_778 : vector<16xi1>, vector<16xf32>
        %ge3A_805 = arith.cmpf oge, %get3A_802, %select_n3A_804 : vector<16xf32>
        %convert_element_type3A_806 = arith.extui %ge3A_805 : vector<16xi1> to vector<16xi32>
        %add3A_807 = arith.addi %scan3A_770, %convert_element_type3A_806 : vector<16xi32>
        %get3A_808 = arith.constant 0 : i32
        %get3A_809 = tpu.memref_slice %arg8[%scan3A_768, %get3A_808] : memref<304x128xf32, #tpu.memory_space<vmem>> -> memref<1x128xf32, #tpu.memory_space<vmem>>
        %get3A_810 = tpu.memref_squeeze %get3A_809 : memref<1x128xf32, #tpu.memory_space<vmem>> -> memref<128xf32, #tpu.memory_space<vmem>>
        %get3A_811 = arith.constant 32 : index
        %get3A_812 = tpu.vector_load %get3A_810[%get3A_811] {strides = array<i32>} : memref<128xf32, #tpu.memory_space<vmem>>, vector<16xf32>,
        %eq3A_813 = arith.cmpi eq, %add3A_787, %get3A_142 : vector<16xi32>
        %select_n3A_814 = arith.select %eq3A_813, %bitcast_convert_type3A_161, %scan3A_779 : vector<16xi1>, vector<16xf32>
        %ge3A_815 = arith.cmpf oge, %get3A_812, %select_n3A_814 : vector<16xf32>
        %convert_element_type3A_816 = arith.extui %ge3A_815 : vector<16xi1> to vector<16xi32>
        %add3A_817 = arith.addi %scan3A_771, %convert_element_type3A_816 : vector<16xi32>
        %get3A_818 = arith.constant 0 : i32
        %get3A_819 = tpu.memref_slice %arg8[%scan3A_768, %get3A_818] : memref<304x128xf32, #tpu.memory_space<vmem>> -> memref<1x128xf32, #tpu.memory_space<vmem>>
        %get3A_820 = tpu.memref_squeeze %get3A_819 : memref<1x128xf32, #tpu.memory_space<vmem>> -> memref<128xf32, #tpu.memory_space<vmem>>
        %get3A_821 = arith.constant 48 : index
        %get3A_822 = tpu.vector_load %get3A_820[%get3A_821] {strides = array<i32>} : memref<128xf32, #tpu.memory_space<vmem>>, vector<16xf32>,
        %eq3A_823 = arith.cmpi eq, %add3A_787, %get3A_166 : vector<16xi32>
        %select_n3A_824 = arith.select %eq3A_823, %bitcast_convert_type3A_185, %scan3A_780 : vector<16xi1>, vector<16xf32>
        %ge3A_825 = arith.cmpf oge, %get3A_822, %select_n3A_824 : vector<16xf32>
        %convert_element_type3A_826 = arith.extui %ge3A_825 : vector<16xi1> to vector<16xi32>
        %add3A_827 = arith.addi %scan3A_772, %convert_element_type3A_826 : vector<16xi32>
        %get3A_828 = arith.constant 0 : i32
        %get3A_829 = tpu.memref_slice %arg8[%scan3A_768, %get3A_828] : memref<304x128xf32, #tpu.memory_space<vmem>> -> memref<1x128xf32, #tpu.memory_space<vmem>>
        %get3A_830 = tpu.memref_squeeze %get3A_829 : memref<1x128xf32, #tpu.memory_space<vmem>> -> memref<128xf32, #tpu.memory_space<vmem>>
        %get3A_831 = arith.constant 64 : index
        %get3A_832 = tpu.vector_load %get3A_830[%get3A_831] {strides = array<i32>} : memref<128xf32, #tpu.memory_space<vmem>>, vector<16xf32>,
        %eq3A_833 = arith.cmpi eq, %add3A_787, %get3A_190 : vector<16xi32>
        %select_n3A_834 = arith.select %eq3A_833, %bitcast_convert_type3A_209, %scan3A_781 : vector<16xi1>, vector<16xf32>
        %ge3A_835 = arith.cmpf oge, %get3A_832, %select_n3A_834 : vector<16xf32>
        %convert_element_type3A_836 = arith.extui %ge3A_835 : vector<16xi1> to vector<16xi32>
        %add3A_837 = arith.addi %scan3A_773, %convert_element_type3A_836 : vector<16xi32>
        %get3A_838 = arith.constant 0 : i32
        %get3A_839 = tpu.memref_slice %arg8[%scan3A_768, %get3A_838] : memref<304x128xf32, #tpu.memory_space<vmem>> -> memref<1x128xf32, #tpu.memory_space<vmem>>
        %get3A_840 = tpu.memref_squeeze %get3A_839 : memref<1x128xf32, #tpu.memory_space<vmem>> -> memref<128xf32, #tpu.memory_space<vmem>>
        %get3A_841 = arith.constant 80 : index
        %get3A_842 = tpu.vector_load %get3A_840[%get3A_841] {strides = array<i32>} : memref<128xf32, #tpu.memory_space<vmem>>, vector<16xf32>,
        %eq3A_843 = arith.cmpi eq, %add3A_787, %get3A_214 : vector<16xi32>
        %select_n3A_844 = arith.select %eq3A_843, %bitcast_convert_type3A_233, %scan3A_782 : vector<16xi1>, vector<16xf32>
        %ge3A_845 = arith.cmpf oge, %get3A_842, %select_n3A_844 : vector<16xf32>
        %convert_element_type3A_846 = arith.extui %ge3A_845 : vector<16xi1> to vector<16xi32>
        %add3A_847 = arith.addi %scan3A_774, %convert_element_type3A_846 : vector<16xi32>
        %get3A_848 = arith.constant 0 : i32
        %get3A_849 = tpu.memref_slice %arg8[%scan3A_768, %get3A_848] : memref<304x128xf32, #tpu.memory_space<vmem>> -> memref<1x128xf32, #tpu.memory_space<vmem>>
        %get3A_850 = tpu.memref_squeeze %get3A_849 : memref<1x128xf32, #tpu.memory_space<vmem>> -> memref<128xf32, #tpu.memory_space<vmem>>
        %get3A_851 = arith.constant 96 : index
        %get3A_852 = tpu.vector_load %get3A_850[%get3A_851] {strides = array<i32>} : memref<128xf32, #tpu.memory_space<vmem>>, vector<16xf32>,
        %eq3A_853 = arith.cmpi eq, %add3A_787, %get3A_238 : vector<16xi32>
        %select_n3A_854 = arith.select %eq3A_853, %bitcast_convert_type3A_257, %scan3A_783 : vector<16xi1>, vector<16xf32>
        %ge3A_855 = arith.cmpf oge, %get3A_852, %select_n3A_854 : vector<16xf32>
        %convert_element_type3A_856 = arith.extui %ge3A_855 : vector<16xi1> to vector<16xi32>
        %add3A_857 = arith.addi %scan3A_775, %convert_element_type3A_856 : vector<16xi32>
        %get3A_858 = arith.constant 0 : i32
        %get3A_859 = tpu.memref_slice %arg8[%scan3A_768, %get3A_858] : memref<304x128xf32, #tpu.memory_space<vmem>> -> memref<1x128xf32, #tpu.memory_space<vmem>>
        %get3A_860 = tpu.memref_squeeze %get3A_859 : memref<1x128xf32, #tpu.memory_space<vmem>> -> memref<128xf32, #tpu.memory_space<vmem>>
        %get3A_861 = arith.constant 112 : index
        %get3A_862 = tpu.vector_load %get3A_860[%get3A_861] {strides = array<i32>} : memref<128xf32, #tpu.memory_space<vmem>>, vector<16xf32>,
        %eq3A_863 = arith.cmpi eq, %add3A_787, %get3A_262 : vector<16xi32>
        %select_n3A_864 = arith.select %eq3A_863, %bitcast_convert_type3A_281, %scan3A_784 : vector<16xi1>, vector<16xf32>
        %ge3A_865 = arith.cmpf oge, %get3A_862, %select_n3A_864 : vector<16xf32>
        %convert_element_type3A_866 = arith.extui %ge3A_865 : vector<16xi1> to vector<16xi32>
        %add3A_867 = arith.addi %scan3A_776, %convert_element_type3A_866 : vector<16xi32>
        scf.yield %add3A_797, %add3A_807, %add3A_817, %add3A_827, %add3A_837, %add3A_847, %add3A_857, %add3A_867, %select_n3A_794, %select_n3A_804, %select_n3A_814, %select_n3A_824, %select_n3A_834, %select_n3A_844, %select_n3A_854, %select_n3A_864 : vector<16xi32>, vector<16xi32>, vector<16xi32>, vector<16xi32>, vector<16xi32>, vector<16xi32>, vector<16xi32>, vector<16xi32>, vector<16xf32>, vector<16xf32>, vector<16xf32>, vector<16xf32>, vector<16xf32>, vector<16xf32>, vector<16xf32>, vector<16xf32>
      }
      %scan3A_767 = arith.constant 304 : i32
      scf.yield %scan3A_766#0, %scan3A_766#1, %scan3A_766#2, %scan3A_766#3, %scan3A_766#4, %scan3A_766#5, %scan3A_766#6, %scan3A_766#7 : vector<16xi32>, vector<16xi32>, vector<16xi32>, vector<16xi32>, vector<16xi32>, vector<16xi32>, vector<16xi32>, vector<16xi32>
    } else {
      %add3A_739 = arith.constant 304 : i32
      %add3A_740 = arith.addi %add3A_466, %add3A_739 : i32
      %ge3A_741 = vector.broadcast %add3A_740 : i32 to vector<16xi32>
      %ge3A_742 = arith.cmpi sge, %get3A_101, %ge3A_741 : vector<16xi32>
      %select_n3A_743 = arith.select %ge3A_742, %gather3A, %bitcast_convert_type3A_113 : vector<16xi1>, vector<16xf32>
      %add3A_744 = arith.constant 304 : i32
      %add3A_745 = arith.addi %add3A_466, %add3A_744 : i32
      %ge3A_746 = vector.broadcast %add3A_745 : i32 to vector<16xi32>
      %ge3A_747 = arith.cmpi sge, %get3A_118, %ge3A_746 : vector<16xi32>
      %select_n3A_748 = arith.select %ge3A_747, %gather3A_119, %bitcast_convert_type3A_137 : vector<16xi1>, vector<16xf32>
      %add3A_749 = arith.constant 304 : i32
      %add3A_750 = arith.addi %add3A_466, %add3A_749 : i32
      %ge3A_751 = vector.broadcast %add3A_750 : i32 to vector<16xi32>
      %ge3A_752 = arith.cmpi sge, %get3A_142, %ge3A_751 : vector<16xi32>
      %select_n3A_753 = arith.select %ge3A_752, %gather3A_143, %bitcast_convert_type3A_161 : vector<16xi1>, vector<16xf32>
      %add3A_754 = arith.constant 304 : i32
      %add3A_755 = arith.addi %add3A_466, %add3A_754 : i32
      %ge3A_756 = vector.broadcast %add3A_755 : i32 to vector<16xi32>
      %ge3A_757 = arith.cmpi sge, %get3A_166, %ge3A_756 : vector<16xi32>
      %select_n3A_758 = arith.select %ge3A_757, %gather3A_167, %bitcast_convert_type3A_185 : vector<16xi1>, vector<16xf32>
      %add3A_759 = arith.constant 304 : i32
      %add3A_760 = arith.addi %add3A_466, %add3A_759 : i32
      %ge3A_761 = vector.broadcast %add3A_760 : i32 to vector<16xi32>
      %ge3A_762 = arith.cmpi sge, %get3A_190, %ge3A_761 : vector<16xi32>
      %select_n3A_763 = arith.select %ge3A_762, %gather3A_191, %bitcast_convert_type3A_209 : vector<16xi1>, vector<16xf32>
      %add3A_764 = arith.constant 304 : i32
      %add3A_765 = arith.addi %add3A_466, %add3A_764 : i32
      %ge3A_766 = vector.broadcast %add3A_765 : i32 to vector<16xi32>
      %ge3A_767 = arith.cmpi sge, %get3A_214, %ge3A_766 : vector<16xi32>
      %select_n3A_768 = arith.select %ge3A_767, %gather3A_215, %bitcast_convert_type3A_233 : vector<16xi1>, vector<16xf32>
      %add3A_769 = arith.constant 304 : i32
      %add3A_770 = arith.addi %add3A_466, %add3A_769 : i32
      %ge3A_771 = vector.broadcast %add3A_770 : i32 to vector<16xi32>
      %ge3A_772 = arith.cmpi sge, %get3A_238, %ge3A_771 : vector<16xi32>
      %select_n3A_773 = arith.select %ge3A_772, %gather3A_239, %bitcast_convert_type3A_257 : vector<16xi1>, vector<16xf32>
      %add3A_774 = arith.constant 304 : i32
      %add3A_775 = arith.addi %add3A_466, %add3A_774 : i32
      %ge3A_776 = vector.broadcast %add3A_775 : i32 to vector<16xi32>
      %ge3A_777 = arith.cmpi sge, %get3A_262, %ge3A_776 : vector<16xi32>
      %select_n3A_778 = arith.select %ge3A_777, %gather3A_263, %bitcast_convert_type3A_281 : vector<16xi1>, vector<16xf32>
      %scan3A = arith.constant 0 : i32
      %scan3A_779 = arith.constant 304 : i32
      %scan3A_780 = arith.addi %scan3A, %scan3A_779 : i32
      %scan3A_781 = arith.constant 1 : i32
      %scan3A_782:8 = scf.for %scan3A_784 = %scan3A to %scan3A_780 step %scan3A_781 iter_args(%scan3A_785 = %cond3A_453#0, %scan3A_786 = %cond3A_453#1, %scan3A_787 = %cond3A_453#2, %scan3A_788 = %cond3A_453#3, %scan3A_789 = %cond3A_453#4, %scan3A_790 = %cond3A_453#5, %scan3A_791 = %cond3A_453#6, %scan3A_792 = %cond3A_453#7) -> (vector<16xi32>, vector<16xi32>, vector<16xi32>, vector<16xi32>, vector<16xi32>, vector<16xi32>, vector<16xi32>, vector<16xi32>)  : i32 {
        %get3A_793 = arith.constant 0 : i32
        %get3A_794 = tpu.memref_slice %arg8[%scan3A_784, %get3A_793] : memref<304x128xf32, #tpu.memory_space<vmem>> -> memref<1x128xf32, #tpu.memory_space<vmem>>
        %get3A_795 = tpu.memref_squeeze %get3A_794 : memref<1x128xf32, #tpu.memory_space<vmem>> -> memref<128xf32, #tpu.memory_space<vmem>>
        %get3A_796 = arith.constant 0 : index
        %get3A_797 = tpu.vector_load %get3A_795[%get3A_796] {strides = array<i32>} : memref<128xf32, #tpu.memory_space<vmem>>, vector<16xf32>,
        %ge3A_798 = arith.cmpf oge, %get3A_797, %select_n3A_743 : vector<16xf32>
        %convert_element_type3A_799 = arith.extui %ge3A_798 : vector<16xi1> to vector<16xi32>
        %add3A_800 = arith.addi %scan3A_785, %convert_element_type3A_799 : vector<16xi32>
        %get3A_801 = arith.constant 0 : i32
        %get3A_802 = tpu.memref_slice %arg8[%scan3A_784, %get3A_801] : memref<304x128xf32, #tpu.memory_space<vmem>> -> memref<1x128xf32, #tpu.memory_space<vmem>>
        %get3A_803 = tpu.memref_squeeze %get3A_802 : memref<1x128xf32, #tpu.memory_space<vmem>> -> memref<128xf32, #tpu.memory_space<vmem>>
        %get3A_804 = arith.constant 16 : index
        %get3A_805 = tpu.vector_load %get3A_803[%get3A_804] {strides = array<i32>} : memref<128xf32, #tpu.memory_space<vmem>>, vector<16xf32>,
        %ge3A_806 = arith.cmpf oge, %get3A_805, %select_n3A_748 : vector<16xf32>
        %convert_element_type3A_807 = arith.extui %ge3A_806 : vector<16xi1> to vector<16xi32>
        %add3A_808 = arith.addi %scan3A_786, %convert_element_type3A_807 : vector<16xi32>
        %get3A_809 = arith.constant 0 : i32
        %get3A_810 = tpu.memref_slice %arg8[%scan3A_784, %get3A_809] : memref<304x128xf32, #tpu.memory_space<vmem>> -> memref<1x128xf32, #tpu.memory_space<vmem>>
        %get3A_811 = tpu.memref_squeeze %get3A_810 : memref<1x128xf32, #tpu.memory_space<vmem>> -> memref<128xf32, #tpu.memory_space<vmem>>
        %get3A_812 = arith.constant 32 : index
        %get3A_813 = tpu.vector_load %get3A_811[%get3A_812] {strides = array<i32>} : memref<128xf32, #tpu.memory_space<vmem>>, vector<16xf32>,
        %ge3A_814 = arith.cmpf oge, %get3A_813, %select_n3A_753 : vector<16xf32>
        %convert_element_type3A_815 = arith.extui %ge3A_814 : vector<16xi1> to vector<16xi32>
        %add3A_816 = arith.addi %scan3A_787, %convert_element_type3A_815 : vector<16xi32>
        %get3A_817 = arith.constant 0 : i32
        %get3A_818 = tpu.memref_slice %arg8[%scan3A_784, %get3A_817] : memref<304x128xf32, #tpu.memory_space<vmem>> -> memref<1x128xf32, #tpu.memory_space<vmem>>
        %get3A_819 = tpu.memref_squeeze %get3A_818 : memref<1x128xf32, #tpu.memory_space<vmem>> -> memref<128xf32, #tpu.memory_space<vmem>>
        %get3A_820 = arith.constant 48 : index
        %get3A_821 = tpu.vector_load %get3A_819[%get3A_820] {strides = array<i32>} : memref<128xf32, #tpu.memory_space<vmem>>, vector<16xf32>,
        %ge3A_822 = arith.cmpf oge, %get3A_821, %select_n3A_758 : vector<16xf32>
        %convert_element_type3A_823 = arith.extui %ge3A_822 : vector<16xi1> to vector<16xi32>
        %add3A_824 = arith.addi %scan3A_788, %convert_element_type3A_823 : vector<16xi32>
        %get3A_825 = arith.constant 0 : i32
        %get3A_826 = tpu.memref_slice %arg8[%scan3A_784, %get3A_825] : memref<304x128xf32, #tpu.memory_space<vmem>> -> memref<1x128xf32, #tpu.memory_space<vmem>>
        %get3A_827 = tpu.memref_squeeze %get3A_826 : memref<1x128xf32, #tpu.memory_space<vmem>> -> memref<128xf32, #tpu.memory_space<vmem>>
        %get3A_828 = arith.constant 64 : index
        %get3A_829 = tpu.vector_load %get3A_827[%get3A_828] {strides = array<i32>} : memref<128xf32, #tpu.memory_space<vmem>>, vector<16xf32>,
        %ge3A_830 = arith.cmpf oge, %get3A_829, %select_n3A_763 : vector<16xf32>
        %convert_element_type3A_831 = arith.extui %ge3A_830 : vector<16xi1> to vector<16xi32>
        %add3A_832 = arith.addi %scan3A_789, %convert_element_type3A_831 : vector<16xi32>
        %get3A_833 = arith.constant 0 : i32
        %get3A_834 = tpu.memref_slice %arg8[%scan3A_784, %get3A_833] : memref<304x128xf32, #tpu.memory_space<vmem>> -> memref<1x128xf32, #tpu.memory_space<vmem>>
        %get3A_835 = tpu.memref_squeeze %get3A_834 : memref<1x128xf32, #tpu.memory_space<vmem>> -> memref<128xf32, #tpu.memory_space<vmem>>
        %get3A_836 = arith.constant 80 : index
        %get3A_837 = tpu.vector_load %get3A_835[%get3A_836] {strides = array<i32>} : memref<128xf32, #tpu.memory_space<vmem>>, vector<16xf32>,
        %ge3A_838 = arith.cmpf oge, %get3A_837, %select_n3A_768 : vector<16xf32>
        %convert_element_type3A_839 = arith.extui %ge3A_838 : vector<16xi1> to vector<16xi32>
        %add3A_840 = arith.addi %scan3A_790, %convert_element_type3A_839 : vector<16xi32>
        %get3A_841 = arith.constant 0 : i32
        %get3A_842 = tpu.memref_slice %arg8[%scan3A_784, %get3A_841] : memref<304x128xf32, #tpu.memory_space<vmem>> -> memref<1x128xf32, #tpu.memory_space<vmem>>
        %get3A_843 = tpu.memref_squeeze %get3A_842 : memref<1x128xf32, #tpu.memory_space<vmem>> -> memref<128xf32, #tpu.memory_space<vmem>>
        %get3A_844 = arith.constant 96 : index
        %get3A_845 = tpu.vector_load %get3A_843[%get3A_844] {strides = array<i32>} : memref<128xf32, #tpu.memory_space<vmem>>, vector<16xf32>,
        %ge3A_846 = arith.cmpf oge, %get3A_845, %select_n3A_773 : vector<16xf32>
        %convert_element_type3A_847 = arith.extui %ge3A_846 : vector<16xi1> to vector<16xi32>
        %add3A_848 = arith.addi %scan3A_791, %convert_element_type3A_847 : vector<16xi32>
        %get3A_849 = arith.constant 0 : i32
        %get3A_850 = tpu.memref_slice %arg8[%scan3A_784, %get3A_849] : memref<304x128xf32, #tpu.memory_space<vmem>> -> memref<1x128xf32, #tpu.memory_space<vmem>>
        %get3A_851 = tpu.memref_squeeze %get3A_850 : memref<1x128xf32, #tpu.memory_space<vmem>> -> memref<128xf32, #tpu.memory_space<vmem>>
        %get3A_852 = arith.constant 112 : index
        %get3A_853 = tpu.vector_load %get3A_851[%get3A_852] {strides = array<i32>} : memref<128xf32, #tpu.memory_space<vmem>>, vector<16xf32>,
        %ge3A_854 = arith.cmpf oge, %get3A_853, %select_n3A_778 : vector<16xf32>
        %convert_element_type3A_855 = arith.extui %ge3A_854 : vector<16xi1> to vector<16xi32>
        %add3A_856 = arith.addi %scan3A_792, %convert_element_type3A_855 : vector<16xi32>
        scf.yield %add3A_800, %add3A_808, %add3A_816, %add3A_824, %add3A_832, %add3A_840, %add3A_848, %add3A_856 : vector<16xi32>, vector<16xi32>, vector<16xi32>, vector<16xi32>, vector<16xi32>, vector<16xi32>, vector<16xi32>, vector<16xi32>
      }
      %scan3A_783 = arith.constant 304 : i32
      scf.yield %scan3A_782#0, %scan3A_782#1, %scan3A_782#2, %scan3A_782#3, %scan3A_782#4, %scan3A_782#5, %scan3A_782#6, %scan3A_782#7 : vector<16xi32>, vector<16xi32>, vector<16xi32>, vector<16xi32>, vector<16xi32>, vector<16xi32>, vector<16xi32>, vector<16xi32>
    }
    %add3A_546 = arith.constant 1216 : i32
    %add3A_547 = arith.addi %add3A_4, %add3A_546 : i32
    %multiple_of3A_548 = tpu.assume_multiple %add3A_547, 8 : i32
    %dma_start3A_549 = arith.constant 0 : i32
    %dma_start3A_550 = tpu.memref_slice %arg2[%multiple_of3A_548, %dma_start3A_549] : memref<100000x128xf32, #tpu.memory_space<hbm>> -> memref<304x128xf32, #tpu.memory_space<hbm>>
    %dma_start3A_551 = arith.constant 0 : i32
    %dma_start3A_552 = tpu.memref_slice %arg2[%multiple_of3A_548, %dma_start3A_551] : memref<100000x128xf32, #tpu.memory_space<hbm>> -> memref<304x128xf32, #tpu.memory_space<hbm>>
    tpu.enqueue_dma source(%dma_start3A_552 : memref<304x128xf32, #tpu.memory_space<hbm>>) target(%arg8 : memref<304x128xf32, #tpu.memory_space<vmem>>) target_semaphore(%arg11 : memref<!tpu.dma_semaphore, #tpu.memory_space<semaphore_mem>>)
    %dma_wait3A_553 = arith.constant 0 : i32
    %dma_wait3A_554 = tpu.memref_slice %arg2[%multiple_of3A_456, %dma_wait3A_553] : memref<100000x128xf32, #tpu.memory_space<hbm>> -> memref<304x128xf32, #tpu.memory_space<hbm>>
    %dma_wait3A_555 = arith.constant 0 : i32
    %dma_wait3A_556 = tpu.memref_slice %arg2[%multiple_of3A_456, %dma_wait3A_555] : memref<100000x128xf32, #tpu.memory_space<hbm>> -> memref<304x128xf32, #tpu.memory_space<hbm>>
    tpu.wait_dma2 semaphore(%arg12 : memref<!tpu.dma_semaphore, #tpu.memory_space<semaphore_mem>>) src(%dma_wait3A_556 : memref<304x128xf32, #tpu.memory_space<hbm>>) dst(%arg9 : memref<304x128xf32, #tpu.memory_space<vmem>>)
    %add3A_557 = arith.constant 912 : i32
    %add3A_558 = arith.addi %add3A_4, %add3A_557 : i32
    %broadcast_in_dim3A_559 = vector.broadcast %add3A_558 : i32 to vector<16xi32>
    %ge3A_560 = arith.cmpi sge, %get3A_101, %broadcast_in_dim3A_559 : vector<16xi32>
    %add3A_561 = arith.constant 304 : i32
    %add3A_562 = vector.broadcast %add3A_561 : i32 to vector<16xi32>
    %add3A_563 = arith.addi %broadcast_in_dim3A_559, %add3A_562 : vector<16xi32>
    %lt3A_564 = arith.cmpi slt, %get3A_101, %add3A_563 : vector<16xi32>
    %and3A_565 = arith.andi %ge3A_560, %lt3A_564 : vector<16xi1>
    %all_reduce_population_count3A_566 = tpu.all_reduce %and3A_565 {dim = 0 : i64, kind = #tpu.reduction_kind<sum>} : vector<16xi1> -> vector<16xi32>
    %add3A_567 = arith.addi %broadcast_in_dim3A_283, %all_reduce_population_count3A_566 : vector<16xi32>
    %ge3A_568 = arith.cmpi sge, %get3A_118, %broadcast_in_dim3A_559 : vector<16xi32>
    %add3A_569 = arith.constant 304 : i32
    %add3A_570 = vector.broadcast %add3A_569 : i32 to vector<16xi32>
    %add3A_571 = arith.addi %broadcast_in_dim3A_559, %add3A_570 : vector<16xi32>
    %lt3A_572 = arith.cmpi slt, %get3A_118, %add3A_571 : vector<16xi32>
    %and3A_573 = arith.andi %ge3A_568, %lt3A_572 : vector<16xi1>
    %all_reduce_population_count3A_574 = tpu.all_reduce %and3A_573 {dim = 0 : i64, kind = #tpu.reduction_kind<sum>} : vector<16xi1> -> vector<16xi32>
    %add3A_575 = arith.addi %add3A_567, %all_reduce_population_count3A_574 : vector<16xi32>
    %ge3A_576 = arith.cmpi sge, %get3A_142, %broadcast_in_dim3A_559 : vector<16xi32>
    %add3A_577 = arith.constant 304 : i32
    %add3A_578 = vector.broadcast %add3A_577 : i32 to vector<16xi32>
    %add3A_579 = arith.addi %broadcast_in_dim3A_559, %add3A_578 : vector<16xi32>
    %lt3A_580 = arith.cmpi slt, %get3A_142, %add3A_579 : vector<16xi32>
    %and3A_581 = arith.andi %ge3A_576, %lt3A_580 : vector<16xi1>
    %all_reduce_population_count3A_582 = tpu.all_reduce %and3A_581 {dim = 0 : i64, kind = #tpu.reduction_kind<sum>} : vector<16xi1> -> vector<16xi32>
    %add3A_583 = arith.addi %add3A_575, %all_reduce_population_count3A_582 : vector<16xi32>
    %ge3A_584 = arith.cmpi sge, %get3A_166, %broadcast_in_dim3A_559 : vector<16xi32>
    %add3A_585 = arith.constant 304 : i32
    %add3A_586 = vector.broadcast %add3A_585 : i32 to vector<16xi32>
    %add3A_587 = arith.addi %broadcast_in_dim3A_559, %add3A_586 : vector<16xi32>
    %lt3A_588 = arith.cmpi slt, %get3A_166, %add3A_587 : vector<16xi32>
    %and3A_589 = arith.andi %ge3A_584, %lt3A_588 : vector<16xi1>
    %all_reduce_population_count3A_590 = tpu.all_reduce %and3A_589 {dim = 0 : i64, kind = #tpu.reduction_kind<sum>} : vector<16xi1> -> vector<16xi32>
    %add3A_591 = arith.addi %add3A_583, %all_reduce_population_count3A_590 : vector<16xi32>
    %ge3A_592 = arith.cmpi sge, %get3A_190, %broadcast_in_dim3A_559 : vector<16xi32>
    %add3A_593 = arith.constant 304 : i32
    %add3A_594 = vector.broadcast %add3A_593 : i32 to vector<16xi32>
    %add3A_595 = arith.addi %broadcast_in_dim3A_559, %add3A_594 : vector<16xi32>
    %lt3A_596 = arith.cmpi slt, %get3A_190, %add3A_595 : vector<16xi32>
    %and3A_597 = arith.andi %ge3A_592, %lt3A_596 : vector<16xi1>
    %all_reduce_population_count3A_598 = tpu.all_reduce %and3A_597 {dim = 0 : i64, kind = #tpu.reduction_kind<sum>} : vector<16xi1> -> vector<16xi32>
    %add3A_599 = arith.addi %add3A_591, %all_reduce_population_count3A_598 : vector<16xi32>
    %ge3A_600 = arith.cmpi sge, %get3A_214, %broadcast_in_dim3A_559 : vector<16xi32>
    %add3A_601 = arith.constant 304 : i32
    %add3A_602 = vector.broadcast %add3A_601 : i32 to vector<16xi32>
    %add3A_603 = arith.addi %broadcast_in_dim3A_559, %add3A_602 : vector<16xi32>
    %lt3A_604 = arith.cmpi slt, %get3A_214, %add3A_603 : vector<16xi32>
    %and3A_605 = arith.andi %ge3A_600, %lt3A_604 : vector<16xi1>
    %all_reduce_population_count3A_606 = tpu.all_reduce %and3A_605 {dim = 0 : i64, kind = #tpu.reduction_kind<sum>} : vector<16xi1> -> vector<16xi32>
    %add3A_607 = arith.addi %add3A_599, %all_reduce_population_count3A_606 : vector<16xi32>
    %ge3A_608 = arith.cmpi sge, %get3A_238, %broadcast_in_dim3A_559 : vector<16xi32>
    %add3A_609 = arith.constant 304 : i32
    %add3A_610 = vector.broadcast %add3A_609 : i32 to vector<16xi32>
    %add3A_611 = arith.addi %broadcast_in_dim3A_559, %add3A_610 : vector<16xi32>
    %lt3A_612 = arith.cmpi slt, %get3A_238, %add3A_611 : vector<16xi32>
    %and3A_613 = arith.andi %ge3A_608, %lt3A_612 : vector<16xi1>
    %all_reduce_population_count3A_614 = tpu.all_reduce %and3A_613 {dim = 0 : i64, kind = #tpu.reduction_kind<sum>} : vector<16xi1> -> vector<16xi32>
    %add3A_615 = arith.addi %add3A_607, %all_reduce_population_count3A_614 : vector<16xi32>
    %ge3A_616 = arith.cmpi sge, %get3A_262, %broadcast_in_dim3A_559 : vector<16xi32>
    %add3A_617 = arith.constant 304 : i32
    %add3A_618 = vector.broadcast %add3A_617 : i32 to vector<16xi32>
    %add3A_619 = arith.addi %broadcast_in_dim3A_559, %add3A_618 : vector<16xi32>
    %lt3A_620 = arith.cmpi slt, %get3A_262, %add3A_619 : vector<16xi32>
    %and3A_621 = arith.andi %ge3A_616, %lt3A_620 : vector<16xi1>
    %all_reduce_population_count3A_622 = tpu.all_reduce %and3A_621 {dim = 0 : i64, kind = #tpu.reduction_kind<sum>} : vector<16xi1> -> vector<16xi32>
    %add3A_623 = arith.addi %add3A_615, %all_reduce_population_count3A_622 : vector<16xi32>
    %reduce_max3A_624 = arith.constant true
    %reduce_max3A_625 = vector.broadcast %reduce_max3A_624 : i1 to vector<16xi1>
    %reduce_max3A_626 = arith.constant -2147483648 : i32
    %reduce_max3A_627 = vector.broadcast %reduce_max3A_626 : i32 to vector<16xi32>
    %reduce_max3A_628 = arith.xori %add3A_623, %reduce_max3A_627 : vector<16xi32>
    %reduce_max3A_629 = tpu.scan <max>, %reduce_max3A_628 masked %reduce_max3A_625 : vector<16xi32>, vector<16xi1> -> vector<16xi32>
    %reduce_max3A_630 = arith.xori %reduce_max3A_629, %reduce_max3A_627 : vector<16xi32>
    %reduce_max3A_631 = vector.extract %reduce_max3A_630[15] : i32 from vector<16xi32>
    %gt3A_632 = arith.constant 0 : i32
    %gt3A_633 = arith.cmpi sgt, %reduce_max3A_631, %gt3A_632 : i32
    %convert_element_type3A_634 = arith.extui %gt3A_633 : i1 to i32
    %cond3A_635 = arith.constant 0 : i32
    %cond3A_636 = arith.cmpi ne, %convert_element_type3A_634, %cond3A_635 : i32
    %cond3A_637:8 = scf.if %cond3A_636 -> (vector<16xi32>, vector<16xi32>, vector<16xi32>, vector<16xi32>, vector<16xi32>, vector<16xi32>, vector<16xi32>, vector<16xi32>) {
      %gt3A_739 = vector.broadcast %add3A_558 : i32 to vector<16xi32>
      %gt3A_740 = arith.cmpi sgt, %get3A_101, %gt3A_739 : vector<16xi32>
      %select_n3A_741 = arith.select %gt3A_740, %gather3A, %bitcast_convert_type3A_113 : vector<16xi1>, vector<16xf32>
      %gt3A_742 = vector.broadcast %add3A_558 : i32 to vector<16xi32>
      %gt3A_743 = arith.cmpi sgt, %get3A_118, %gt3A_742 : vector<16xi32>
      %select_n3A_744 = arith.select %gt3A_743, %gather3A_119, %bitcast_convert_type3A_137 : vector<16xi1>, vector<16xf32>
      %gt3A_745 = vector.broadcast %add3A_558 : i32 to vector<16xi32>
      %gt3A_746 = arith.cmpi sgt, %get3A_142, %gt3A_745 : vector<16xi32>
      %select_n3A_747 = arith.select %gt3A_746, %gather3A_143, %bitcast_convert_type3A_161 : vector<16xi1>, vector<16xf32>
      %gt3A_748 = vector.broadcast %add3A_558 : i32 to vector<16xi32>
      %gt3A_749 = arith.cmpi sgt, %get3A_166, %gt3A_748 : vector<16xi32>
      %select_n3A_750 = arith.select %gt3A_749, %gather3A_167, %bitcast_convert_type3A_185 : vector<16xi1>, vector<16xf32>
      %gt3A_751 = vector.broadcast %add3A_558 : i32 to vector<16xi32>
      %gt3A_752 = arith.cmpi sgt, %get3A_190, %gt3A_751 : vector<16xi32>
      %select_n3A_753 = arith.select %gt3A_752, %gather3A_191, %bitcast_convert_type3A_209 : vector<16xi1>, vector<16xf32>
      %gt3A_754 = vector.broadcast %add3A_558 : i32 to vector<16xi32>
      %gt3A_755 = arith.cmpi sgt, %get3A_214, %gt3A_754 : vector<16xi32>
      %select_n3A_756 = arith.select %gt3A_755, %gather3A_215, %bitcast_convert_type3A_233 : vector<16xi1>, vector<16xf32>
      %gt3A_757 = vector.broadcast %add3A_558 : i32 to vector<16xi32>
      %gt3A_758 = arith.cmpi sgt, %get3A_238, %gt3A_757 : vector<16xi32>
      %select_n3A_759 = arith.select %gt3A_758, %gather3A_239, %bitcast_convert_type3A_257 : vector<16xi1>, vector<16xf32>
      %gt3A_760 = vector.broadcast %add3A_558 : i32 to vector<16xi32>
      %gt3A_761 = arith.cmpi sgt, %get3A_262, %gt3A_760 : vector<16xi32>
      %select_n3A_762 = arith.select %gt3A_761, %gather3A_263, %bitcast_convert_type3A_281 : vector<16xi1>, vector<16xf32>
      %scan3A = arith.constant 0 : i32
      %scan3A_763 = arith.constant 304 : i32
      %scan3A_764 = arith.addi %scan3A, %scan3A_763 : i32
      %scan3A_765 = arith.constant 1 : i32
      %scan3A_766:16 = scf.for %scan3A_768 = %scan3A to %scan3A_764 step %scan3A_765 iter_args(%scan3A_769 = %cond3A_545#0, %scan3A_770 = %cond3A_545#1, %scan3A_771 = %cond3A_545#2, %scan3A_772 = %cond3A_545#3, %scan3A_773 = %cond3A_545#4, %scan3A_774 = %cond3A_545#5, %scan3A_775 = %cond3A_545#6, %scan3A_776 = %cond3A_545#7, %scan3A_777 = %select_n3A_741, %scan3A_778 = %select_n3A_744, %scan3A_779 = %select_n3A_747, %scan3A_780 = %select_n3A_750, %scan3A_781 = %select_n3A_753, %scan3A_782 = %select_n3A_756, %scan3A_783 = %select_n3A_759, %scan3A_784 = %select_n3A_762) -> (vector<16xi32>, vector<16xi32>, vector<16xi32>, vector<16xi32>, vector<16xi32>, vector<16xi32>, vector<16xi32>, vector<16xi32>, vector<16xf32>, vector<16xf32>, vector<16xf32>, vector<16xf32>, vector<16xf32>, vector<16xf32>, vector<16xf32>, vector<16xf32>)  : i32 {
        %broadcast_in_dim3A_785 = vector.broadcast %add3A_558 : i32 to vector<16xi32>
        %add3A_786 = vector.broadcast %scan3A_768 : i32 to vector<16xi32>
        %add3A_787 = arith.addi %broadcast_in_dim3A_785, %add3A_786 : vector<16xi32>
        %get3A_788 = arith.constant 0 : i32
        %get3A_789 = tpu.memref_slice %arg9[%scan3A_768, %get3A_788] : memref<304x128xf32, #tpu.memory_space<vmem>> -> memref<1x128xf32, #tpu.memory_space<vmem>>
        %get3A_790 = tpu.memref_squeeze %get3A_789 : memref<1x128xf32, #tpu.memory_space<vmem>> -> memref<128xf32, #tpu.memory_space<vmem>>
        %get3A_791 = arith.constant 0 : index
        %get3A_792 = tpu.vector_load %get3A_790[%get3A_791] {strides = array<i32>} : memref<128xf32, #tpu.memory_space<vmem>>, vector<16xf32>,
        %eq3A_793 = arith.cmpi eq, %add3A_787, %get3A_101 : vector<16xi32>
        %select_n3A_794 = arith.select %eq3A_793, %bitcast_convert_type3A_113, %scan3A_777 : vector<16xi1>, vector<16xf32>
        %ge3A_795 = arith.cmpf oge, %get3A_792, %select_n3A_794 : vector<16xf32>
        %convert_element_type3A_796 = arith.extui %ge3A_795 : vector<16xi1> to vector<16xi32>
        %add3A_797 = arith.addi %scan3A_769, %convert_element_type3A_796 : vector<16xi32>
        %get3A_798 = arith.constant 0 : i32
        %get3A_799 = tpu.memref_slice %arg9[%scan3A_768, %get3A_798] : memref<304x128xf32, #tpu.memory_space<vmem>> -> memref<1x128xf32, #tpu.memory_space<vmem>>
        %get3A_800 = tpu.memref_squeeze %get3A_799 : memref<1x128xf32, #tpu.memory_space<vmem>> -> memref<128xf32, #tpu.memory_space<vmem>>
        %get3A_801 = arith.constant 16 : index
        %get3A_802 = tpu.vector_load %get3A_800[%get3A_801] {strides = array<i32>} : memref<128xf32, #tpu.memory_space<vmem>>, vector<16xf32>,
        %eq3A_803 = arith.cmpi eq, %add3A_787, %get3A_118 : vector<16xi32>
        %select_n3A_804 = arith.select %eq3A_803, %bitcast_convert_type3A_137, %scan3A_778 : vector<16xi1>, vector<16xf32>
        %ge3A_805 = arith.cmpf oge, %get3A_802, %select_n3A_804 : vector<16xf32>
        %convert_element_type3A_806 = arith.extui %ge3A_805 : vector<16xi1> to vector<16xi32>
        %add3A_807 = arith.addi %scan3A_770, %convert_element_type3A_806 : vector<16xi32>
        %get3A_808 = arith.constant 0 : i32
        %get3A_809 = tpu.memref_slice %arg9[%scan3A_768, %get3A_808] : memref<304x128xf32, #tpu.memory_space<vmem>> -> memref<1x128xf32, #tpu.memory_space<vmem>>
        %get3A_810 = tpu.memref_squeeze %get3A_809 : memref<1x128xf32, #tpu.memory_space<vmem>> -> memref<128xf32, #tpu.memory_space<vmem>>
        %get3A_811 = arith.constant 32 : index
        %get3A_812 = tpu.vector_load %get3A_810[%get3A_811] {strides = array<i32>} : memref<128xf32, #tpu.memory_space<vmem>>, vector<16xf32>,
        %eq3A_813 = arith.cmpi eq, %add3A_787, %get3A_142 : vector<16xi32>
        %select_n3A_814 = arith.select %eq3A_813, %bitcast_convert_type3A_161, %scan3A_779 : vector<16xi1>, vector<16xf32>
        %ge3A_815 = arith.cmpf oge, %get3A_812, %select_n3A_814 : vector<16xf32>
        %convert_element_type3A_816 = arith.extui %ge3A_815 : vector<16xi1> to vector<16xi32>
        %add3A_817 = arith.addi %scan3A_771, %convert_element_type3A_816 : vector<16xi32>
        %get3A_818 = arith.constant 0 : i32
        %get3A_819 = tpu.memref_slice %arg9[%scan3A_768, %get3A_818] : memref<304x128xf32, #tpu.memory_space<vmem>> -> memref<1x128xf32, #tpu.memory_space<vmem>>
        %get3A_820 = tpu.memref_squeeze %get3A_819 : memref<1x128xf32, #tpu.memory_space<vmem>> -> memref<128xf32, #tpu.memory_space<vmem>>
        %get3A_821 = arith.constant 48 : index
        %get3A_822 = tpu.vector_load %get3A_820[%get3A_821] {strides = array<i32>} : memref<128xf32, #tpu.memory_space<vmem>>, vector<16xf32>,
        %eq3A_823 = arith.cmpi eq, %add3A_787, %get3A_166 : vector<16xi32>
        %select_n3A_824 = arith.select %eq3A_823, %bitcast_convert_type3A_185, %scan3A_780 : vector<16xi1>, vector<16xf32>
        %ge3A_825 = arith.cmpf oge, %get3A_822, %select_n3A_824 : vector<16xf32>
        %convert_element_type3A_826 = arith.extui %ge3A_825 : vector<16xi1> to vector<16xi32>
        %add3A_827 = arith.addi %scan3A_772, %convert_element_type3A_826 : vector<16xi32>
        %get3A_828 = arith.constant 0 : i32
        %get3A_829 = tpu.memref_slice %arg9[%scan3A_768, %get3A_828] : memref<304x128xf32, #tpu.memory_space<vmem>> -> memref<1x128xf32, #tpu.memory_space<vmem>>
        %get3A_830 = tpu.memref_squeeze %get3A_829 : memref<1x128xf32, #tpu.memory_space<vmem>> -> memref<128xf32, #tpu.memory_space<vmem>>
        %get3A_831 = arith.constant 64 : index
        %get3A_832 = tpu.vector_load %get3A_830[%get3A_831] {strides = array<i32>} : memref<128xf32, #tpu.memory_space<vmem>>, vector<16xf32>,
        %eq3A_833 = arith.cmpi eq, %add3A_787, %get3A_190 : vector<16xi32>
        %select_n3A_834 = arith.select %eq3A_833, %bitcast_convert_type3A_209, %scan3A_781 : vector<16xi1>, vector<16xf32>
        %ge3A_835 = arith.cmpf oge, %get3A_832, %select_n3A_834 : vector<16xf32>
        %convert_element_type3A_836 = arith.extui %ge3A_835 : vector<16xi1> to vector<16xi32>
        %add3A_837 = arith.addi %scan3A_773, %convert_element_type3A_836 : vector<16xi32>
        %get3A_838 = arith.constant 0 : i32
        %get3A_839 = tpu.memref_slice %arg9[%scan3A_768, %get3A_838] : memref<304x128xf32, #tpu.memory_space<vmem>> -> memref<1x128xf32, #tpu.memory_space<vmem>>
        %get3A_840 = tpu.memref_squeeze %get3A_839 : memref<1x128xf32, #tpu.memory_space<vmem>> -> memref<128xf32, #tpu.memory_space<vmem>>
        %get3A_841 = arith.constant 80 : index
        %get3A_842 = tpu.vector_load %get3A_840[%get3A_841] {strides = array<i32>} : memref<128xf32, #tpu.memory_space<vmem>>, vector<16xf32>,
        %eq3A_843 = arith.cmpi eq, %add3A_787, %get3A_214 : vector<16xi32>
        %select_n3A_844 = arith.select %eq3A_843, %bitcast_convert_type3A_233, %scan3A_782 : vector<16xi1>, vector<16xf32>
        %ge3A_845 = arith.cmpf oge, %get3A_842, %select_n3A_844 : vector<16xf32>
        %convert_element_type3A_846 = arith.extui %ge3A_845 : vector<16xi1> to vector<16xi32>
        %add3A_847 = arith.addi %scan3A_774, %convert_element_type3A_846 : vector<16xi32>
        %get3A_848 = arith.constant 0 : i32
        %get3A_849 = tpu.memref_slice %arg9[%scan3A_768, %get3A_848] : memref<304x128xf32, #tpu.memory_space<vmem>> -> memref<1x128xf32, #tpu.memory_space<vmem>>
        %get3A_850 = tpu.memref_squeeze %get3A_849 : memref<1x128xf32, #tpu.memory_space<vmem>> -> memref<128xf32, #tpu.memory_space<vmem>>
        %get3A_851 = arith.constant 96 : index
        %get3A_852 = tpu.vector_load %get3A_850[%get3A_851] {strides = array<i32>} : memref<128xf32, #tpu.memory_space<vmem>>, vector<16xf32>,
        %eq3A_853 = arith.cmpi eq, %add3A_787, %get3A_238 : vector<16xi32>
        %select_n3A_854 = arith.select %eq3A_853, %bitcast_convert_type3A_257, %scan3A_783 : vector<16xi1>, vector<16xf32>
        %ge3A_855 = arith.cmpf oge, %get3A_852, %select_n3A_854 : vector<16xf32>
        %convert_element_type3A_856 = arith.extui %ge3A_855 : vector<16xi1> to vector<16xi32>
        %add3A_857 = arith.addi %scan3A_775, %convert_element_type3A_856 : vector<16xi32>
        %get3A_858 = arith.constant 0 : i32
        %get3A_859 = tpu.memref_slice %arg9[%scan3A_768, %get3A_858] : memref<304x128xf32, #tpu.memory_space<vmem>> -> memref<1x128xf32, #tpu.memory_space<vmem>>
        %get3A_860 = tpu.memref_squeeze %get3A_859 : memref<1x128xf32, #tpu.memory_space<vmem>> -> memref<128xf32, #tpu.memory_space<vmem>>
        %get3A_861 = arith.constant 112 : index
        %get3A_862 = tpu.vector_load %get3A_860[%get3A_861] {strides = array<i32>} : memref<128xf32, #tpu.memory_space<vmem>>, vector<16xf32>,
        %eq3A_863 = arith.cmpi eq, %add3A_787, %get3A_262 : vector<16xi32>
        %select_n3A_864 = arith.select %eq3A_863, %bitcast_convert_type3A_281, %scan3A_784 : vector<16xi1>, vector<16xf32>
        %ge3A_865 = arith.cmpf oge, %get3A_862, %select_n3A_864 : vector<16xf32>
        %convert_element_type3A_866 = arith.extui %ge3A_865 : vector<16xi1> to vector<16xi32>
        %add3A_867 = arith.addi %scan3A_776, %convert_element_type3A_866 : vector<16xi32>
        scf.yield %add3A_797, %add3A_807, %add3A_817, %add3A_827, %add3A_837, %add3A_847, %add3A_857, %add3A_867, %select_n3A_794, %select_n3A_804, %select_n3A_814, %select_n3A_824, %select_n3A_834, %select_n3A_844, %select_n3A_854, %select_n3A_864 : vector<16xi32>, vector<16xi32>, vector<16xi32>, vector<16xi32>, vector<16xi32>, vector<16xi32>, vector<16xi32>, vector<16xi32>, vector<16xf32>, vector<16xf32>, vector<16xf32>, vector<16xf32>, vector<16xf32>, vector<16xf32>, vector<16xf32>, vector<16xf32>
      }
      %scan3A_767 = arith.constant 304 : i32
      scf.yield %scan3A_766#0, %scan3A_766#1, %scan3A_766#2, %scan3A_766#3, %scan3A_766#4, %scan3A_766#5, %scan3A_766#6, %scan3A_766#7 : vector<16xi32>, vector<16xi32>, vector<16xi32>, vector<16xi32>, vector<16xi32>, vector<16xi32>, vector<16xi32>, vector<16xi32>
    } else {
      %add3A_739 = arith.constant 304 : i32
      %add3A_740 = arith.addi %add3A_558, %add3A_739 : i32
      %ge3A_741 = vector.broadcast %add3A_740 : i32 to vector<16xi32>
      %ge3A_742 = arith.cmpi sge, %get3A_101, %ge3A_741 : vector<16xi32>
      %select_n3A_743 = arith.select %ge3A_742, %gather3A, %bitcast_convert_type3A_113 : vector<16xi1>, vector<16xf32>
      %add3A_744 = arith.constant 304 : i32
      %add3A_745 = arith.addi %add3A_558, %add3A_744 : i32
      %ge3A_746 = vector.broadcast %add3A_745 : i32 to vector<16xi32>
      %ge3A_747 = arith.cmpi sge, %get3A_118, %ge3A_746 : vector<16xi32>
      %select_n3A_748 = arith.select %ge3A_747, %gather3A_119, %bitcast_convert_type3A_137 : vector<16xi1>, vector<16xf32>
      %add3A_749 = arith.constant 304 : i32
      %add3A_750 = arith.addi %add3A_558, %add3A_749 : i32
      %ge3A_751 = vector.broadcast %add3A_750 : i32 to vector<16xi32>
      %ge3A_752 = arith.cmpi sge, %get3A_142, %ge3A_751 : vector<16xi32>
      %select_n3A_753 = arith.select %ge3A_752, %gather3A_143, %bitcast_convert_type3A_161 : vector<16xi1>, vector<16xf32>
      %add3A_754 = arith.constant 304 : i32
      %add3A_755 = arith.addi %add3A_558, %add3A_754 : i32
      %ge3A_756 = vector.broadcast %add3A_755 : i32 to vector<16xi32>
      %ge3A_757 = arith.cmpi sge, %get3A_166, %ge3A_756 : vector<16xi32>
      %select_n3A_758 = arith.select %ge3A_757, %gather3A_167, %bitcast_convert_type3A_185 : vector<16xi1>, vector<16xf32>
      %add3A_759 = arith.constant 304 : i32
      %add3A_760 = arith.addi %add3A_558, %add3A_759 : i32
      %ge3A_761 = vector.broadcast %add3A_760 : i32 to vector<16xi32>
      %ge3A_762 = arith.cmpi sge, %get3A_190, %ge3A_761 : vector<16xi32>
      %select_n3A_763 = arith.select %ge3A_762, %gather3A_191, %bitcast_convert_type3A_209 : vector<16xi1>, vector<16xf32>
      %add3A_764 = arith.constant 304 : i32
      %add3A_765 = arith.addi %add3A_558, %add3A_764 : i32
      %ge3A_766 = vector.broadcast %add3A_765 : i32 to vector<16xi32>
      %ge3A_767 = arith.cmpi sge, %get3A_214, %ge3A_766 : vector<16xi32>
      %select_n3A_768 = arith.select %ge3A_767, %gather3A_215, %bitcast_convert_type3A_233 : vector<16xi1>, vector<16xf32>
      %add3A_769 = arith.constant 304 : i32
      %add3A_770 = arith.addi %add3A_558, %add3A_769 : i32
      %ge3A_771 = vector.broadcast %add3A_770 : i32 to vector<16xi32>
      %ge3A_772 = arith.cmpi sge, %get3A_238, %ge3A_771 : vector<16xi32>
      %select_n3A_773 = arith.select %ge3A_772, %gather3A_239, %bitcast_convert_type3A_257 : vector<16xi1>, vector<16xf32>
      %add3A_774 = arith.constant 304 : i32
      %add3A_775 = arith.addi %add3A_558, %add3A_774 : i32
      %ge3A_776 = vector.broadcast %add3A_775 : i32 to vector<16xi32>
      %ge3A_777 = arith.cmpi sge, %get3A_262, %ge3A_776 : vector<16xi32>
      %select_n3A_778 = arith.select %ge3A_777, %gather3A_263, %bitcast_convert_type3A_281 : vector<16xi1>, vector<16xf32>
      %scan3A = arith.constant 0 : i32
      %scan3A_779 = arith.constant 304 : i32
      %scan3A_780 = arith.addi %scan3A, %scan3A_779 : i32
      %scan3A_781 = arith.constant 1 : i32
      %scan3A_782:8 = scf.for %scan3A_784 = %scan3A to %scan3A_780 step %scan3A_781 iter_args(%scan3A_785 = %cond3A_545#0, %scan3A_786 = %cond3A_545#1, %scan3A_787 = %cond3A_545#2, %scan3A_788 = %cond3A_545#3, %scan3A_789 = %cond3A_545#4, %scan3A_790 = %cond3A_545#5, %scan3A_791 = %cond3A_545#6, %scan3A_792 = %cond3A_545#7) -> (vector<16xi32>, vector<16xi32>, vector<16xi32>, vector<16xi32>, vector<16xi32>, vector<16xi32>, vector<16xi32>, vector<16xi32>)  : i32 {
        %get3A_793 = arith.constant 0 : i32
        %get3A_794 = tpu.memref_slice %arg9[%scan3A_784, %get3A_793] : memref<304x128xf32, #tpu.memory_space<vmem>> -> memref<1x128xf32, #tpu.memory_space<vmem>>
        %get3A_795 = tpu.memref_squeeze %get3A_794 : memref<1x128xf32, #tpu.memory_space<vmem>> -> memref<128xf32, #tpu.memory_space<vmem>>
        %get3A_796 = arith.constant 0 : index
        %get3A_797 = tpu.vector_load %get3A_795[%get3A_796] {strides = array<i32>} : memref<128xf32, #tpu.memory_space<vmem>>, vector<16xf32>,
        %ge3A_798 = arith.cmpf oge, %get3A_797, %select_n3A_743 : vector<16xf32>
        %convert_element_type3A_799 = arith.extui %ge3A_798 : vector<16xi1> to vector<16xi32>
        %add3A_800 = arith.addi %scan3A_785, %convert_element_type3A_799 : vector<16xi32>
        %get3A_801 = arith.constant 0 : i32
        %get3A_802 = tpu.memref_slice %arg9[%scan3A_784, %get3A_801] : memref<304x128xf32, #tpu.memory_space<vmem>> -> memref<1x128xf32, #tpu.memory_space<vmem>>
        %get3A_803 = tpu.memref_squeeze %get3A_802 : memref<1x128xf32, #tpu.memory_space<vmem>> -> memref<128xf32, #tpu.memory_space<vmem>>
        %get3A_804 = arith.constant 16 : index
        %get3A_805 = tpu.vector_load %get3A_803[%get3A_804] {strides = array<i32>} : memref<128xf32, #tpu.memory_space<vmem>>, vector<16xf32>,
        %ge3A_806 = arith.cmpf oge, %get3A_805, %select_n3A_748 : vector<16xf32>
        %convert_element_type3A_807 = arith.extui %ge3A_806 : vector<16xi1> to vector<16xi32>
        %add3A_808 = arith.addi %scan3A_786, %convert_element_type3A_807 : vector<16xi32>
        %get3A_809 = arith.constant 0 : i32
        %get3A_810 = tpu.memref_slice %arg9[%scan3A_784, %get3A_809] : memref<304x128xf32, #tpu.memory_space<vmem>> -> memref<1x128xf32, #tpu.memory_space<vmem>>
        %get3A_811 = tpu.memref_squeeze %get3A_810 : memref<1x128xf32, #tpu.memory_space<vmem>> -> memref<128xf32, #tpu.memory_space<vmem>>
        %get3A_812 = arith.constant 32 : index
        %get3A_813 = tpu.vector_load %get3A_811[%get3A_812] {strides = array<i32>} : memref<128xf32, #tpu.memory_space<vmem>>, vector<16xf32>,
        %ge3A_814 = arith.cmpf oge, %get3A_813, %select_n3A_753 : vector<16xf32>
        %convert_element_type3A_815 = arith.extui %ge3A_814 : vector<16xi1> to vector<16xi32>
        %add3A_816 = arith.addi %scan3A_787, %convert_element_type3A_815 : vector<16xi32>
        %get3A_817 = arith.constant 0 : i32
        %get3A_818 = tpu.memref_slice %arg9[%scan3A_784, %get3A_817] : memref<304x128xf32, #tpu.memory_space<vmem>> -> memref<1x128xf32, #tpu.memory_space<vmem>>
        %get3A_819 = tpu.memref_squeeze %get3A_818 : memref<1x128xf32, #tpu.memory_space<vmem>> -> memref<128xf32, #tpu.memory_space<vmem>>
        %get3A_820 = arith.constant 48 : index
        %get3A_821 = tpu.vector_load %get3A_819[%get3A_820] {strides = array<i32>} : memref<128xf32, #tpu.memory_space<vmem>>, vector<16xf32>,
        %ge3A_822 = arith.cmpf oge, %get3A_821, %select_n3A_758 : vector<16xf32>
        %convert_element_type3A_823 = arith.extui %ge3A_822 : vector<16xi1> to vector<16xi32>
        %add3A_824 = arith.addi %scan3A_788, %convert_element_type3A_823 : vector<16xi32>
        %get3A_825 = arith.constant 0 : i32
        %get3A_826 = tpu.memref_slice %arg9[%scan3A_784, %get3A_825] : memref<304x128xf32, #tpu.memory_space<vmem>> -> memref<1x128xf32, #tpu.memory_space<vmem>>
        %get3A_827 = tpu.memref_squeeze %get3A_826 : memref<1x128xf32, #tpu.memory_space<vmem>> -> memref<128xf32, #tpu.memory_space<vmem>>
        %get3A_828 = arith.constant 64 : index
        %get3A_829 = tpu.vector_load %get3A_827[%get3A_828] {strides = array<i32>} : memref<128xf32, #tpu.memory_space<vmem>>, vector<16xf32>,
        %ge3A_830 = arith.cmpf oge, %get3A_829, %select_n3A_763 : vector<16xf32>
        %convert_element_type3A_831 = arith.extui %ge3A_830 : vector<16xi1> to vector<16xi32>
        %add3A_832 = arith.addi %scan3A_789, %convert_element_type3A_831 : vector<16xi32>
        %get3A_833 = arith.constant 0 : i32
        %get3A_834 = tpu.memref_slice %arg9[%scan3A_784, %get3A_833] : memref<304x128xf32, #tpu.memory_space<vmem>> -> memref<1x128xf32, #tpu.memory_space<vmem>>
        %get3A_835 = tpu.memref_squeeze %get3A_834 : memref<1x128xf32, #tpu.memory_space<vmem>> -> memref<128xf32, #tpu.memory_space<vmem>>
        %get3A_836 = arith.constant 80 : index
        %get3A_837 = tpu.vector_load %get3A_835[%get3A_836] {strides = array<i32>} : memref<128xf32, #tpu.memory_space<vmem>>, vector<16xf32>,
        %ge3A_838 = arith.cmpf oge, %get3A_837, %select_n3A_768 : vector<16xf32>
        %convert_element_type3A_839 = arith.extui %ge3A_838 : vector<16xi1> to vector<16xi32>
        %add3A_840 = arith.addi %scan3A_790, %convert_element_type3A_839 : vector<16xi32>
        %get3A_841 = arith.constant 0 : i32
        %get3A_842 = tpu.memref_slice %arg9[%scan3A_784, %get3A_841] : memref<304x128xf32, #tpu.memory_space<vmem>> -> memref<1x128xf32, #tpu.memory_space<vmem>>
        %get3A_843 = tpu.memref_squeeze %get3A_842 : memref<1x128xf32, #tpu.memory_space<vmem>> -> memref<128xf32, #tpu.memory_space<vmem>>
        %get3A_844 = arith.constant 96 : index
        %get3A_845 = tpu.vector_load %get3A_843[%get3A_844] {strides = array<i32>} : memref<128xf32, #tpu.memory_space<vmem>>, vector<16xf32>,
        %ge3A_846 = arith.cmpf oge, %get3A_845, %select_n3A_773 : vector<16xf32>
        %convert_element_type3A_847 = arith.extui %ge3A_846 : vector<16xi1> to vector<16xi32>
        %add3A_848 = arith.addi %scan3A_791, %convert_element_type3A_847 : vector<16xi32>
        %get3A_849 = arith.constant 0 : i32
        %get3A_850 = tpu.memref_slice %arg9[%scan3A_784, %get3A_849] : memref<304x128xf32, #tpu.memory_space<vmem>> -> memref<1x128xf32, #tpu.memory_space<vmem>>
        %get3A_851 = tpu.memref_squeeze %get3A_850 : memref<1x128xf32, #tpu.memory_space<vmem>> -> memref<128xf32, #tpu.memory_space<vmem>>
        %get3A_852 = arith.constant 112 : index
        %get3A_853 = tpu.vector_load %get3A_851[%get3A_852] {strides = array<i32>} : memref<128xf32, #tpu.memory_space<vmem>>, vector<16xf32>,
        %ge3A_854 = arith.cmpf oge, %get3A_853, %select_n3A_778 : vector<16xf32>
        %convert_element_type3A_855 = arith.extui %ge3A_854 : vector<16xi1> to vector<16xi32>
        %add3A_856 = arith.addi %scan3A_792, %convert_element_type3A_855 : vector<16xi32>
        scf.yield %add3A_800, %add3A_808, %add3A_816, %add3A_824, %add3A_832, %add3A_840, %add3A_848, %add3A_856 : vector<16xi32>, vector<16xi32>, vector<16xi32>, vector<16xi32>, vector<16xi32>, vector<16xi32>, vector<16xi32>, vector<16xi32>
      }
      %scan3A_783 = arith.constant 304 : i32
      scf.yield %scan3A_782#0, %scan3A_782#1, %scan3A_782#2, %scan3A_782#3, %scan3A_782#4, %scan3A_782#5, %scan3A_782#6, %scan3A_782#7 : vector<16xi32>, vector<16xi32>, vector<16xi32>, vector<16xi32>, vector<16xi32>, vector<16xi32>, vector<16xi32>, vector<16xi32>
    }
    %dma_wait3A_638 = arith.constant 0 : i32
    %dma_wait3A_639 = tpu.memref_slice %arg2[%multiple_of3A_548, %dma_wait3A_638] : memref<100000x128xf32, #tpu.memory_space<hbm>> -> memref<304x128xf32, #tpu.memory_space<hbm>>
    %dma_wait3A_640 = arith.constant 0 : i32
    %dma_wait3A_641 = tpu.memref_slice %arg2[%multiple_of3A_548, %dma_wait3A_640] : memref<100000x128xf32, #tpu.memory_space<hbm>> -> memref<304x128xf32, #tpu.memory_space<hbm>>
    tpu.wait_dma2 semaphore(%arg11 : memref<!tpu.dma_semaphore, #tpu.memory_space<semaphore_mem>>) src(%dma_wait3A_641 : memref<304x128xf32, #tpu.memory_space<hbm>>) dst(%arg8 : memref<304x128xf32, #tpu.memory_space<vmem>>)
    %add3A_642 = arith.constant 1216 : i32
    %add3A_643 = arith.addi %add3A_4, %add3A_642 : i32
    %broadcast_in_dim3A_644 = vector.broadcast %add3A_643 : i32 to vector<16xi32>
    %ge3A_645 = arith.cmpi sge, %get3A_101, %broadcast_in_dim3A_644 : vector<16xi32>
    %add3A_646 = arith.constant 304 : i32
    %add3A_647 = vector.broadcast %add3A_646 : i32 to vector<16xi32>
    %add3A_648 = arith.addi %broadcast_in_dim3A_644, %add3A_647 : vector<16xi32>
    %lt3A_649 = arith.cmpi slt, %get3A_101, %add3A_648 : vector<16xi32>
    %and3A_650 = arith.andi %ge3A_645, %lt3A_649 : vector<16xi1>
    %all_reduce_population_count3A_651 = tpu.all_reduce %and3A_650 {dim = 0 : i64, kind = #tpu.reduction_kind<sum>} : vector<16xi1> -> vector<16xi32>
    %add3A_652 = arith.addi %broadcast_in_dim3A_283, %all_reduce_population_count3A_651 : vector<16xi32>
    %ge3A_653 = arith.cmpi sge, %get3A_118, %broadcast_in_dim3A_644 : vector<16xi32>
    %add3A_654 = arith.constant 304 : i32
    %add3A_655 = vector.broadcast %add3A_654 : i32 to vector<16xi32>
    %add3A_656 = arith.addi %broadcast_in_dim3A_644, %add3A_655 : vector<16xi32>
    %lt3A_657 = arith.cmpi slt, %get3A_118, %add3A_656 : vector<16xi32>
    %and3A_658 = arith.andi %ge3A_653, %lt3A_657 : vector<16xi1>
    %all_reduce_population_count3A_659 = tpu.all_reduce %and3A_658 {dim = 0 : i64, kind = #tpu.reduction_kind<sum>} : vector<16xi1> -> vector<16xi32>
    %add3A_660 = arith.addi %add3A_652, %all_reduce_population_count3A_659 : vector<16xi32>
    %ge3A_661 = arith.cmpi sge, %get3A_142, %broadcast_in_dim3A_644 : vector<16xi32>
    %add3A_662 = arith.constant 304 : i32
    %add3A_663 = vector.broadcast %add3A_662 : i32 to vector<16xi32>
    %add3A_664 = arith.addi %broadcast_in_dim3A_644, %add3A_663 : vector<16xi32>
    %lt3A_665 = arith.cmpi slt, %get3A_142, %add3A_664 : vector<16xi32>
    %and3A_666 = arith.andi %ge3A_661, %lt3A_665 : vector<16xi1>
    %all_reduce_population_count3A_667 = tpu.all_reduce %and3A_666 {dim = 0 : i64, kind = #tpu.reduction_kind<sum>} : vector<16xi1> -> vector<16xi32>
    %add3A_668 = arith.addi %add3A_660, %all_reduce_population_count3A_667 : vector<16xi32>
    %ge3A_669 = arith.cmpi sge, %get3A_166, %broadcast_in_dim3A_644 : vector<16xi32>
    %add3A_670 = arith.constant 304 : i32
    %add3A_671 = vector.broadcast %add3A_670 : i32 to vector<16xi32>
    %add3A_672 = arith.addi %broadcast_in_dim3A_644, %add3A_671 : vector<16xi32>
    %lt3A_673 = arith.cmpi slt, %get3A_166, %add3A_672 : vector<16xi32>
    %and3A_674 = arith.andi %ge3A_669, %lt3A_673 : vector<16xi1>
    %all_reduce_population_count3A_675 = tpu.all_reduce %and3A_674 {dim = 0 : i64, kind = #tpu.reduction_kind<sum>} : vector<16xi1> -> vector<16xi32>
    %add3A_676 = arith.addi %add3A_668, %all_reduce_population_count3A_675 : vector<16xi32>
    %ge3A_677 = arith.cmpi sge, %get3A_190, %broadcast_in_dim3A_644 : vector<16xi32>
    %add3A_678 = arith.constant 304 : i32
    %add3A_679 = vector.broadcast %add3A_678 : i32 to vector<16xi32>
    %add3A_680 = arith.addi %broadcast_in_dim3A_644, %add3A_679 : vector<16xi32>
    %lt3A_681 = arith.cmpi slt, %get3A_190, %add3A_680 : vector<16xi32>
    %and3A_682 = arith.andi %ge3A_677, %lt3A_681 : vector<16xi1>
    %all_reduce_population_count3A_683 = tpu.all_reduce %and3A_682 {dim = 0 : i64, kind = #tpu.reduction_kind<sum>} : vector<16xi1> -> vector<16xi32>
    %add3A_684 = arith.addi %add3A_676, %all_reduce_population_count3A_683 : vector<16xi32>
    %ge3A_685 = arith.cmpi sge, %get3A_214, %broadcast_in_dim3A_644 : vector<16xi32>
    %add3A_686 = arith.constant 304 : i32
    %add3A_687 = vector.broadcast %add3A_686 : i32 to vector<16xi32>
    %add3A_688 = arith.addi %broadcast_in_dim3A_644, %add3A_687 : vector<16xi32>
    %lt3A_689 = arith.cmpi slt, %get3A_214, %add3A_688 : vector<16xi32>
    %and3A_690 = arith.andi %ge3A_685, %lt3A_689 : vector<16xi1>
    %all_reduce_population_count3A_691 = tpu.all_reduce %and3A_690 {dim = 0 : i64, kind = #tpu.reduction_kind<sum>} : vector<16xi1> -> vector<16xi32>
    %add3A_692 = arith.addi %add3A_684, %all_reduce_population_count3A_691 : vector<16xi32>
    %ge3A_693 = arith.cmpi sge, %get3A_238, %broadcast_in_dim3A_644 : vector<16xi32>
    %add3A_694 = arith.constant 304 : i32
    %add3A_695 = vector.broadcast %add3A_694 : i32 to vector<16xi32>
    %add3A_696 = arith.addi %broadcast_in_dim3A_644, %add3A_695 : vector<16xi32>
    %lt3A_697 = arith.cmpi slt, %get3A_238, %add3A_696 : vector<16xi32>
    %and3A_698 = arith.andi %ge3A_693, %lt3A_697 : vector<16xi1>
    %all_reduce_population_count3A_699 = tpu.all_reduce %and3A_698 {dim = 0 : i64, kind = #tpu.reduction_kind<sum>} : vector<16xi1> -> vector<16xi32>
    %add3A_700 = arith.addi %add3A_692, %all_reduce_population_count3A_699 : vector<16xi32>
    %ge3A_701 = arith.cmpi sge, %get3A_262, %broadcast_in_dim3A_644 : vector<16xi32>
    %add3A_702 = arith.constant 304 : i32
    %add3A_703 = vector.broadcast %add3A_702 : i32 to vector<16xi32>
    %add3A_704 = arith.addi %broadcast_in_dim3A_644, %add3A_703 : vector<16xi32>
    %lt3A_705 = arith.cmpi slt, %get3A_262, %add3A_704 : vector<16xi32>
    %and3A_706 = arith.andi %ge3A_701, %lt3A_705 : vector<16xi1>
    %all_reduce_population_count3A_707 = tpu.all_reduce %and3A_706 {dim = 0 : i64, kind = #tpu.reduction_kind<sum>} : vector<16xi1> -> vector<16xi32>
    %add3A_708 = arith.addi %add3A_700, %all_reduce_population_count3A_707 : vector<16xi32>
    %reduce_max3A_709 = arith.constant true
    %reduce_max3A_710 = vector.broadcast %reduce_max3A_709 : i1 to vector<16xi1>
    %reduce_max3A_711 = arith.constant -2147483648 : i32
    %reduce_max3A_712 = vector.broadcast %reduce_max3A_711 : i32 to vector<16xi32>
    %reduce_max3A_713 = arith.xori %add3A_708, %reduce_max3A_712 : vector<16xi32>
    %reduce_max3A_714 = tpu.scan <max>, %reduce_max3A_713 masked %reduce_max3A_710 : vector<16xi32>, vector<16xi1> -> vector<16xi32>
    %reduce_max3A_715 = arith.xori %reduce_max3A_714, %reduce_max3A_712 : vector<16xi32>
    %reduce_max3A_716 = vector.extract %reduce_max3A_715[15] : i32 from vector<16xi32>
    %gt3A_717 = arith.constant 0 : i32
    %gt3A_718 = arith.cmpi sgt, %reduce_max3A_716, %gt3A_717 : i32
    %convert_element_type3A_719 = arith.extui %gt3A_718 : i1 to i32
    %cond3A_720 = arith.constant 0 : i32
    %cond3A_721 = arith.cmpi ne, %convert_element_type3A_719, %cond3A_720 : i32
    %cond3A_722:8 = scf.if %cond3A_721 -> (vector<16xi32>, vector<16xi32>, vector<16xi32>, vector<16xi32>, vector<16xi32>, vector<16xi32>, vector<16xi32>, vector<16xi32>) {
      %gt3A_739 = vector.broadcast %add3A_643 : i32 to vector<16xi32>
      %gt3A_740 = arith.cmpi sgt, %get3A_101, %gt3A_739 : vector<16xi32>
      %select_n3A_741 = arith.select %gt3A_740, %gather3A, %bitcast_convert_type3A_113 : vector<16xi1>, vector<16xf32>
      %gt3A_742 = vector.broadcast %add3A_643 : i32 to vector<16xi32>
      %gt3A_743 = arith.cmpi sgt, %get3A_118, %gt3A_742 : vector<16xi32>
      %select_n3A_744 = arith.select %gt3A_743, %gather3A_119, %bitcast_convert_type3A_137 : vector<16xi1>, vector<16xf32>
      %gt3A_745 = vector.broadcast %add3A_643 : i32 to vector<16xi32>
      %gt3A_746 = arith.cmpi sgt, %get3A_142, %gt3A_745 : vector<16xi32>
      %select_n3A_747 = arith.select %gt3A_746, %gather3A_143, %bitcast_convert_type3A_161 : vector<16xi1>, vector<16xf32>
      %gt3A_748 = vector.broadcast %add3A_643 : i32 to vector<16xi32>
      %gt3A_749 = arith.cmpi sgt, %get3A_166, %gt3A_748 : vector<16xi32>
      %select_n3A_750 = arith.select %gt3A_749, %gather3A_167, %bitcast_convert_type3A_185 : vector<16xi1>, vector<16xf32>
      %gt3A_751 = vector.broadcast %add3A_643 : i32 to vector<16xi32>
      %gt3A_752 = arith.cmpi sgt, %get3A_190, %gt3A_751 : vector<16xi32>
      %select_n3A_753 = arith.select %gt3A_752, %gather3A_191, %bitcast_convert_type3A_209 : vector<16xi1>, vector<16xf32>
      %gt3A_754 = vector.broadcast %add3A_643 : i32 to vector<16xi32>
      %gt3A_755 = arith.cmpi sgt, %get3A_214, %gt3A_754 : vector<16xi32>
      %select_n3A_756 = arith.select %gt3A_755, %gather3A_215, %bitcast_convert_type3A_233 : vector<16xi1>, vector<16xf32>
      %gt3A_757 = vector.broadcast %add3A_643 : i32 to vector<16xi32>
      %gt3A_758 = arith.cmpi sgt, %get3A_238, %gt3A_757 : vector<16xi32>
      %select_n3A_759 = arith.select %gt3A_758, %gather3A_239, %bitcast_convert_type3A_257 : vector<16xi1>, vector<16xf32>
      %gt3A_760 = vector.broadcast %add3A_643 : i32 to vector<16xi32>
      %gt3A_761 = arith.cmpi sgt, %get3A_262, %gt3A_760 : vector<16xi32>
      %select_n3A_762 = arith.select %gt3A_761, %gather3A_263, %bitcast_convert_type3A_281 : vector<16xi1>, vector<16xf32>
      %scan3A = arith.constant 0 : i32
      %scan3A_763 = arith.constant 304 : i32
      %scan3A_764 = arith.addi %scan3A, %scan3A_763 : i32
      %scan3A_765 = arith.constant 1 : i32
      %scan3A_766:16 = scf.for %scan3A_768 = %scan3A to %scan3A_764 step %scan3A_765 iter_args(%scan3A_769 = %cond3A_637#0, %scan3A_770 = %cond3A_637#1, %scan3A_771 = %cond3A_637#2, %scan3A_772 = %cond3A_637#3, %scan3A_773 = %cond3A_637#4, %scan3A_774 = %cond3A_637#5, %scan3A_775 = %cond3A_637#6, %scan3A_776 = %cond3A_637#7, %scan3A_777 = %select_n3A_741, %scan3A_778 = %select_n3A_744, %scan3A_779 = %select_n3A_747, %scan3A_780 = %select_n3A_750, %scan3A_781 = %select_n3A_753, %scan3A_782 = %select_n3A_756, %scan3A_783 = %select_n3A_759, %scan3A_784 = %select_n3A_762) -> (vector<16xi32>, vector<16xi32>, vector<16xi32>, vector<16xi32>, vector<16xi32>, vector<16xi32>, vector<16xi32>, vector<16xi32>, vector<16xf32>, vector<16xf32>, vector<16xf32>, vector<16xf32>, vector<16xf32>, vector<16xf32>, vector<16xf32>, vector<16xf32>)  : i32 {
        %broadcast_in_dim3A_785 = vector.broadcast %add3A_643 : i32 to vector<16xi32>
        %add3A_786 = vector.broadcast %scan3A_768 : i32 to vector<16xi32>
        %add3A_787 = arith.addi %broadcast_in_dim3A_785, %add3A_786 : vector<16xi32>
        %get3A_788 = arith.constant 0 : i32
        %get3A_789 = tpu.memref_slice %arg8[%scan3A_768, %get3A_788] : memref<304x128xf32, #tpu.memory_space<vmem>> -> memref<1x128xf32, #tpu.memory_space<vmem>>
        %get3A_790 = tpu.memref_squeeze %get3A_789 : memref<1x128xf32, #tpu.memory_space<vmem>> -> memref<128xf32, #tpu.memory_space<vmem>>
        %get3A_791 = arith.constant 0 : index
        %get3A_792 = tpu.vector_load %get3A_790[%get3A_791] {strides = array<i32>} : memref<128xf32, #tpu.memory_space<vmem>>, vector<16xf32>,
        %eq3A_793 = arith.cmpi eq, %add3A_787, %get3A_101 : vector<16xi32>
        %select_n3A_794 = arith.select %eq3A_793, %bitcast_convert_type3A_113, %scan3A_777 : vector<16xi1>, vector<16xf32>
        %ge3A_795 = arith.cmpf oge, %get3A_792, %select_n3A_794 : vector<16xf32>
        %convert_element_type3A_796 = arith.extui %ge3A_795 : vector<16xi1> to vector<16xi32>
        %add3A_797 = arith.addi %scan3A_769, %convert_element_type3A_796 : vector<16xi32>
        %get3A_798 = arith.constant 0 : i32
        %get3A_799 = tpu.memref_slice %arg8[%scan3A_768, %get3A_798] : memref<304x128xf32, #tpu.memory_space<vmem>> -> memref<1x128xf32, #tpu.memory_space<vmem>>
        %get3A_800 = tpu.memref_squeeze %get3A_799 : memref<1x128xf32, #tpu.memory_space<vmem>> -> memref<128xf32, #tpu.memory_space<vmem>>
        %get3A_801 = arith.constant 16 : index
        %get3A_802 = tpu.vector_load %get3A_800[%get3A_801] {strides = array<i32>} : memref<128xf32, #tpu.memory_space<vmem>>, vector<16xf32>,
        %eq3A_803 = arith.cmpi eq, %add3A_787, %get3A_118 : vector<16xi32>
        %select_n3A_804 = arith.select %eq3A_803, %bitcast_convert_type3A_137, %scan3A_778 : vector<16xi1>, vector<16xf32>
        %ge3A_805 = arith.cmpf oge, %get3A_802, %select_n3A_804 : vector<16xf32>
        %convert_element_type3A_806 = arith.extui %ge3A_805 : vector<16xi1> to vector<16xi32>
        %add3A_807 = arith.addi %scan3A_770, %convert_element_type3A_806 : vector<16xi32>
        %get3A_808 = arith.constant 0 : i32
        %get3A_809 = tpu.memref_slice %arg8[%scan3A_768, %get3A_808] : memref<304x128xf32, #tpu.memory_space<vmem>> -> memref<1x128xf32, #tpu.memory_space<vmem>>
        %get3A_810 = tpu.memref_squeeze %get3A_809 : memref<1x128xf32, #tpu.memory_space<vmem>> -> memref<128xf32, #tpu.memory_space<vmem>>
        %get3A_811 = arith.constant 32 : index
        %get3A_812 = tpu.vector_load %get3A_810[%get3A_811] {strides = array<i32>} : memref<128xf32, #tpu.memory_space<vmem>>, vector<16xf32>,
        %eq3A_813 = arith.cmpi eq, %add3A_787, %get3A_142 : vector<16xi32>
        %select_n3A_814 = arith.select %eq3A_813, %bitcast_convert_type3A_161, %scan3A_779 : vector<16xi1>, vector<16xf32>
        %ge3A_815 = arith.cmpf oge, %get3A_812, %select_n3A_814 : vector<16xf32>
        %convert_element_type3A_816 = arith.extui %ge3A_815 : vector<16xi1> to vector<16xi32>
        %add3A_817 = arith.addi %scan3A_771, %convert_element_type3A_816 : vector<16xi32>
        %get3A_818 = arith.constant 0 : i32
        %get3A_819 = tpu.memref_slice %arg8[%scan3A_768, %get3A_818] : memref<304x128xf32, #tpu.memory_space<vmem>> -> memref<1x128xf32, #tpu.memory_space<vmem>>
        %get3A_820 = tpu.memref_squeeze %get3A_819 : memref<1x128xf32, #tpu.memory_space<vmem>> -> memref<128xf32, #tpu.memory_space<vmem>>
        %get3A_821 = arith.constant 48 : index
        %get3A_822 = tpu.vector_load %get3A_820[%get3A_821] {strides = array<i32>} : memref<128xf32, #tpu.memory_space<vmem>>, vector<16xf32>,
        %eq3A_823 = arith.cmpi eq, %add3A_787, %get3A_166 : vector<16xi32>
        %select_n3A_824 = arith.select %eq3A_823, %bitcast_convert_type3A_185, %scan3A_780 : vector<16xi1>, vector<16xf32>
        %ge3A_825 = arith.cmpf oge, %get3A_822, %select_n3A_824 : vector<16xf32>
        %convert_element_type3A_826 = arith.extui %ge3A_825 : vector<16xi1> to vector<16xi32>
        %add3A_827 = arith.addi %scan3A_772, %convert_element_type3A_826 : vector<16xi32>
        %get3A_828 = arith.constant 0 : i32
        %get3A_829 = tpu.memref_slice %arg8[%scan3A_768, %get3A_828] : memref<304x128xf32, #tpu.memory_space<vmem>> -> memref<1x128xf32, #tpu.memory_space<vmem>>
        %get3A_830 = tpu.memref_squeeze %get3A_829 : memref<1x128xf32, #tpu.memory_space<vmem>> -> memref<128xf32, #tpu.memory_space<vmem>>
        %get3A_831 = arith.constant 64 : index
        %get3A_832 = tpu.vector_load %get3A_830[%get3A_831] {strides = array<i32>} : memref<128xf32, #tpu.memory_space<vmem>>, vector<16xf32>,
        %eq3A_833 = arith.cmpi eq, %add3A_787, %get3A_190 : vector<16xi32>
        %select_n3A_834 = arith.select %eq3A_833, %bitcast_convert_type3A_209, %scan3A_781 : vector<16xi1>, vector<16xf32>
        %ge3A_835 = arith.cmpf oge, %get3A_832, %select_n3A_834 : vector<16xf32>
        %convert_element_type3A_836 = arith.extui %ge3A_835 : vector<16xi1> to vector<16xi32>
        %add3A_837 = arith.addi %scan3A_773, %convert_element_type3A_836 : vector<16xi32>
        %get3A_838 = arith.constant 0 : i32
        %get3A_839 = tpu.memref_slice %arg8[%scan3A_768, %get3A_838] : memref<304x128xf32, #tpu.memory_space<vmem>> -> memref<1x128xf32, #tpu.memory_space<vmem>>
        %get3A_840 = tpu.memref_squeeze %get3A_839 : memref<1x128xf32, #tpu.memory_space<vmem>> -> memref<128xf32, #tpu.memory_space<vmem>>
        %get3A_841 = arith.constant 80 : index
        %get3A_842 = tpu.vector_load %get3A_840[%get3A_841] {strides = array<i32>} : memref<128xf32, #tpu.memory_space<vmem>>, vector<16xf32>,
        %eq3A_843 = arith.cmpi eq, %add3A_787, %get3A_214 : vector<16xi32>
        %select_n3A_844 = arith.select %eq3A_843, %bitcast_convert_type3A_233, %scan3A_782 : vector<16xi1>, vector<16xf32>
        %ge3A_845 = arith.cmpf oge, %get3A_842, %select_n3A_844 : vector<16xf32>
        %convert_element_type3A_846 = arith.extui %ge3A_845 : vector<16xi1> to vector<16xi32>
        %add3A_847 = arith.addi %scan3A_774, %convert_element_type3A_846 : vector<16xi32>
        %get3A_848 = arith.constant 0 : i32
        %get3A_849 = tpu.memref_slice %arg8[%scan3A_768, %get3A_848] : memref<304x128xf32, #tpu.memory_space<vmem>> -> memref<1x128xf32, #tpu.memory_space<vmem>>
        %get3A_850 = tpu.memref_squeeze %get3A_849 : memref<1x128xf32, #tpu.memory_space<vmem>> -> memref<128xf32, #tpu.memory_space<vmem>>
        %get3A_851 = arith.constant 96 : index
        %get3A_852 = tpu.vector_load %get3A_850[%get3A_851] {strides = array<i32>} : memref<128xf32, #tpu.memory_space<vmem>>, vector<16xf32>,
        %eq3A_853 = arith.cmpi eq, %add3A_787, %get3A_238 : vector<16xi32>
        %select_n3A_854 = arith.select %eq3A_853, %bitcast_convert_type3A_257, %scan3A_783 : vector<16xi1>, vector<16xf32>
        %ge3A_855 = arith.cmpf oge, %get3A_852, %select_n3A_854 : vector<16xf32>
        %convert_element_type3A_856 = arith.extui %ge3A_855 : vector<16xi1> to vector<16xi32>
        %add3A_857 = arith.addi %scan3A_775, %convert_element_type3A_856 : vector<16xi32>
        %get3A_858 = arith.constant 0 : i32
        %get3A_859 = tpu.memref_slice %arg8[%scan3A_768, %get3A_858] : memref<304x128xf32, #tpu.memory_space<vmem>> -> memref<1x128xf32, #tpu.memory_space<vmem>>
        %get3A_860 = tpu.memref_squeeze %get3A_859 : memref<1x128xf32, #tpu.memory_space<vmem>> -> memref<128xf32, #tpu.memory_space<vmem>>
        %get3A_861 = arith.constant 112 : index
        %get3A_862 = tpu.vector_load %get3A_860[%get3A_861] {strides = array<i32>} : memref<128xf32, #tpu.memory_space<vmem>>, vector<16xf32>,
        %eq3A_863 = arith.cmpi eq, %add3A_787, %get3A_262 : vector<16xi32>
        %select_n3A_864 = arith.select %eq3A_863, %bitcast_convert_type3A_281, %scan3A_784 : vector<16xi1>, vector<16xf32>
        %ge3A_865 = arith.cmpf oge, %get3A_862, %select_n3A_864 : vector<16xf32>
        %convert_element_type3A_866 = arith.extui %ge3A_865 : vector<16xi1> to vector<16xi32>
        %add3A_867 = arith.addi %scan3A_776, %convert_element_type3A_866 : vector<16xi32>
        scf.yield %add3A_797, %add3A_807, %add3A_817, %add3A_827, %add3A_837, %add3A_847, %add3A_857, %add3A_867, %select_n3A_794, %select_n3A_804, %select_n3A_814, %select_n3A_824, %select_n3A_834, %select_n3A_844, %select_n3A_854, %select_n3A_864 : vector<16xi32>, vector<16xi32>, vector<16xi32>, vector<16xi32>, vector<16xi32>, vector<16xi32>, vector<16xi32>, vector<16xi32>, vector<16xf32>, vector<16xf32>, vector<16xf32>, vector<16xf32>, vector<16xf32>, vector<16xf32>, vector<16xf32>, vector<16xf32>
      }
      %scan3A_767 = arith.constant 304 : i32
      scf.yield %scan3A_766#0, %scan3A_766#1, %scan3A_766#2, %scan3A_766#3, %scan3A_766#4, %scan3A_766#5, %scan3A_766#6, %scan3A_766#7 : vector<16xi32>, vector<16xi32>, vector<16xi32>, vector<16xi32>, vector<16xi32>, vector<16xi32>, vector<16xi32>, vector<16xi32>
    } else {
      %add3A_739 = arith.constant 304 : i32
      %add3A_740 = arith.addi %add3A_643, %add3A_739 : i32
      %ge3A_741 = vector.broadcast %add3A_740 : i32 to vector<16xi32>
      %ge3A_742 = arith.cmpi sge, %get3A_101, %ge3A_741 : vector<16xi32>
      %select_n3A_743 = arith.select %ge3A_742, %gather3A, %bitcast_convert_type3A_113 : vector<16xi1>, vector<16xf32>
      %add3A_744 = arith.constant 304 : i32
      %add3A_745 = arith.addi %add3A_643, %add3A_744 : i32
      %ge3A_746 = vector.broadcast %add3A_745 : i32 to vector<16xi32>
      %ge3A_747 = arith.cmpi sge, %get3A_118, %ge3A_746 : vector<16xi32>
      %select_n3A_748 = arith.select %ge3A_747, %gather3A_119, %bitcast_convert_type3A_137 : vector<16xi1>, vector<16xf32>
      %add3A_749 = arith.constant 304 : i32
      %add3A_750 = arith.addi %add3A_643, %add3A_749 : i32
      %ge3A_751 = vector.broadcast %add3A_750 : i32 to vector<16xi32>
      %ge3A_752 = arith.cmpi sge, %get3A_142, %ge3A_751 : vector<16xi32>
      %select_n3A_753 = arith.select %ge3A_752, %gather3A_143, %bitcast_convert_type3A_161 : vector<16xi1>, vector<16xf32>
      %add3A_754 = arith.constant 304 : i32
      %add3A_755 = arith.addi %add3A_643, %add3A_754 : i32
      %ge3A_756 = vector.broadcast %add3A_755 : i32 to vector<16xi32>
      %ge3A_757 = arith.cmpi sge, %get3A_166, %ge3A_756 : vector<16xi32>
      %select_n3A_758 = arith.select %ge3A_757, %gather3A_167, %bitcast_convert_type3A_185 : vector<16xi1>, vector<16xf32>
      %add3A_759 = arith.constant 304 : i32
      %add3A_760 = arith.addi %add3A_643, %add3A_759 : i32
      %ge3A_761 = vector.broadcast %add3A_760 : i32 to vector<16xi32>
      %ge3A_762 = arith.cmpi sge, %get3A_190, %ge3A_761 : vector<16xi32>
      %select_n3A_763 = arith.select %ge3A_762, %gather3A_191, %bitcast_convert_type3A_209 : vector<16xi1>, vector<16xf32>
      %add3A_764 = arith.constant 304 : i32
      %add3A_765 = arith.addi %add3A_643, %add3A_764 : i32
      %ge3A_766 = vector.broadcast %add3A_765 : i32 to vector<16xi32>
      %ge3A_767 = arith.cmpi sge, %get3A_214, %ge3A_766 : vector<16xi32>
      %select_n3A_768 = arith.select %ge3A_767, %gather3A_215, %bitcast_convert_type3A_233 : vector<16xi1>, vector<16xf32>
      %add3A_769 = arith.constant 304 : i32
      %add3A_770 = arith.addi %add3A_643, %add3A_769 : i32
      %ge3A_771 = vector.broadcast %add3A_770 : i32 to vector<16xi32>
      %ge3A_772 = arith.cmpi sge, %get3A_238, %ge3A_771 : vector<16xi32>
      %select_n3A_773 = arith.select %ge3A_772, %gather3A_239, %bitcast_convert_type3A_257 : vector<16xi1>, vector<16xf32>
      %add3A_774 = arith.constant 304 : i32
      %add3A_775 = arith.addi %add3A_643, %add3A_774 : i32
      %ge3A_776 = vector.broadcast %add3A_775 : i32 to vector<16xi32>
      %ge3A_777 = arith.cmpi sge, %get3A_262, %ge3A_776 : vector<16xi32>
      %select_n3A_778 = arith.select %ge3A_777, %gather3A_263, %bitcast_convert_type3A_281 : vector<16xi1>, vector<16xf32>
      %scan3A = arith.constant 0 : i32
      %scan3A_779 = arith.constant 304 : i32
      %scan3A_780 = arith.addi %scan3A, %scan3A_779 : i32
      %scan3A_781 = arith.constant 1 : i32
      %scan3A_782:8 = scf.for %scan3A_784 = %scan3A to %scan3A_780 step %scan3A_781 iter_args(%scan3A_785 = %cond3A_637#0, %scan3A_786 = %cond3A_637#1, %scan3A_787 = %cond3A_637#2, %scan3A_788 = %cond3A_637#3, %scan3A_789 = %cond3A_637#4, %scan3A_790 = %cond3A_637#5, %scan3A_791 = %cond3A_637#6, %scan3A_792 = %cond3A_637#7) -> (vector<16xi32>, vector<16xi32>, vector<16xi32>, vector<16xi32>, vector<16xi32>, vector<16xi32>, vector<16xi32>, vector<16xi32>)  : i32 {
        %get3A_793 = arith.constant 0 : i32
        %get3A_794 = tpu.memref_slice %arg8[%scan3A_784, %get3A_793] : memref<304x128xf32, #tpu.memory_space<vmem>> -> memref<1x128xf32, #tpu.memory_space<vmem>>
        %get3A_795 = tpu.memref_squeeze %get3A_794 : memref<1x128xf32, #tpu.memory_space<vmem>> -> memref<128xf32, #tpu.memory_space<vmem>>
        %get3A_796 = arith.constant 0 : index
        %get3A_797 = tpu.vector_load %get3A_795[%get3A_796] {strides = array<i32>} : memref<128xf32, #tpu.memory_space<vmem>>, vector<16xf32>,
        %ge3A_798 = arith.cmpf oge, %get3A_797, %select_n3A_743 : vector<16xf32>
        %convert_element_type3A_799 = arith.extui %ge3A_798 : vector<16xi1> to vector<16xi32>
        %add3A_800 = arith.addi %scan3A_785, %convert_element_type3A_799 : vector<16xi32>
        %get3A_801 = arith.constant 0 : i32
        %get3A_802 = tpu.memref_slice %arg8[%scan3A_784, %get3A_801] : memref<304x128xf32, #tpu.memory_space<vmem>> -> memref<1x128xf32, #tpu.memory_space<vmem>>
        %get3A_803 = tpu.memref_squeeze %get3A_802 : memref<1x128xf32, #tpu.memory_space<vmem>> -> memref<128xf32, #tpu.memory_space<vmem>>
        %get3A_804 = arith.constant 16 : index
        %get3A_805 = tpu.vector_load %get3A_803[%get3A_804] {strides = array<i32>} : memref<128xf32, #tpu.memory_space<vmem>>, vector<16xf32>,
        %ge3A_806 = arith.cmpf oge, %get3A_805, %select_n3A_748 : vector<16xf32>
        %convert_element_type3A_807 = arith.extui %ge3A_806 : vector<16xi1> to vector<16xi32>
        %add3A_808 = arith.addi %scan3A_786, %convert_element_type3A_807 : vector<16xi32>
        %get3A_809 = arith.constant 0 : i32
        %get3A_810 = tpu.memref_slice %arg8[%scan3A_784, %get3A_809] : memref<304x128xf32, #tpu.memory_space<vmem>> -> memref<1x128xf32, #tpu.memory_space<vmem>>
        %get3A_811 = tpu.memref_squeeze %get3A_810 : memref<1x128xf32, #tpu.memory_space<vmem>> -> memref<128xf32, #tpu.memory_space<vmem>>
        %get3A_812 = arith.constant 32 : index
        %get3A_813 = tpu.vector_load %get3A_811[%get3A_812] {strides = array<i32>} : memref<128xf32, #tpu.memory_space<vmem>>, vector<16xf32>,
        %ge3A_814 = arith.cmpf oge, %get3A_813, %select_n3A_753 : vector<16xf32>
        %convert_element_type3A_815 = arith.extui %ge3A_814 : vector<16xi1> to vector<16xi32>
        %add3A_816 = arith.addi %scan3A_787, %convert_element_type3A_815 : vector<16xi32>
        %get3A_817 = arith.constant 0 : i32
        %get3A_818 = tpu.memref_slice %arg8[%scan3A_784, %get3A_817] : memref<304x128xf32, #tpu.memory_space<vmem>> -> memref<1x128xf32, #tpu.memory_space<vmem>>
        %get3A_819 = tpu.memref_squeeze %get3A_818 : memref<1x128xf32, #tpu.memory_space<vmem>> -> memref<128xf32, #tpu.memory_space<vmem>>
        %get3A_820 = arith.constant 48 : index
        %get3A_821 = tpu.vector_load %get3A_819[%get3A_820] {strides = array<i32>} : memref<128xf32, #tpu.memory_space<vmem>>, vector<16xf32>,
        %ge3A_822 = arith.cmpf oge, %get3A_821, %select_n3A_758 : vector<16xf32>
        %convert_element_type3A_823 = arith.extui %ge3A_822 : vector<16xi1> to vector<16xi32>
        %add3A_824 = arith.addi %scan3A_788, %convert_element_type3A_823 : vector<16xi32>
        %get3A_825 = arith.constant 0 : i32
        %get3A_826 = tpu.memref_slice %arg8[%scan3A_784, %get3A_825] : memref<304x128xf32, #tpu.memory_space<vmem>> -> memref<1x128xf32, #tpu.memory_space<vmem>>
        %get3A_827 = tpu.memref_squeeze %get3A_826 : memref<1x128xf32, #tpu.memory_space<vmem>> -> memref<128xf32, #tpu.memory_space<vmem>>
        %get3A_828 = arith.constant 64 : index
        %get3A_829 = tpu.vector_load %get3A_827[%get3A_828] {strides = array<i32>} : memref<128xf32, #tpu.memory_space<vmem>>, vector<16xf32>,
        %ge3A_830 = arith.cmpf oge, %get3A_829, %select_n3A_763 : vector<16xf32>
        %convert_element_type3A_831 = arith.extui %ge3A_830 : vector<16xi1> to vector<16xi32>
        %add3A_832 = arith.addi %scan3A_789, %convert_element_type3A_831 : vector<16xi32>
        %get3A_833 = arith.constant 0 : i32
        %get3A_834 = tpu.memref_slice %arg8[%scan3A_784, %get3A_833] : memref<304x128xf32, #tpu.memory_space<vmem>> -> memref<1x128xf32, #tpu.memory_space<vmem>>
        %get3A_835 = tpu.memref_squeeze %get3A_834 : memref<1x128xf32, #tpu.memory_space<vmem>> -> memref<128xf32, #tpu.memory_space<vmem>>
        %get3A_836 = arith.constant 80 : index
        %get3A_837 = tpu.vector_load %get3A_835[%get3A_836] {strides = array<i32>} : memref<128xf32, #tpu.memory_space<vmem>>, vector<16xf32>,
        %ge3A_838 = arith.cmpf oge, %get3A_837, %select_n3A_768 : vector<16xf32>
        %convert_element_type3A_839 = arith.extui %ge3A_838 : vector<16xi1> to vector<16xi32>
        %add3A_840 = arith.addi %scan3A_790, %convert_element_type3A_839 : vector<16xi32>
        %get3A_841 = arith.constant 0 : i32
        %get3A_842 = tpu.memref_slice %arg8[%scan3A_784, %get3A_841] : memref<304x128xf32, #tpu.memory_space<vmem>> -> memref<1x128xf32, #tpu.memory_space<vmem>>
        %get3A_843 = tpu.memref_squeeze %get3A_842 : memref<1x128xf32, #tpu.memory_space<vmem>> -> memref<128xf32, #tpu.memory_space<vmem>>
        %get3A_844 = arith.constant 96 : index
        %get3A_845 = tpu.vector_load %get3A_843[%get3A_844] {strides = array<i32>} : memref<128xf32, #tpu.memory_space<vmem>>, vector<16xf32>,
        %ge3A_846 = arith.cmpf oge, %get3A_845, %select_n3A_773 : vector<16xf32>
        %convert_element_type3A_847 = arith.extui %ge3A_846 : vector<16xi1> to vector<16xi32>
        %add3A_848 = arith.addi %scan3A_791, %convert_element_type3A_847 : vector<16xi32>
        %get3A_849 = arith.constant 0 : i32
        %get3A_850 = tpu.memref_slice %arg8[%scan3A_784, %get3A_849] : memref<304x128xf32, #tpu.memory_space<vmem>> -> memref<1x128xf32, #tpu.memory_space<vmem>>
        %get3A_851 = tpu.memref_squeeze %get3A_850 : memref<1x128xf32, #tpu.memory_space<vmem>> -> memref<128xf32, #tpu.memory_space<vmem>>
        %get3A_852 = arith.constant 112 : index
        %get3A_853 = tpu.vector_load %get3A_851[%get3A_852] {strides = array<i32>} : memref<128xf32, #tpu.memory_space<vmem>>, vector<16xf32>,
        %ge3A_854 = arith.cmpf oge, %get3A_853, %select_n3A_778 : vector<16xf32>
        %convert_element_type3A_855 = arith.extui %ge3A_854 : vector<16xi1> to vector<16xi32>
        %add3A_856 = arith.addi %scan3A_792, %convert_element_type3A_855 : vector<16xi32>
        scf.yield %add3A_800, %add3A_808, %add3A_816, %add3A_824, %add3A_832, %add3A_840, %add3A_848, %add3A_856 : vector<16xi32>, vector<16xi32>, vector<16xi32>, vector<16xi32>, vector<16xi32>, vector<16xi32>, vector<16xi32>, vector<16xi32>
      }
      %scan3A_783 = arith.constant 304 : i32
      scf.yield %scan3A_782#0, %scan3A_782#1, %scan3A_782#2, %scan3A_782#3, %scan3A_782#4, %scan3A_782#5, %scan3A_782#6, %scan3A_782#7 : vector<16xi32>, vector<16xi32>, vector<16xi32>, vector<16xi32>, vector<16xi32>, vector<16xi32>, vector<16xi32>, vector<16xi32>
    }
    %swap3A_723 = arith.constant 0 : index
    %swap3A_724 = tpu.vector_load %arg10[%swap3A_723] {strides = array<i32>} : memref<128xi32, #tpu.memory_space<vmem>>, vector<16xi32>,
    tpu.vector_store %arg10[%swap3A_723], %cond3A_722#0 {strides = array<i32>} : memref<128xi32, #tpu.memory_space<vmem>>, vector<16xi32>,
    %swap3A_725 = arith.constant 16 : index
    %swap3A_726 = tpu.vector_load %arg10[%swap3A_725] {strides = array<i32>} : memref<128xi32, #tpu.memory_space<vmem>>, vector<16xi32>,
    tpu.vector_store %arg10[%swap3A_725], %cond3A_722#1 {strides = array<i32>} : memref<128xi32, #tpu.memory_space<vmem>>, vector<16xi32>,
    %swap3A_727 = arith.constant 32 : index
    %swap3A_728 = tpu.vector_load %arg10[%swap3A_727] {strides = array<i32>} : memref<128xi32, #tpu.memory_space<vmem>>, vector<16xi32>,
    tpu.vector_store %arg10[%swap3A_727], %cond3A_722#2 {strides = array<i32>} : memref<128xi32, #tpu.memory_space<vmem>>, vector<16xi32>,
    %swap3A_729 = arith.constant 48 : index
    %swap3A_730 = tpu.vector_load %arg10[%swap3A_729] {strides = array<i32>} : memref<128xi32, #tpu.memory_space<vmem>>, vector<16xi32>,
    tpu.vector_store %arg10[%swap3A_729], %cond3A_722#3 {strides = array<i32>} : memref<128xi32, #tpu.memory_space<vmem>>, vector<16xi32>,
    %swap3A_731 = arith.constant 64 : index
    %swap3A_732 = tpu.vector_load %arg10[%swap3A_731] {strides = array<i32>} : memref<128xi32, #tpu.memory_space<vmem>>, vector<16xi32>,
    tpu.vector_store %arg10[%swap3A_731], %cond3A_722#4 {strides = array<i32>} : memref<128xi32, #tpu.memory_space<vmem>>, vector<16xi32>,
    %swap3A_733 = arith.constant 80 : index
    %swap3A_734 = tpu.vector_load %arg10[%swap3A_733] {strides = array<i32>} : memref<128xi32, #tpu.memory_space<vmem>>, vector<16xi32>,
    tpu.vector_store %arg10[%swap3A_733], %cond3A_722#5 {strides = array<i32>} : memref<128xi32, #tpu.memory_space<vmem>>, vector<16xi32>,
    %swap3A_735 = arith.constant 96 : index
    %swap3A_736 = tpu.vector_load %arg10[%swap3A_735] {strides = array<i32>} : memref<128xi32, #tpu.memory_space<vmem>>, vector<16xi32>,
    tpu.vector_store %arg10[%swap3A_735], %cond3A_722#6 {strides = array<i32>} : memref<128xi32, #tpu.memory_space<vmem>>, vector<16xi32>,
    %swap3A_737 = arith.constant 112 : index
    %swap3A_738 = tpu.vector_load %arg10[%swap3A_737] {strides = array<i32>} : memref<128xi32, #tpu.memory_space<vmem>>, vector<16xi32>,
    tpu.vector_store %arg10[%swap3A_737], %cond3A_722#7 {strides = array<i32>} : memref<128xi32, #tpu.memory_space<vmem>>, vector<16xi32>,
    "tpu.region"() ({
      %run_scoped3A = tpu.sem_alloc : memref<!tpu.dma_semaphore, #tpu.memory_space<semaphore_mem>>
      %dma_start3A_739 = arith.constant 0 : i32
      %dma_start3A_740 = tpu.memref_slice %arg4[%add3A, %dma_start3A_739] : memref<32x128xi32, #tpu.memory_space<hbm>> -> memref<1x128xi32, #tpu.memory_space<hbm>>
      %dma_start3A_741 = tpu.memref_squeeze %dma_start3A_740 : memref<1x128xi32, #tpu.memory_space<hbm>> -> memref<128xi32, #tpu.memory_space<hbm>>
      %dma_start3A_742 = arith.constant 0 : i32
      %dma_start3A_743 = tpu.memref_slice %arg4[%add3A, %dma_start3A_742] : memref<32x128xi32, #tpu.memory_space<hbm>> -> memref<1x128xi32, #tpu.memory_space<hbm>>
      %dma_start3A_744 = tpu.memref_squeeze %dma_start3A_743 : memref<1x128xi32, #tpu.memory_space<hbm>> -> memref<128xi32, #tpu.memory_space<hbm>>
      tpu.enqueue_dma source(%arg10 : memref<128xi32, #tpu.memory_space<vmem>>) target(%dma_start3A_744 : memref<128xi32, #tpu.memory_space<hbm>>) target_semaphore(%run_scoped3A : memref<!tpu.dma_semaphore, #tpu.memory_space<semaphore_mem>>)
      %dma_wait3A_745 = arith.constant 0 : i32
      %dma_wait3A_746 = tpu.memref_slice %arg4[%add3A, %dma_wait3A_745] : memref<32x128xi32, #tpu.memory_space<hbm>> -> memref<1x128xi32, #tpu.memory_space<hbm>>
      %dma_wait3A_747 = tpu.memref_squeeze %dma_wait3A_746 : memref<1x128xi32, #tpu.memory_space<hbm>> -> memref<128xi32, #tpu.memory_space<hbm>>
      %dma_wait3A_748 = arith.constant 0 : i32
      %dma_wait3A_749 = tpu.memref_slice %arg4[%add3A, %dma_wait3A_748] : memref<32x128xi32, #tpu.memory_space<hbm>> -> memref<1x128xi32, #tpu.memory_space<hbm>>
      %dma_wait3A_750 = tpu.memref_squeeze %dma_wait3A_749 : memref<1x128xi32, #tpu.memory_space<hbm>> -> memref<128xi32, #tpu.memory_space<hbm>>
      tpu.wait_dma2 semaphore(%run_scoped3A : memref<!tpu.dma_semaphore, #tpu.memory_space<semaphore_mem>>) src(%arg10 : memref<128xi32, #tpu.memory_space<vmem>>) dst(%dma_wait3A_750 : memref<128xi32, #tpu.memory_space<hbm>>)
      tpu.yield
    }) : () -> ()
    return
  }
}

module attributes {stable_mosaic.version = 14 : i64} {
  func.func @_tc_body(%arg0: i32, %arg1: memref<1x128xf32, #tpu.memory_space<vmem>>, %arg2: memref<1x128xi32, #tpu.memory_space<vmem>>, %arg3: memref<2568x128xf32, #tpu.memory_space<vmem>>, %arg4: memref<1x128xi32, #tpu.memory_space<vmem>>) attributes {dimension_semantics = [#tpu.dimension_semantics<arbitrary>], iteration_bounds = array<i64: 20>, scalar_prefetch = 0 : i64, scratch_operands = 0 : i64, tpu.core_type = #tpu.core_type<tc>, window_params = [{pipeline_mode = #tpu.pipeline_mode<synchronous>, transform_indices = @transform_0, window_bounds = array<i64: 1, 128>}, {pipeline_mode = #tpu.pipeline_mode<synchronous>, transform_indices = @transform_1, window_bounds = array<i64: 1, 128>}, {transform_indices = @transform_2, window_bounds = array<i64: 2568, 128>}, {pipeline_mode = #tpu.pipeline_mode<synchronous>, transform_indices = @transform_3, window_bounds = array<i64: 1, 128>}]} {
    %eq3A = arith.constant 0 : i32
    %eq3A_0 = arith.cmpi eq, %arg0, %eq3A : i32
    %convert_element_type3A = arith.extui %eq3A_0 : i1 to i32
    %cond3A = arith.constant 0 : i32
    %cond3A_1 = arith.cmpi ne, %convert_element_type3A, %cond3A : i32
    scf.if %cond3A_1 {
      %broadcast_in_dim3A_24 = arith.constant 0 : i32
      %broadcast_in_dim3A_25 = vector.broadcast %broadcast_in_dim3A_24 : i32 to vector<1x128xi32>
      %swap3A_26 = arith.constant 0 : index
      %swap3A_27 = arith.constant 0 : index
      %swap3A_28 = vector.load %arg4[%swap3A_26, %swap3A_27] : memref<1x128xi32, #tpu.memory_space<vmem>>, vector<1x128xi32>
      tpu.vector_store %arg4[%swap3A_26, %swap3A_27], %broadcast_in_dim3A_25 {strides = array<i32>} : memref<1x128xi32, #tpu.memory_space<vmem>>, vector<1x128xi32>,
    } else {
    }
    %get3A = arith.constant 0 : index
    %get3A_2 = arith.constant 0 : index
    %get3A_3 = vector.load %arg3[%get3A, %get3A_2] : memref<2568x128xf32, #tpu.memory_space<vmem>>, vector<2568x128xf32>
    %get3A_4 = arith.constant 0 : index
    %get3A_5 = arith.constant 0 : index
    %get3A_6 = vector.load %arg1[%get3A_4, %get3A_5] : memref<1x128xf32, #tpu.memory_space<vmem>>, vector<1x128xf32>
    %get3A_7 = arith.constant 0 : index
    %get3A_8 = arith.constant 0 : index
    %get3A_9 = vector.load %arg2[%get3A_7, %get3A_8] : memref<1x128xi32, #tpu.memory_space<vmem>>, vector<1x128xi32>
    %iota3A = tpu.iota {dimensions = array<i32: 0>} : vector<2568x128xi32>
    %mul3A = arith.constant 2568 : i32
    %mul3A_10 = arith.muli %arg0, %mul3A : i32
    %add3A = vector.broadcast %mul3A_10 : i32 to vector<2568x128xi32>
    %add3A_11 = arith.addi %iota3A, %add3A : vector<2568x128xi32>
    %gt3A = vector.broadcast %get3A_6 : vector<1x128xf32> to vector<2568x128xf32>
    %gt3A_12 = arith.cmpf ogt, %get3A_3, %gt3A : vector<2568x128xf32>
    %eq3A_13 = vector.broadcast %get3A_6 : vector<1x128xf32> to vector<2568x128xf32>
    %eq3A_14 = arith.cmpf oeq, %get3A_3, %eq3A_13 : vector<2568x128xf32>
    %lt3A = vector.broadcast %get3A_9 : vector<1x128xi32> to vector<2568x128xi32>
    %lt3A_15 = arith.cmpi slt, %add3A_11, %lt3A : vector<2568x128xi32>
    %and3A = arith.andi %eq3A_14, %lt3A_15 : vector<2568x128xi1>
    %or3A = arith.ori %gt3A_12, %and3A : vector<2568x128xi1>
    %get3A_16 = arith.constant 0 : index
    %get3A_17 = arith.constant 0 : index
    %get3A_18 = vector.load %arg4[%get3A_16, %get3A_17] : memref<1x128xi32, #tpu.memory_space<vmem>>, vector<1x128xi32>
    %convert_element_type3A_19 = arith.extui %or3A : vector<2568x128xi1> to vector<2568x128xi32>
    %reduce_sum3A = arith.constant dense<0> : vector<128xi32>
    %reduce_sum3A_20 = vector.multi_reduction <add>, %convert_element_type3A_19, %reduce_sum3A [0] : vector<2568x128xi32> to vector<128xi32>
    %broadcast_in_dim3A = vector.shape_cast %reduce_sum3A_20 : vector<128xi32> to vector<1x128xi32>
    %add3A_21 = arith.addi %get3A_18, %broadcast_in_dim3A : vector<1x128xi32>
    %swap3A = arith.constant 0 : index
    %swap3A_22 = arith.constant 0 : index
    %swap3A_23 = vector.load %arg4[%swap3A, %swap3A_22] : memref<1x128xi32, #tpu.memory_space<vmem>>, vector<1x128xi32>
    tpu.vector_store %arg4[%swap3A, %swap3A_22], %add3A_21 {strides = array<i32>} : memref<1x128xi32, #tpu.memory_space<vmem>>, vector<1x128xi32>,
    return
  }
  func.func @transform_0(%arg0: i32) -> (i32, i32) {
    %c0_i32 = arith.constant 0 : i32
    %c0_i32_0 = arith.constant 0 : i32
    %c0_i32_1 = arith.constant 0 : i32
    return %c0_i32, %c0_i32_0 : i32, i32
  }
  func.func @transform_1(%arg0: i32) -> (i32, i32) {
    %c0_i32 = arith.constant 0 : i32
    %c0_i32_0 = arith.constant 0 : i32
    %c0_i32_1 = arith.constant 0 : i32
    return %c0_i32, %c0_i32_0 : i32, i32
  }
  func.func @transform_2(%arg0: i32) -> (i32, i32) {
    %c0_i32 = arith.constant 0 : i32
    %c0_i32_0 = arith.constant 0 : i32
    return %arg0, %c0_i32 : i32, i32
  }
  func.func @transform_3(%arg0: i32) -> (i32, i32) {
    %c0_i32 = arith.constant 0 : i32
    %c0_i32_0 = arith.constant 0 : i32
    %c0_i32_1 = arith.constant 0 : i32
    return %c0_i32, %c0_i32_0 : i32, i32
  }
}

</mosaic_0001>

<sc_bundles>
// kernel: kernel.4.cloned.1.call-start
scs
__scs_entry_jumppad:
0x0: {  	(pc) =	sbr.rel $0x88, $3  }
0x1: {  	(tag) =	ssettag $0x0;
	lr =	simm.s32 $0x1  }
0x2: {  	[smem:$0x3F9F] =	sst lr;
	_ =	strace $0xD0000000  }
0x3: {  	_ = 	snop  }
0x4: {  	_ = 	snop  }
0x5: {  	_ = 	snop  }
0x6: {  	_ = 	snop  }
0x7: {  	_ = 	snop  }
__scs_overlays_trampoline_lowered:
0x8: {  	[smem:$0x3FAE] =	sst s0  }
0x9: {  	[smem:$0x3FAF] =	sst s1  }
0xa: {  	[smem:$0x3FB0] =	sst s2  }
0xb: {  	[smem:$0x3FB1] =	sst s3  }
0xc: {  	[smem:$0x3FB2] =	sst s4  }
0xd: {  	[smem:$0x3FB3] =	sst s5  }
0xe: {  	[smem:$0x3FB4] =	sst s6  }
0xf: {  	[smem:$0x3FB5] =	sst s7  }
0x10: {  	[smem:$0x3FB6] =	sst s8  }
0x11: {  	[smem:$0x3FB7] =	sst s9;
	s0 =	simm.s32 @!p0 $0x0  }
0x12: {  	s1 =	sld [smem:$0x3F9D];
	s0 =	simm.s32 @p0 $0x1  }
0x13: {  	[smem:$0x3FB8] =	sst s0;
	s0 =	simm.s32 @!p1 $0x0  }
0x14: {  	s2 =	sld [smem:$0x3F9C];
	s0 =	simm.s32 @p1 $0x1  }
0x15: {  	[smem:$0x3FB9] =	sst s0;
	s0 =	simm.s32 @!p2 $0x0  }
0x16: {  	s3 =	sld [smem:$0x3FDB];
	s0 =	simm.s32 @p2 $0x1  }
0x17: {  	s4 =	simm.s32 $0x1BF5;
	[smem:$0x3FBB] =	sst s0  }
0x18: {  	s0 =	sld [smem:$0x3F9E];
	_ =	swait.ge [sflag:s4], $0x0  }
0x19: {  	s7 =	sld [smem:$0x3F9F]  }
0x1a: {  	s8 =	sadd.s32 $0xFFFFE003, lr  }
0x1b: {  	s9 =	sadd.s32 $0xFFFFFEF7, lr;
	s5 =	simm.s32 $0xFFFFFFFF;
	p2 =	slt.u32 s8, $0xFFFFF086  }
0x1c: {  	p1 =	slt.u32 s9, $0xF7A;
	s5 =	simm.s32 @!p2 $0x0  }
0x1d: {  	s5 =	simm.s32 @p1 $0x1;
	p0 =	seq.s32 s7, s2  }
0x1e: {  	s7 =	smul.u32 @!p0 $0xF7A, s2;
	p2 =	seq.s32 @!p0 s5, $0x0  }
0x1f: {  	s9 =	smul.u32 $0xF7A, s1;
	s8 =	simm.s32 @!p0 $0x1BF5;
	p2 =	por !p2, p0  }
0x20: {  	[sflag:s8] =	ssyncset.s32 @!p0 $0xFFFFF086;
	s6 =	sadd.s32 @!p0 s3, s7;
	s7 =	simm.s32 @!p0 $0x108  }
0x21: {  	s3 =	sadd.s32 s3, s9;
	s6 =	sadd.s32 @!p0 $0x88, s6;
	s7 =	simm.s32 @p2 $0x1082  }
0x22: {  	[simem:s7], [sflag:s8] =	dma.local @!p0 [hbm:s6], $0xF7A  }
0x23: {  	s9 =	sor.u32 $0xD0000000, s2;
	s6 =	simm.s32 $0x108;
	_ =	swait.ge @!p0 [sflag:s8], $0x0  }
0x24: {  	s3 =	sadd.s32 $0x88, s3;
	s6 =	simm.s32 @!p1 $0x1082;
	[sflag:s4] =	ssyncset.s32 $0xFFFFF086  }
0x25: {  	[simem:s6], [sflag:s4] =	dma.local [hbm:s3], $0xF7A  }
0x26: {  	[smem:$0x3F9F] =	sst s1;
	(tag) =	ssettag s2;
	_ =	strace s9  }
0x27: {  	s1 =	sld [smem:$0x3FAF]  }
0x28: {  	s2 =	sld [smem:$0x3FB0]  }
0x29: {  	s4 =	sld [smem:$0x3FB2]  }
0x2a: {  	p0 =	seq.s32 s5, $0x0;
	s5 =	sld [smem:$0x3FB3]  }
0x2b: {  	s6 =	sld [smem:$0x3FB4]  }
0x2c: {  	s7 =	sld [smem:$0x3FB5]  }
0x2d: {  	s3 =	simm.s32 $0x108;
	s8 =	sld [smem:$0x3FB6]  }
0x2e: {  	s3 =	simm.s32 @!p0 $0x1082;
	s9 =	sld [smem:$0x3FB7]  }
0x2f: {  	lr =	sadd.s32 s0, s3;
	s0 =	sld [smem:$0x3FAE]  }
0x30: {  	s3 =	sld [smem:$0x3FB1]  }
0x31: {  	[smem:$0x3FBA] =	sst s10  }
0x32: {  	s10 =	sld [smem:$0x3FB8];
	_ =	sdelay $0x3  }
0x33: {  	p0 =	seq.s32 s10, $0x1;
	s10 =	sld [smem:$0x3FBA];
	_ =	sdelay $0x3  }
0x34: {  	[smem:$0x3FBA] =	sst s10  }
0x35: {  	s10 =	sld [smem:$0x3FB9];
	_ =	sdelay $0x3  }
0x36: {  	p1 =	seq.s32 s10, $0x1;
	s10 =	sld [smem:$0x3FBA];
	_ =	sdelay $0x3  }
0x37: {  	[smem:$0x3FBA] =	sst s10  }
0x38: {  	s10 =	sld [smem:$0x3FBB]  }
0x39: {  	_ = 	snop;
	(pc) =	sbr.ind lr, $3  }
0x3a: {  	_ = 	snop  }
0x3b: {  	_ = 	snop  }
0x3c: {  	p2 =	seq.s32 s10, $0x1;
	s10 =	sld [smem:$0x3FBA]  }
0x3d: {  	_ =	shalt  }
0x3e: {  	_ =	shalt  }
0x3f: {  	_ =	shalt  }
0x40: {  	_ =	shalt  }
0x41: {  	_ =	shalt  }
0x42: {  	_ =	shalt  }
0x43: {  	_ =	shalt  }
0x44: {  	_ =	shalt  }
0x45: {  	_ =	shalt  }
0x46: {  	_ =	shalt  }
0x47: {  	_ =	shalt  }
0x48: {  	_ =	shalt  }
0x49: {  	_ =	shalt  }
0x4a: {  	_ =	shalt  }
0x4b: {  	_ =	shalt  }
0x4c: {  	_ =	shalt  }
0x4d: {  	_ =	shalt  }
0x4e: {  	_ =	shalt  }
0x4f: {  	_ =	shalt  }
0x50: {  	_ =	shalt  }
0x51: {  	_ =	shalt  }
0x52: {  	_ =	shalt  }
0x53: {  	_ =	shalt  }
0x54: {  	_ =	shalt  }
0x55: {  	_ =	shalt  }
0x56: {  	_ =	shalt  }
0x57: {  	_ =	shalt  }
0x58: {  	_ =	shalt  }
0x59: {  	_ =	shalt  }
0x5a: {  	_ =	shalt  }
0x5b: {  	_ =	shalt  }
0x5c: {  	_ =	shalt  }
0x5d: {  	_ =	shalt  }
0x5e: {  	_ =	shalt  }
0x5f: {  	_ =	shalt  }
0x60: {  	_ =	shalt  }
0x61: {  	_ =	shalt  }
0x62: {  	_ =	shalt  }
0x63: {  	_ =	shalt  }
0x64: {  	_ =	shalt  }
0x65: {  	_ =	shalt  }
0x66: {  	_ =	shalt  }
0x67: {  	_ =	shalt  }
0x68: {  	_ =	shalt  }
0x69: {  	_ =	shalt  }
0x6a: {  	_ =	shalt  }
0x6b: {  	_ =	shalt  }
0x6c: {  	_ =	shalt  }
0x6d: {  	_ =	shalt  }
0x6e: {  	_ =	shalt  }
0x6f: {  	_ =	shalt  }
0x70: {  	_ =	shalt  }
0x71: {  	_ =	shalt  }
0x72: {  	_ =	shalt  }
0x73: {  	_ =	shalt  }
0x74: {  	_ =	shalt  }
0x75: {  	_ =	shalt  }
0x76: {  	_ =	shalt  }
0x77: {  	_ =	shalt  }
0x78: {  	_ =	shalt  }
0x79: {  	_ =	shalt  }
0x7a: {  	_ =	shalt  }
0x7b: {  	_ =	shalt  }
0x7c: {  	_ =	shalt  }
0x7d: {  	_ =	shalt  }
0x7e: {  	_ =	shalt  }
0x7f: {  	_ =	shalt  }
0x80: {  	_ =	shalt  }
0x81: {  	_ =	shalt  }
0x82: {  	_ =	shalt  }
0x83: {  	_ =	shalt  }
0x84: {  	_ =	shalt  }
0x85: {  	_ =	shalt  }
0x86: {  	_ =	shalt  }
0x87: {  	_ =	shalt  }
.Lfunc_end0:
.L_simem_size_0:
called_computation_lowered:
.L_overlay_start_0:
0x88: {  	s2 =	sld [smem:$0x3FD9]  }
0x89: {  	s3 =	sld [smem:$0x3FFE];
	_ =	sdelay $0x1  }
0x8a: {  	s1 =	srdreg.scid  }
0x8b: {  	s0 =	sand.u32 $0x1, s1  }
0x8c: {  	s17 =	sshll.u32 s0, $0xA;
	s2 =	sadd.s32 s3, s2  }
0x8d: {  	s2 =	sadd.s32 s2, s17  }
0x8e: {  	[smem:$0x3FC6] =	sst s2  }
0x8f: {  	_ = 	snop  }
0x90: {  	s2 =	sld [smem:$0x3FC9]  }
0x91: {  	s18 =	sld [smem:$0x3FC8];
	(tm) =	ssettm $0x1  }
0x92: {  	s4 =	sld [smem:$0x3FFB];
	_ =	sdelay $0x3  }
0x93: {  	_ =	strace s4  }
0x94: {  	s4 =	sld [smem:$0x3FFC];
	_ =	sdelay $0x3  }
0x95: {  	_ =	strace s4  }
0x96: {  	s4 =	sld [smem:$0x3FFD];
	_ =	sdelay $0x3  }
0x97: {  	_ =	strace s4  }
0x98: {  	_ =	strace $0x8FFFFFFF  }
0x99: {  	s19 =	sld [smem:$0x3FDB];
	_ =	sdelay $0x1  }
0x9a: {  	s5 =	simm.s32 $_scs_section_size  }
0x9b: {  	s6 =	simm.s32 $_size__tile_overlayer_lowered;
	s7 =	simm.s32 $_tile_overlayer_lowered  }
0x9c: {  	s22 =	simm.s32 $0x1BFF;
	s21 =	sshll.u32 s7, $0x1;
	s4 =	sadd.s32 s5, s19  }
0x9d: {  	s8 =	simm.s32 $0x0;
	s20 =	sshll.u32 s6, $0x1;
	s6 =	sadd.s32 s21, s4  }
0x9e: {  	[timem:s8], [sflag:s22] =	dma.local [hbm:s6], s20  }
0x9f: {  	_ =	swait.ge [sflag:s22], s20  }
0xa0: {  	s5 =	ssub.s32 $0x0, s20;
	[sflag:s22] =	ssyncset.done $0x0  }
0xa1: {  	[sflag:s22] =	ssyncadd.s32 s5;
	_ =	sdelay $0x1  }
0xa2: {  	s23 =	simm.s32 $0x1B8B  }
0xa3: {  	_ =	swait.ge [sflag:s23], $0x1  }
0xa4: {  	[sflag:s23] =	ssyncset.done $0x0  }
0xa5: {  	s25 =	simm.s32 $0x1B8E;
	s24 =	sld [smem:$0x3FFE];
	[sflag:s23] =	ssyncadd.s32 $0xFFFFFFFF  }
0xa6: {  	s26 =	simm.s32 $execute0_lowered;
	[smem:$0x3FD2] =	sst s25  }
0xa7: {  	s6 =	sshll.u32 s26, $0x1;
	_ =	strace $0x80000046;
	[dreg:$0x1] =	wrdreg $0xFFFFFFFF  }
0xa8: {  	s28 =	simm.s32 $_size_execute0_lowered;
	s4 =	sadd.s32 s4, s6;
	[dreg:$0x0] =	wrdreg $0x0  }
0xa9: {  	s6 =	sshll.u32 s28, $0x1;
	[dreg:$0x2] =	wrdreg s4  }
0xaa: {  	[dreg:$0x3] =	wrdreg s6  }
0xab: {  	[dreg:$0x4] =	wrdreg $0xC0  }
0xac: {  	_ =	task [dreg:s8], $0x5FFFF  }
0xad: {  	[dreg:$0x1] =	wrdreg $0xFFFFFFFF  }
0xae: {  	[dreg:$0x0] =	wrdreg $0x60  }
0xaf: {  	[dreg:$0x2] =	wrdreg s2  }
0xb0: {  	[dreg:$0x3] =	wrdreg s18  }
0xb1: {  	[dreg:$0x4] =	wrdreg s24  }
0xb2: {  	[dreg:$0x5] =	wrdreg $0x9  }
0xb3: {  	_ =	task.clear_ibuf [dreg:s8], $0x6FFFF;
	_ =	strace $0x90000046  }
0xb4: {  	s29 =	simm.s32 $0x9;
	_ =	strace $0x80000048  }
0xb5: {  	_ =	swait.ge [sflag:s29], $0x1  }
0xb6: {  	[sflag:s29] =	ssyncadd.s32 $0xFFFFFFFF  }
0xb7: {  	_ =	strace $0x90000048  }
0xb8: {  	_ =	sfence  }
0xb9: {  	s30 =	sld [smem:$0x0];
	_ =	sdelay $0x2  }
0xba: {  	s31 =	sshll.u32 s1, $0xD;
	s1 =	sshrl.u32 s1, $0x2  }
0xbb: {  	s3 =	sand.u32 $0x4000, s31;
	s1 =	sadd.s32 s1, s30  }
0xbc: {  	s0 =	sor.u32 s3, s0;
	s1 =	sshll.u32 s1, $0x11  }
0xbd: {  	s0 =	sor.u32 s1, s0  }
0xbe: {  	s0 =	sadd.s32 $0x8F2B, s0  }
0xbf: {  	[sflag:s0] =	ssyncadd.remote.s32 $0x1  }
0xc0: {  	_ =	sfence.sel $0xFFFF  }
0xc1: {  	[dreg:$0x0] =	wrdreg $0xFFFFFFFF;
	(pc) =	sbr.abs _section_cstart, $3  }
0xc2: {  	[dreg:$0x1] =	wrdreg $0xFFFFFFFF  }
0xc3: {  	_ =	task.clear_ibuf [dreg:s8], $0x2FFFF;
	_ =	strace $0x9FFFFFFF  }
0xc4: {  	(tm) =	ssettm $0x7FFFFFFF  }
0xc5: {  	_ =	shalt  }
tec
execute0_lowered:
.L_overlay_start_1:
0x0: {  	(tag) =	ssettag $0x1  }
0x1: {  	s1 =	rddreg [dreg:$0x0];
	s2 =	srdreg.scid  }
0x2: {  	s0 =	stileid.u32;
	s3 =	rddreg [dreg:$0x1]  }
0x3: {  	s15 =	rddreg [dreg:$0x2];
	s4 =	simm.s32 $0x0;
	s20 =	simm.s32 $0x80  }
0x4: {  	s21 =	simm.s32 $0x100;
	s22 =	simm.s32 $0x3;
	s23 =	simm.s32 $0x1  }
0x5: {  	s24 =	simm.s32 $0x2;
	s25 =	simm.s32 $0x17100;
	s26 =	simm.s32 $0x0  }
0x6: {  	v7 =	vlaneseq.u32;
	s5 =	sand.u32 $0x1, s2;
	s30 =	sshll.u32 s0, $0x1;
	s2 =	rddreg [dreg:$0x3]  }
0x7: {  	[smem:$0x7FF] =	sst s4;
	v7 =	vmul.u32 $0x81, v7;
	s16 =	sor.u32 s5, s30;
	s7 =	ssub.s32 $0x2, s5  }
0x8: {  	s17 =	smul.u32 $0x5F0, s16;
	s8 =	sshrl.u32 s7, $0x1;
	s16 =	sshll.u32 s16, $0x4  }
0x9: {  	_ =	strace $0x80000047;
	v12 =	vadd.s32 $0x810, v7;
	[tilespmem:$0x1FFE0] =	vst v7;
	s18 =	ssub.s32 s7, s8;
	s15 =	sadd.s32 s15, s16  }
0xa: {  	v59 =	vadd.s32 $0x1020, v7;
	[tilespmem:$0x1FF80] =	vst v12;
	s5 =	sadd.s32 $0xC8A0, s17;
	s6 =	sadd.s32 $0xC9D0, s17;
	s10 =	sadd.s32 $0xCC30, s17  }
0xb: {  	v19 =	vimm.s32 $0x0;
	v60 =	vadd.s32 $0x1830, v7;
	[tilespmem:$0x1FF90] =	vst v59;
	s11 =	sadd.s32 $0xCD60, s17;
	s19 =	sadd.s32 $0xCE90, s17;
	s16 =	smax.u32 s18, $0x1  }
.Ltmp0:
0xc: {  	v61 =	vadd.s32 $0x2040, v7;
	v62 =	vadd.s32 $0x2850, v7;
	v63 =	vadd.s32 $0x3060, v7;
	[tilespmem:$0x1FFA0] =	vst v60;
	s18 =	simm.s32 $0xD900;
	s9 =	sshll.u32 s5, $0x4;
	(pc) =	sbr.rel .LBB2_1-.Ltmp0, $4  }
0xd: {  	v7 =	vadd.s32 $0x3870, v7;
	[tilespmem:$0x1FFB0] =	vst v61;
	s31 =	sshll.u32 s6, $0x4;
	v0 =	vmov s5;
	v2 =	vmov s6;
	s13 =	sshll.u32 s10, $0x4;
	s14 =	sshll.u32 s11, $0x4  }
0xe: {  	[tilespmem:$0x1FFC0] =	vst v62;
	v5 =	vmov s10;
	v6 =	vmov s11;
	v11 =	vmov s19;
	s19 =	simm.s32 $0x4;
	s7 =	sadd.s32 s1, s9;
	s9 =	sadd.s32 $0xCB00, s17  }
0xf: {  	[tilespmem:$0x1FFD0] =	vst v63;
	s8 =	sadd.s32 s1, s31;
	v1 =	vadd.s32 $0x130, v0;
	v3 =	vadd.s32 $0x130, v2;
	s13 =	sadd.s32 s1, s13;
	s12 =	sshll.u32 s9, $0x4;
	v4 =	vmov s9  }
0x10: {  	[tilespmem:$0x1FFF0] =	vst v7;
	s14 =	sadd.s32 s1, s14;
	v9 =	vadd.s32 $0x130, v5;
	v10 =	vadd.s32 $0x130, v6;
	s17 =	simm.s32 $0x4100;
	s12 =	sadd.s32 s1, s12;
	v8 =	vadd.s32 $0x130, v4  }
.LBB2_35:
0x11: {  	v7 =	vld [tilespmem:s28+$0x4170]  }
0x12: {  	v15 =	vld [tilespmem:s28+$0x4100]  }
0x13: {  	v17 =	vld [tilespmem:s28+$0x4110]  }
0x14: {  	v13 =	vadd.s32 v13, v50;
	v14 =	vsel vm0, $0x1, v19;
	vm4 =	vge.f32 v31, v24;
	v60 =	vld [tilespmem:s28+$0x4120]  }
0x15: {  	vm5 =	vge.f32 v30, v21;
	vm6 =	vge.f32 v29, v23;
	vm7 =	vge.f32 v32, v22;
	v62 =	vld [tilespmem:s28+$0x4130]  }
0x16: {  	vm8 =	vge.f32 v12, v20;
	v33 =	vld [tilespmem:s28+$0x4140];
	v14 =	vadd.s32 v14, v49;
	v16 =	vsel vm4, $0x1, v19  }
0x17: {  	v63 =	vld [tilespmem:s28+$0x4160];
	v18 =	vsel vm5, $0x1, v19;
	v61 =	vsel vm6, $0x1, v19;
	v32 =	vsel vm7, $0x1, v19  }
0x18: {  	v12 =	vsel vm8, $0x1, v19;
	v16 =	vadd.s32 v16, v48;
	v18 =	vadd.s32 v18, v47  }
0x19: {  	v30 =	vadd.s32 v61, v46;
	vm1 =	vge.f32 v7, v27;
	v7 =	vadd.s32 v32, v45  }
0x1a: {  	v27 =	vld [tilespmem:s28+$0x4150];
	vm9 =	vge.f32 v15, v26;
	v26 =	vadd.s32 v12, v44;
	vm10 =	vge.f32 v17, v25  }
0x1b: {  	vm11 =	vge.f32 v60, v24;
	vm12 =	vge.f32 v62, v21;
	vm13 =	vge.f32 v33, v23  }
0x1c: {  	vm15 =	vge.f32 v63, v20;
	v15 =	vsel vm1, $0x1, v19;
	v34 =	vsel vm9, $0x1, v19  }
0x1d: {  	v12 =	vadd.s32 v15, v28;
	v25 =	vadd.s32 v34, v13;
	v13 =	vsel vm10, $0x1, v19  }
0x1e: {  	v15 =	vsel vm13, $0x1, v19;
	v13 =	vadd.s32 v13, v14;
	v14 =	vsel vm11, $0x1, v19  }
0x1f: {  	v21 =	vadd.s32 v14, v16;
	v14 =	vsel vm12, $0x1, v19;
	vm14 =	vge.f32 v27, v22  }
0x20: {  	v16 =	vsel vm15, $0x1, v19;
	v20 =	vadd.s32 v14, v18;
	v14 =	vsel vm14, $0x1, v19  }
0x21: {  	v22 =	vadd.s32 v15, v30;
	v24 =	vadd.s32 v16, v26;
	v23 =	vadd.s32 v14, v7  }
.LBB2_36:
0x22: {  	[tilespmem:$0x17100] =	vst v25  }
0x23: {  	[tilespmem:$0x17110] =	vst v13  }
0x24: {  	[tilespmem:$0x17120] =	vst v21  }
0x25: {  	[tilespmem:$0x17130] =	vst v20  }
0x26: {  	[tilespmem:$0x17140] =	vst v22  }
0x27: {  	[tilespmem:$0x17150] =	vst v23;
	s26 =	sadd.s32 $0x1, s26  }
0x28: {  	[tilespmem:$0x17160] =	vst v24;
	p0 =	sne.s32 s26, s16  }
.Ltmp1:
0x29: {  	[tilespmem:$0x17170] =	vst v12;
	(pc) =	sbr.rel @!p0 .LBB2_37-.Ltmp1, $4  }
0x2a: {  	[hbm4b:s15+s4] =	stream.linear.scatter [tilespmem:s25], [sflag:$0x4], $0x80, $0x38;
	[tilespmem:$0x17180] =	vst v63  }
0x2b: {  	_ =	swait.ge [sflag:s19], $0x80  }
0x2c: {  	[sflag:s19] =	ssyncset.done $0x0  }
0x2d: {  	[sflag:s19] =	ssyncadd.s32 $0xFFFFFF80  }
.LBB2_1:
0x2e: {  	[tilespmem:s17], [sflag:$0x1] =	stream.linear.gather [hbm4b:s7+s4], $0x9800, $0x38;
	[tilespmem:$0x17180] =	vst v63  }
0x2f: {  	_ = 	snop  }
0x30: {  	[tilespmem:s18], [sflag:$0x2] =	stream.linear.gather [hbm4b:s8+s4], $0x9800, $0x38;
	[tilespmem:$0x17180] =	vst v63  }
0x31: {  	_ = 	snop  }
0x32: {  	[tilespmem:s4], [sflag:$0x4] =	stream.linear.gather [hbm4b:s3+s4], $0x80, $0x38;
	[tilespmem:$0x17180] =	vst v63  }
0x33: {  	_ =	swait.ge [sflag:s19], $0x80  }
0x34: {  	[sflag:s19] =	ssyncset.done $0x0  }
0x35: {  	[sflag:s19] =	ssyncadd.s32 $0xFFFFFF80  }
0x36: {  	v12 =	vld [tilespmem:$0x0]  }
0x37: {  	v13 =	vld [tilespmem:$0x10]  }
0x38: {  	v20 =	vld [tilespmem:$0x20]  }
0x39: {  	v21 =	vld [tilespmem:$0x30]  }
0x3a: {  	v22 =	vld [tilespmem:$0x40]  }
0x3b: {  	v23 =	vld [tilespmem:$0x50];
	vm0 =	vgt.s32 v12, $0x0  }
0x3c: {  	v24 =	vld [tilespmem:$0x60];
	vm9 =	vgt.s32 v13, $0x0;
	v12 =	vnsel vm0, $0x0, v12  }
0x3d: {  	v25 =	vld [tilespmem:$0x70];
	vm10 =	vgt.s32 v20, $0x0;
	v13 =	vnsel vm9, $0x0, v13;
	v12 =	vmin.u32 v12, $0x1869F  }
0x3e: {  	vm11 =	vgt.s32 v21, $0x0;
	v37 =	vnsel vm10, $0x0, v20;
	v36 =	vmin.u32 v13, $0x1869F;
	[tilespmem:$0x80] =	vst v12  }
0x3f: {  	vm12 =	vgt.s32 v22, $0x0;
	v39 =	vnsel vm11, $0x0, v21;
	v38 =	vmin.u32 v37, $0x1869F;
	[tilespmem:$0x90] =	vst v36  }
0x40: {  	vm13 =	vgt.s32 v23, $0x0;
	v41 =	vnsel vm12, $0x0, v22;
	v40 =	vmin.u32 v39, $0x1869F;
	[tilespmem:$0xA0] =	vst v38  }
0x41: {  	vm14 =	vgt.s32 v24, $0x0;
	v43 =	vnsel vm13, $0x0, v23;
	v42 =	vmin.u32 v41, $0x1869F;
	[tilespmem:$0xB0] =	vst v40  }
0x42: {  	vm15 =	vgt.s32 v25, $0x0;
	v45 =	vnsel vm14, $0x0, v24;
	v44 =	vmin.u32 v43, $0x1869F;
	[tilespmem:$0xC0] =	vst v42  }
0x43: {  	v47 =	vnsel vm15, $0x0, v25;
	v46 =	vmin.u32 v45, $0x1869F;
	[tilespmem:$0xD0] =	vst v44  }
0x44: {  	v48 =	vmin.u32 v47, $0x1869F;
	[tilespmem:$0xE0] =	vst v46  }
0x45: {  	[tilespmem:$0xF0] =	vst v48  }
0x46: {  	[tilespmem:s21], [sflag:$0x3] =	stream.indirect.gather [hbm4b:s1+s20], $0x80, s20, s20, $0xb8;
	[tilespmem:$0x17180] =	vst v63  }
0x47: {  	_ =	swait.ge [sflag:s22], $0x4000  }
0x48: {  	v7 =	vld [tilespmem:$0x1FFE0];
	_ =	sdelay $0x5  }
0x49: {  	[sflag:s22] =	ssyncset.done $0x0  }
0x4a: {  	[sflag:s22] =	ssyncadd.s32 $0xFFFFC000  }
0x4b: {  	v42 =	vld.idx.msk [tilespmem:v7+s21+$0x0], $0xffff  }
0x4c: {  	v7 =	vld [tilespmem:$0x1FF80];
	_ =	sdelay $0x7  }
0x4d: {  	v41 =	vld.idx.msk [tilespmem:v7+s21+$0x0], $0xffff  }
0x4e: {  	v7 =	vld [tilespmem:$0x1FF90];
	_ =	sdelay $0x7  }
0x4f: {  	v43 =	vld.idx.msk [tilespmem:v7+s21+$0x0], $0xffff  }
0x50: {  	v7 =	vld [tilespmem:$0x1FFA0];
	_ =	sdelay $0x7  }
0x51: {  	v40 =	vld.idx.msk [tilespmem:v7+s21+$0x0], $0xffff  }
0x52: {  	v7 =	vld [tilespmem:$0x1FFB0];
	_ =	sdelay $0x7  }
0x53: {  	v39 =	vld.idx.msk [tilespmem:v7+s21+$0x0], $0xffff  }
0x54: {  	v7 =	vld [tilespmem:$0x1FFC0];
	_ =	sdelay $0x1  }
0x55: {  	v26 =	vld [tilespmem:$0x0]  }
0x56: {  	v25 =	vld [tilespmem:$0x10]  }
0x57: {  	v24 =	vld [tilespmem:$0x20]  }
0x58: {  	v21 =	vld [tilespmem:$0x30]  }
0x59: {  	v23 =	vld [tilespmem:$0x40]  }
0x5a: {  	v22 =	vld [tilespmem:$0x50]  }
0x5b: {  	v37 =	vld.idx.msk [tilespmem:v7+s21+$0x0], $0xffff  }
0x5c: {  	v7 =	vld [tilespmem:$0x1FFD0]  }
0x5d: {  	v20 =	vld [tilespmem:$0x60]  }
0x5e: {  	vm4 =	vge.s32 v26, v0;
	vm1 =	vlt.s32 v26, v1  }
0x5f: {  	vm5 =	vge.s32 v25, v0;
	vm2 =	vlt.s32 v25, v1;
	vm6 =	vge.s32 v24, v0  }
0x60: {  	v27 =	vld [tilespmem:$0x70];
	vm3 =	vlt.s32 v24, v1;
	vm8 =	vge.s32 v21, v0;
	vm9 =	vlt.s32 v21, v1  }
0x61: {  	vm10 =	vge.s32 v23, v0;
	vm11 =	vlt.s32 v23, v1;
	vm12 =	vge.s32 v22, v0  }
0x62: {  	vm13 =	vlt.s32 v22, v1;
	vm15 =	vge.s32 v20, v0;
	vm0 =	vmand vm4, vm1  }
0x63: {  	vm1 =	vmand vm5, vm2;
	vm7 =	vmand vm6, vm3;
	vm14 =	vmand vm12, vm13  }
0x64: {  	vm4 =	vlt.s32 v20, v1;
	v49 =	vmpcnt.ones.xlane vm0;
	v50 =	vmpcnt.ones.xlane vm1;
	v36 =	vld.idx.msk [tilespmem:v7+s21+$0x0], $0xffff  }
0x65: {  	vm5 =	vge.s32 v27, v0;
	v28 =	vmpcnt.ones.xlane vm7;
	vm0 =	vmand vm8, vm9;
	v7 =	vld [tilespmem:$0x1FFF0]  }
0x66: {  	v51 =	vmpcnt.ones.xlane vm0;
	vm0 =	vmand vm10, vm11;
	v12 =	vadd.s32 v49, v50  }
0x67: {  	vm6 =	vlt.s32 v27, v1;
	v52 =	vmpcnt.ones.xlane vm0;
	v12 =	vadd.s32 v28, v12  }
0x68: {  	vm0 =	vmand vm15, vm4;
	v28 =	vmpcnt.ones.xlane vm14;
	v12 =	vadd.s32 v51, v12  }
0x69: {  	vm7 =	vmand vm5, vm6;
	v53 =	vmpcnt.ones.xlane vm0;
	v12 =	vadd.s32 v52, v12  }
0x6a: {  	v12 =	vadd.s32 v28, v12;
	v28 =	vmpcnt.ones.xlane vm7  }
0x6b: {  	v12 =	vadd.s32 v53, v12  }
0x6c: {  	v12 =	vadd.s32 v28, v12  }
0x6d: {  	v12 =	vxor.u32 $0x80000000, v12;
	v38 =	vld.idx.msk [tilespmem:v7+s21+$0x0], $0xffff;
	_ =	swait.ge [sflag:s23], $0x9800  }
0x6e: {  	(xrf0) =	vmax.scan.msk.u32 $0xffff, v12;
	_ =	sdelay $0x5  }
0x6f: {  	v12, _, _ =	vpop (xrf0)  }
0x70: {  	(v2sf) =	vpush v12, $0xF;
	_ =	sdelay $0x7  }
0x71: {  	v54 =	vshra.s32 v42, $0x1F  }
0x72: {  	vm8 =	veq.s32 v42, $0x80000000;
	v55 =	vshra.s32 v41, $0x1F;
	vm9 =	veq.s32 v41, $0x80000000  }
0x73: {  	v56 =	vor.u32 $0x1, v55;
	v57 =	vshra.s32 v43, $0x1F;
	v59 =	vshra.s32 v40, $0x1F  }
0x74: {  	vm10 =	veq.s32 v43, $0x80000000;
	v58 =	vor.u32 $0x1, v57;
	v13 =	vor.u32 $0x1, v59  }
0x75: {  	vm11 =	veq.s32 v40, $0x80000000;
	v13 =	vadd.s32 v40, v13;
	v30 =	vshra.s32 v39, $0x1F  }
0x76: {  	v29 =	vsel vm11, $0x1, v13;
	vm12 =	veq.s32 v39, $0x80000000;
	v60 =	vor.u32 $0x1, v30  }
0x77: {  	v61 =	vshra.s32 v37, $0x1F;
	vm13 =	veq.s32 v37, $0x80000000;
	v63 =	vshra.s32 v36, $0x1F  }
0x78: {  	v62 =	vor.u32 $0x1, v61;
	v13 =	vor.u32 $0x1, v63;
	v12 =	vor.u32 $0x1, v54;
	s28 =	spop (v2sf)  }
0x79: {  	vm14 =	veq.s32 v36, $0x80000000;
	v13 =	vadd.s32 v36, v13;
	v12 =	vadd.s32 v42, v12;
	p0 =	slt.u32 s28, $0x80000001  }
.Ltmp2:
0x7a: {  	v32 =	vshra.s32 v38, $0x1F;
	v31 =	vsel vm8, $0x1, v12;
	v12 =	vadd.s32 v41, v56;
	(pc) =	sbr.rel @p0 .LBB2_5-.Ltmp2, $4  }
0x7b: {  	vm15 =	veq.s32 v38, $0x80000000;
	v28 =	vsel vm9, $0x1, v12;
	v12 =	vadd.s32 v43, v58  }
0x7c: {  	v32 =	vor.u32 $0x1, v32;
	v33 =	vsel vm10, $0x1, v12;
	v12 =	vadd.s32 v39, v60  }
0x7d: {  	[sflag:s23] =	ssyncset.done $0x0;
	v35 =	vadd.s32 v38, v32;
	v30 =	vsel vm12, $0x1, v12;
	v12 =	vadd.s32 v37, v62  }
0x7e: {  	[sflag:s23] =	ssyncadd.s32 $0xFFFF6800;
	v32 =	vsel vm14, $0x1, v13;
	v35 =	vsel vm15, $0x1, v35;
	v34 =	vsel vm13, $0x1, v12  }
0x7f: {  	vm0 =	vgt.s32 v26, v0;
	vm7 =	vgt.s32 v25, v0;
	vm8 =	vgt.s32 v24, v0  }
0x80: {  	vm1 =	vgt.s32 v21, v0;
	vm9 =	vgt.s32 v23, v0;
	vm10 =	vgt.s32 v22, v0  }
0x81: {  	vm11 =	vgt.s32 v20, v0;
	vm12 =	vgt.s32 v27, v0;
	v51 =	vimm.s32 $0x0  }
0x82: {  	s28 =	simm.s32 $0x4140;
	v59 =	vimm.s32 $0x0;
	v12 =	vsel vm0, v42, v31;
	v13 =	vsel vm7, v41, v28  }
0x83: {  	s29 =	sadd.s32 $0x0, s5;
	v47 =	vsel vm8, v43, v33;
	v49 =	vsel vm1, v40, v29;
	v50 =	vsel vm9, v39, v30;
	v45 =	vld [tilespmem:s28+$0x30]  }
0x84: {  	v52 =	vsel vm10, v37, v34;
	v53 =	vsel vm11, v36, v32;
	v46 =	vmov s29;
	v55 =	vld [tilespmem:s28+$0xFFFFFFD0]  }
0x85: {  	v44 =	vsel vm12, v38, v35;
	v56 =	vld [tilespmem:s28+$0xFFFFFFE0];
	vm13 =	veq.s32 v46, v26;
	vm14 =	veq.s32 v46, v25  }
0x86: {  	v57 =	vld [tilespmem:s28+$0xFFFFFFF0];
	vm2 =	veq.s32 v46, v27;
	vm3 =	veq.s32 v46, v24;
	vm4 =	veq.s32 v46, v21  }
0x87: {  	v58 =	vld [tilespmem:s28+$0x0];
	vm15 =	veq.s32 v46, v23;
	vm5 =	veq.s32 v46, v22;
	vm8 =	veq.s32 v46, v20  }
0x88: {  	v54 =	vld [tilespmem:s28+$0xFFFFFFC0];
	v44 =	vsel vm2, v35, v44;
	v46 =	vsel vm14, v28, v13;
	v47 =	vsel vm3, v33, v47  }
0x89: {  	v49 =	vsel vm4, v29, v49;
	v50 =	vsel vm15, v30, v50;
	v52 =	vsel vm5, v34, v52  }
0x8a: {  	v13 =	vld [tilespmem:s28+$0x20];
	v53 =	vsel vm8, v32, v53;
	vm6 =	vge.f32 v45, v44;
	v45 =	vsel vm13, v31, v12  }
0x8b: {  	v12 =	vld [tilespmem:s28+$0x10];
	vm10 =	vge.f32 v55, v46;
	vm11 =	vge.f32 v56, v47;
	vm12 =	vge.f32 v57, v49  }
0x8c: {  	vm13 =	vge.f32 v58, v50;
	v58 =	vimm.s32 $0x0;
	v57 =	vimm.s32 $0x0  }
0x8d: {  	v48 =	vsel vm6, $0x1, v19;
	vm9 =	vge.f32 v54, v45;
	v55 =	vsel vm10, $0x1, v19  }
0x8e: {  	v56 =	vsel vm11, $0x1, v19;
	v61 =	vsel vm12, $0x1, v19;
	v63 =	vsel vm13, $0x1, v19  }
0x8f: {  	v48 =	vadd.s32 v48, v51;
	v54 =	vsel vm9, $0x1, v19;
	vm15 =	vge.f32 v13, v53  }
0x90: {  	s28 =	simm.s32 $0x41C0;
	v55 =	vadd.s32 v55, v51;
	v56 =	vadd.s32 v56, v51;
	vm14 =	vge.f32 v12, v52  }
0x91: {  	s30 =	simm.s32 $0x1;
	s29 =	simm.s32 $0x2;
	v60 =	vld [tilespmem:s28+$0x30];
	v54 =	vadd.s32 v54, v51;
	v12 =	vsel vm15, $0x1, v19;
	v62 =	vsel vm14, $0x1, v19  }
.LBB2_3:
0x92: {  	p0 =	seq.s32 s29, $0x12F;
	s31 =	sadd.s32 s5, s30;
	v13 =	vld [tilespmem:s28+$0xFFFFFFC0];
	v51 =	vadd.s32 v61, v51;
	v59 =	vadd.s32 v63, v59;
	v58 =	vadd.s32 v62, v58;
	s30 =	smov.u32 s29  }
0x93: {  	v57 =	vadd.s32 v12, v57;
	v61 =	vmov s31;
	v62 =	vld [tilespmem:s28+$0xFFFFFFD0]  }
0x94: {  	vm0 =	veq.s32 v61, v26;
	vm1 =	veq.s32 v61, v25;
	v12 =	vld [tilespmem:s28+$0xFFFFFFE0];
	vm2 =	veq.s32 v61, v27  }
0x95: {  	vm3 =	veq.s32 v61, v24;
	vm4 =	veq.s32 v61, v21;
	v63 =	vld [tilespmem:s28+$0xFFFFFFF0];
	v44 =	vsel vm2, v35, v44  }
0x96: {  	vm5 =	veq.s32 v61, v22;
	vm2 =	veq.s32 v61, v23;
	v14 =	vld [tilespmem:s28+$0x0];
	vm6 =	vge.f32 v60, v44  }
0x97: {  	v45 =	vsel vm0, v31, v45;
	vm0 =	veq.s32 v61, v20;
	v60 =	vld [tilespmem:s28+$0x10];
	v61 =	vsel vm6, $0x1, v19  }
0x98: {  	v46 =	vsel vm1, v28, v46;
	v47 =	vsel vm3, v33, v47;
	v15 =	vld [tilespmem:s28+$0x20];
	v48 =	vadd.s32 v61, v48  }
0x99: {  	v49 =	vsel vm4, v29, v49;
	v52 =	vsel vm5, v34, v52;
	v50 =	vsel vm2, v30, v50  }
0x9a: {  	v53 =	vsel vm0, v32, v53;
	vm1 =	vge.f32 v13, v45;
	vm2 =	vge.f32 v62, v46  }
.Ltmp3:
0x9b: {  	vm0 =	vge.f32 v12, v47;
	vm3 =	vge.f32 v63, v49;
	vm4 =	vge.f32 v14, v50;
	(pc) =	sbr.rel @!p0 .LBB2_3-.Ltmp3, $4  }
0x9c: {  	v13 =	vsel vm1, $0x1, v19;
	v14 =	vsel vm2, $0x1, v19;
	vm1 =	vge.f32 v60, v52  }
0x9d: {  	v16 =	vsel vm0, $0x1, v19;
	v61 =	vsel vm3, $0x1, v19;
	vm0 =	vge.f32 v15, v53  }
0x9e: {  	s28 =	sadd.s32 $0x80, s28;
	v63 =	vsel vm4, $0x1, v19;
	v62 =	vsel vm1, $0x1, v19;
	v12 =	vsel vm0, $0x1, v19  }
0x9f: {  	s29 =	sadd.s32 $0x1, s29;
	v54 =	vadd.s32 v13, v54;
	v56 =	vadd.s32 v16, v56;
	v55 =	vadd.s32 v14, v55;
	v60 =	vld [tilespmem:s28+$0x30]  }
0xa0: {  	s29 =	sadd.s32 s5, s30  }
0xa1: {  	v13 =	vld [tilespmem:s28+$0xFFFFFFC0];
	v14 =	vadd.s32 v61, v51;
	v15 =	vadd.s32 v63, v59;
	v16 =	vmov s29  }
0xa2: {  	v58 =	vadd.s32 v62, v58;
	v59 =	vld [tilespmem:s28+$0xFFFFFFD0];
	v12 =	vadd.s32 v12, v57;
	vm0 =	veq.s32 v16, v26  }
0xa3: {  	v57 =	vld [tilespmem:s28+$0xFFFFFFE0];
	vm1 =	veq.s32 v16, v25;
	vm2 =	veq.s32 v16, v27;
	vm3 =	veq.s32 v16, v24  }
0xa4: {  	v62 =	vld [tilespmem:s28+$0x0];
	vm4 =	veq.s32 v16, v21;
	vm15 =	veq.s32 v16, v23;
	vm5 =	veq.s32 v16, v22  }
0xa5: {  	vm8 =	veq.s32 v16, v20;
	v44 =	vsel vm2, v35, v44;
	v46 =	vsel vm1, v28, v46  }
0xa6: {  	v61 =	vld [tilespmem:s28+$0xFFFFFFF0];
	v47 =	vsel vm3, v33, v47;
	v63 =	vsel vm15, v30, v50;
	v52 =	vsel vm5, v34, v52  }
0xa7: {  	v53 =	vsel vm8, v32, v53;
	vm6 =	vge.f32 v60, v44;
	v44 =	vsel vm0, v31, v45;
	v45 =	vld [tilespmem:s28+$0x10]  }
0xa8: {  	v60 =	vld [tilespmem:s28+$0x20];
	v16 =	vsel vm6, $0x1, v19;
	vm9 =	vge.f32 v13, v44;
	vm10 =	vge.f32 v59, v46  }
0xa9: {  	vm11 =	vge.f32 v57, v47;
	vm13 =	vge.f32 v62, v63;
	v51 =	vadd.s32 v16, v48  }
0xaa: {  	v16 =	vsel vm4, v29, v49;
	v44 =	vsel vm10, $0x1, v19;
	v57 =	vsel vm11, $0x1, v19  }
.Ltmp4:
0xab: {  	vm12 =	vge.f32 v61, v16;
	v16 =	vsel vm9, $0x1, v19;
	v61 =	vsel vm13, $0x1, v19;
	(pc) =	sbr.rel .LBB2_8-.Ltmp4, $4  }
0xac: {  	v49 =	vadd.s32 v44, v55;
	v48 =	vadd.s32 v57, v56;
	v59 =	vsel vm12, $0x1, v19  }
0xad: {  	v50 =	vadd.s32 v16, v54;
	vm14 =	vge.f32 v45, v52;
	vm15 =	vge.f32 v60, v53  }
0xae: {  	v46 =	vadd.s32 v61, v15;
	v62 =	vsel vm14, $0x1, v19;
	v63 =	vsel vm15, $0x1, v19  }
0xaf: {  	v47 =	vadd.s32 v59, v14;
	v45 =	vadd.s32 v62, v58;
	v44 =	vadd.s32 v63, v12  }
.LBB2_5:
0xb0: {  	vm0 =	vlt.s32 v26, v2;
	vm1 =	vlt.s32 v25, v2  }
0xb1: {  	s30 =	simm.s32 $0x0;
	v57 =	vimm.s32 $0x0;
	v59 =	vimm.s32 $0x0;
	v58 =	vimm.s32 $0x0  }
0xb2: {  	v55 =	vimm.s32 $0x0;
	v56 =	vimm.s32 $0x0;
	v54 =	vimm.s32 $0x0;
	v12 =	vld [tilespmem:s30+$0x4170]  }
0xb3: {  	v51 =	vimm.s32 $0x0;
	v48 =	vsel vm0, v31, v42;
	vm0 =	vlt.s32 v24, v2;
	v13 =	vld [tilespmem:s30+$0x4100]  }
0xb4: {  	v46 =	vsel vm1, v28, v41;
	v14 =	vld [tilespmem:s30+$0x4110];
	v45 =	vsel vm0, v33, v43;
	vm0 =	vlt.s32 v21, v2  }
0xb5: {  	vm1 =	vlt.s32 v23, v2;
	v63 =	vld [tilespmem:s30+$0x4120];
	v47 =	vsel vm0, v29, v40;
	vm0 =	vlt.s32 v27, v2  }
0xb6: {  	v61 =	vld [tilespmem:s30+$0x4130];
	v44 =	vsel vm1, v30, v39;
	v49 =	vsel vm0, v35, v38;
	vm0 =	vlt.s32 v20, v2  }
0xb7: {  	v60 =	vld [tilespmem:s30+$0x4140];
	vm1 =	vlt.s32 v22, v2;
	v53 =	vsel vm0, v32, v36;
	vm0 =	vge.f32 v12, v49  }
0xb8: {  	v62 =	vld [tilespmem:s30+$0x4150];
	v52 =	vsel vm1, v34, v37;
	vm1 =	vge.f32 v13, v48;
	v12 =	vsel vm0, $0x1, v19  }
0xb9: {  	s28 =	simm.s32 $0x80;
	s29 =	simm.s32 $0x400;
	v13 =	vsel vm1, $0x1, v19;
	vm0 =	vge.f32 v14, v46;
	v50 =	vadd.s32 v12, v57;
	v12 =	vld [tilespmem:s30+$0x4160]  }
.LBB2_6:
0xba: {  	p0 =	sne.s32 s29, $0x25E00;
	v14 =	vld [tilespmem:s28+$0x4170];
	v57 =	vadd.s32 v13, v57;
	v13 =	vsel vm0, $0x1, v19;
	vm0 =	vge.f32 v63, v45  }
0xbb: {  	v15 =	vld [tilespmem:s28+$0x4100];
	v59 =	vadd.s32 v13, v59;
	v13 =	vsel vm0, $0x1, v19;
	vm0 =	vge.f32 v61, v47  }
0xbc: {  	v16 =	vld [tilespmem:s28+$0x4110];
	v58 =	vadd.s32 v13, v58;
	v13 =	vsel vm0, $0x1, v19;
	vm0 =	vge.f32 v60, v44  }
.Ltmp5:
0xbd: {  	v63 =	vld [tilespmem:s28+$0x4120];
	v55 =	vadd.s32 v13, v55;
	v13 =	vsel vm0, $0x1, v19;
	vm0 =	vge.f32 v62, v52;
	(pc) =	sbr.rel @p0 .LBB2_6-.Ltmp5, $4  }
0xbe: {  	v61 =	vld [tilespmem:s28+$0x4130];
	v56 =	vadd.s32 v13, v56;
	v13 =	vsel vm0, $0x1, v19;
	vm0 =	vge.f32 v12, v53  }
0xbf: {  	v60 =	vld [tilespmem:s28+$0x4140];
	vm1 =	vge.f32 v14, v49;
	v54 =	vadd.s32 v13, v54;
	v12 =	vsel vm0, $0x1, v19  }
0xc0: {  	vm0 =	vge.f32 v15, v48;
	v62 =	vld [tilespmem:s28+$0x4150];
	v14 =	vsel vm1, $0x1, v19;
	v51 =	vadd.s32 v12, v51  }
0xc1: {  	v13 =	vsel vm0, $0x1, v19;
	vm0 =	vge.f32 v16, v46;
	v12 =	vld [tilespmem:s28+$0x4160];
	s28 =	sshra.s32 s29, $0x2;
	s29 =	sadd.s32 $0x200, s29;
	v50 =	vadd.s32 v14, v50  }
0xc2: {  	v14 =	vld [tilespmem:s28+$0x4170]  }
0xc3: {  	v13 =	vadd.s32 v13, v57;
	v15 =	vsel vm0, $0x1, v19;
	vm4 =	vge.f32 v63, v45;
	v16 =	vld [tilespmem:s28+$0x4100]  }
0xc4: {  	v15 =	vadd.s32 v15, v59;
	v63 =	vsel vm4, $0x1, v19;
	vm5 =	vge.f32 v61, v47;
	v59 =	vld [tilespmem:s28+$0x4110]  }
0xc5: {  	v61 =	vld [tilespmem:s28+$0x4130];
	v57 =	vadd.s32 v63, v58;
	v58 =	vsel vm5, $0x1, v19;
	vm6 =	vge.f32 v60, v44  }
0xc6: {  	v60 =	vld [tilespmem:s28+$0x4120];
	v55 =	vadd.s32 v58, v55;
	v58 =	vsel vm6, $0x1, v19;
	vm7 =	vge.f32 v62, v52  }
0xc7: {  	v62 =	vld [tilespmem:s28+$0x4160];
	v56 =	vadd.s32 v58, v56;
	v63 =	vsel vm7, $0x1, v19;
	vm8 =	vge.f32 v12, v53  }
0xc8: {  	v12 =	vld [tilespmem:s28+$0x4140];
	vm1 =	vge.f32 v14, v49;
	v14 =	vadd.s32 v63, v54;
	v58 =	vsel vm8, $0x1, v19  }
0xc9: {  	v54 =	vld [tilespmem:s28+$0x4150];
	vm9 =	vge.f32 v16, v48;
	v16 =	vsel vm1, $0x1, v19;
	v58 =	vadd.s32 v58, v51  }
0xca: {  	v48 =	vsel vm9, $0x1, v19;
	vm10 =	vge.f32 v59, v46;
	vm12 =	vge.f32 v61, v47  }
0xcb: {  	v51 =	vadd.s32 v16, v50;
	v50 =	vadd.s32 v48, v13;
	v59 =	vsel vm10, $0x1, v19  }
0xcc: {  	vm11 =	vge.f32 v60, v45;
	v61 =	vsel vm12, $0x1, v19;
	v49 =	vadd.s32 v59, v15  }
0xcd: {  	v60 =	vsel vm11, $0x1, v19;
	vm15 =	vge.f32 v62, v53;
	v47 =	vadd.s32 v61, v55  }
0xce: {  	v48 =	vadd.s32 v60, v57;
	vm13 =	vge.f32 v12, v44;
	vm14 =	vge.f32 v54, v52  }
0xcf: {  	v63 =	vsel vm15, $0x1, v19;
	v12 =	vsel vm13, $0x1, v19;
	v62 =	vsel vm14, $0x1, v19  }
0xd0: {  	v44 =	vadd.s32 v63, v58;
	v46 =	vadd.s32 v12, v56;
	v45 =	vadd.s32 v62, v14  }
.LBB2_8:
0xd1: {  	vm0 =	vge.s32 v26, v2;
	vm1 =	vlt.s32 v26, v3  }
0xd2: {  	vm14 =	vge.s32 v25, v2;
	vm2 =	vlt.s32 v25, v3;
	vm15 =	vge.s32 v24, v2  }
0xd3: {  	vm3 =	vlt.s32 v24, v3;
	vm5 =	vge.s32 v21, v2;
	vm6 =	vlt.s32 v21, v3  }
0xd4: {  	vm7 =	vge.s32 v23, v2;
	vm8 =	vlt.s32 v23, v3;
	vm9 =	vge.s32 v22, v2  }
0xd5: {  	vm10 =	vlt.s32 v22, v3;
	vm12 =	vge.s32 v20, v2;
	vm13 =	vlt.s32 v20, v3  }
0xd6: {  	vm0 =	vmand vm0, vm1;
	vm1 =	vmand vm14, vm2;
	vm4 =	vmand vm15, vm3  }
0xd7: {  	vm11 =	vmand vm9, vm10;
	v12 =	vmpcnt.ones.xlane vm0;
	v13 =	vmpcnt.ones.xlane vm1  }
0xd8: {  	vm14 =	vge.s32 v27, v2;
	v14 =	vmpcnt.ones.xlane vm4;
	vm0 =	vmand vm5, vm6  }
0xd9: {  	v59 =	vmpcnt.ones.xlane vm0;
	vm0 =	vmand vm7, vm8;
	v12 =	vadd.s32 v12, v13  }
0xda: {  	vm15 =	vlt.s32 v27, v3;
	v60 =	vmpcnt.ones.xlane vm0;
	v12 =	vadd.s32 v14, v12  }
0xdb: {  	v61 =	vmpcnt.ones.xlane vm11;
	vm0 =	vmand vm12, vm13;
	v12 =	vadd.s32 v59, v12  }
0xdc: {  	vm1 =	vmand vm14, vm15;
	v62 =	vmpcnt.ones.xlane vm0;
	v12 =	vadd.s32 v60, v12  }
0xdd: {  	v63 =	vmpcnt.ones.xlane vm1;
	v12 =	vadd.s32 v61, v12  }
0xde: {  	v12 =	vadd.s32 v62, v12  }
0xdf: {  	[tilespmem:s17], [sflag:$0x1] =	stream.linear.gather [hbm4b:s12+s4], $0x9800, $0x38;
	v12 =	vadd.s32 v63, v12;
	[tilespmem:$0x17180] =	vst v63  }
0xe0: {  	_ =	swait.ge [sflag:s24], $0x9800;
	v12 =	vxor.u32 $0x80000000, v12  }
0xe1: {  	(xrf0) =	vmax.scan.msk.u32 $0xffff, v12;
	_ =	sdelay $0x5  }
0xe2: {  	v12, _, _ =	vpop (xrf0)  }
0xe3: {  	(v2sf) =	vpush v12, $0xF;
	_ =	sdelay $0xe  }
0xe4: {  	s28 =	spop (v2sf)  }
0xe5: {  	p0 =	slt.u32 s28, $0x80000001  }
.Ltmp6:
0xe6: {  	_ = 	snop;
	(pc) =	sbr.rel @p0 .LBB2_12-.Ltmp6, $3  }
0xe7: {  	_ =	sdelay $0x1  }
0xe8: {  	[sflag:s24] =	ssyncset.done $0x0  }
0xe9: {  	[sflag:s24] =	ssyncadd.s32 $0xFFFF6800  }
0xea: {  	vm0 =	vgt.s32 v26, v2;
	vm1 =	vgt.s32 v25, v2  }
0xeb: {  	vm7 =	vgt.s32 v24, v2;
	vm8 =	vgt.s32 v21, v2;
	vm9 =	vgt.s32 v23, v2  }
0xec: {  	s28 =	simm.s32 $0xD940;
	vm10 =	vgt.s32 v22, v2;
	vm11 =	vgt.s32 v20, v2;
	vm12 =	vgt.s32 v27, v2  }
0xed: {  	v12 =	vsel vm0, v42, v31;
	v13 =	vsel vm1, v41, v28;
	v14 =	vsel vm7, v43, v33;
	v53 =	vld [tilespmem:s28+$0x30]  }
0xee: {  	s29 =	sadd.s32 $0x0, s6;
	v15 =	vsel vm8, v40, v29;
	v16 =	vsel vm9, v39, v30;
	v58 =	vsel vm10, v37, v34;
	v61 =	vld [tilespmem:s28+$0xFFFFFFD0]  }
0xef: {  	v60 =	vsel vm11, v36, v32;
	v52 =	vsel vm12, v38, v35;
	v54 =	vmov s29;
	v62 =	vld [tilespmem:s28+$0xFFFFFFE0]  }
0xf0: {  	v17 =	vld [tilespmem:s28+$0x0];
	vm13 =	veq.s32 v54, v26;
	vm14 =	veq.s32 v54, v25;
	vm2 =	veq.s32 v54, v27  }
0xf1: {  	v59 =	vld [tilespmem:s28+$0xFFFFFFC0];
	vm3 =	veq.s32 v54, v24;
	vm4 =	veq.s32 v54, v21;
	vm15 =	veq.s32 v54, v23  }
0xf2: {  	vm5 =	veq.s32 v54, v22;
	vm8 =	veq.s32 v54, v20;
	v52 =	vsel vm2, v35, v52  }
0xf3: {  	v54 =	vsel vm14, v28, v13;
	v55 =	vsel vm3, v33, v14;
	v13 =	vld [tilespmem:s28+$0x20];
	v57 =	vsel vm15, v30, v16  }
0xf4: {  	v63 =	vld [tilespmem:s28+$0xFFFFFFF0];
	v58 =	vsel vm5, v34, v58;
	vm6 =	vge.f32 v53, v52;
	v53 =	vsel vm13, v31, v12  }
0xf5: {  	v12 =	vld [tilespmem:s28+$0x10];
	vm10 =	vge.f32 v61, v54;
	vm11 =	vge.f32 v62, v55;
	vm13 =	vge.f32 v17, v57  }
0xf6: {  	v56 =	vsel vm6, $0x1, v19;
	vm9 =	vge.f32 v59, v53;
	v59 =	vsel vm8, v32, v60  }
0xf7: {  	v16 =	vsel vm11, $0x1, v19;
	v51 =	vadd.s32 v56, v51;
	v56 =	vsel vm4, v29, v15  }
0xf8: {  	v14 =	vsel vm9, $0x1, v19;
	v15 =	vsel vm10, $0x1, v19;
	vm15 =	vge.f32 v13, v59  }
0xf9: {  	v48 =	vadd.s32 v16, v48;
	vm12 =	vge.f32 v63, v56;
	v63 =	vsel vm13, $0x1, v19  }
0xfa: {  	s28 =	simm.s32 $0xD9C0;
	v50 =	vadd.s32 v14, v50;
	v49 =	vadd.s32 v15, v49;
	vm14 =	vge.f32 v12, v58  }
0xfb: {  	s30 =	simm.s32 $0x1;
	s29 =	simm.s32 $0x2;
	v60 =	vld [tilespmem:s28+$0x30];
	v61 =	vsel vm12, $0x1, v19;
	v12 =	vsel vm15, $0x1, v19;
	v62 =	vsel vm14, $0x1, v19  }
.LBB2_10:
0xfc: {  	p0 =	seq.s32 s29, $0x12F;
	s31 =	sadd.s32 s6, s30;
	v13 =	vld [tilespmem:s28+$0xFFFFFFC0];
	v47 =	vadd.s32 v61, v47;
	v46 =	vadd.s32 v63, v46;
	v45 =	vadd.s32 v62, v45;
	s30 =	smov.u32 s29  }
0xfd: {  	v44 =	vadd.s32 v12, v44;
	v14 =	vmov s31;
	v15 =	vld [tilespmem:s28+$0xFFFFFFD0]  }
0xfe: {  	vm0 =	veq.s32 v14, v26;
	vm1 =	veq.s32 v14, v25;
	v12 =	vld [tilespmem:s28+$0xFFFFFFE0];
	vm2 =	veq.s32 v14, v27  }
0xff: {  	vm3 =	veq.s32 v14, v24;
	vm4 =	veq.s32 v14, v21;
	v16 =	vld [tilespmem:s28+$0xFFFFFFF0];
	v52 =	vsel vm2, v35, v52  }
0x100: {  	vm5 =	veq.s32 v14, v22;
	vm2 =	veq.s32 v14, v23;
	v17 =	vld [tilespmem:s28+$0x0];
	vm6 =	vge.f32 v60, v52  }
0x101: {  	v53 =	vsel vm0, v31, v53;
	vm0 =	veq.s32 v14, v20;
	v60 =	vld [tilespmem:s28+$0x10];
	v14 =	vsel vm6, $0x1, v19  }
0x102: {  	v54 =	vsel vm1, v28, v54;
	v55 =	vsel vm3, v33, v55;
	v62 =	vld [tilespmem:s28+$0x20];
	v51 =	vadd.s32 v14, v51  }
0x103: {  	v56 =	vsel vm4, v29, v56;
	v58 =	vsel vm5, v34, v58;
	v57 =	vsel vm2, v30, v57  }
0x104: {  	v59 =	vsel vm0, v32, v59;
	vm1 =	vge.f32 v13, v53;
	vm2 =	vge.f32 v15, v54  }
.Ltmp7:
0x105: {  	vm0 =	vge.f32 v12, v55;
	vm3 =	vge.f32 v16, v56;
	vm4 =	vge.f32 v17, v57;
	(pc) =	sbr.rel @!p0 .LBB2_10-.Ltmp7, $4  }
0x106: {  	v13 =	vsel vm1, $0x1, v19;
	v14 =	vsel vm2, $0x1, v19;
	vm1 =	vge.f32 v60, v58  }
0x107: {  	v15 =	vsel vm0, $0x1, v19;
	v61 =	vsel vm3, $0x1, v19;
	vm0 =	vge.f32 v62, v59  }
0x108: {  	s28 =	sadd.s32 $0x80, s28;
	v63 =	vsel vm4, $0x1, v19;
	v62 =	vsel vm1, $0x1, v19;
	v12 =	vsel vm0, $0x1, v19  }
0x109: {  	s29 =	sadd.s32 $0x1, s29;
	v50 =	vadd.s32 v13, v50;
	v49 =	vadd.s32 v14, v49;
	v48 =	vadd.s32 v15, v48;
	v60 =	vld [tilespmem:s28+$0x30]  }
0x10a: {  	s29 =	sadd.s32 s6, s30  }
0x10b: {  	v14 =	vadd.s32 v61, v47;
	v15 =	vadd.s32 v63, v46;
	v16 =	vmov s29  }
0x10c: {  	v13 =	vld [tilespmem:s28+$0xFFFFFFC0];
	v17 =	vadd.s32 v62, v45;
	v12 =	vadd.s32 v12, v44;
	vm0 =	veq.s32 v16, v26  }
0x10d: {  	v45 =	vld [tilespmem:s28+$0xFFFFFFD0];
	vm1 =	veq.s32 v16, v25;
	vm2 =	veq.s32 v16, v27;
	vm3 =	veq.s32 v16, v24  }
0x10e: {  	v44 =	vld [tilespmem:s28+$0xFFFFFFE0];
	vm4 =	veq.s32 v16, v21;
	vm15 =	veq.s32 v16, v23;
	vm5 =	veq.s32 v16, v22  }
0x10f: {  	v46 =	vld [tilespmem:s28+$0xFFFFFFF0];
	vm8 =	veq.s32 v16, v20;
	v61 =	vsel vm2, v35, v52;
	v47 =	vsel vm0, v31, v53  }
0x110: {  	v52 =	vld [tilespmem:s28+$0x0];
	v54 =	vsel vm1, v28, v54;
	v55 =	vsel vm3, v33, v55;
	vm6 =	vge.f32 v60, v61  }
0x111: {  	v53 =	vld [tilespmem:s28+$0x10];
	v62 =	vsel vm15, v30, v57;
	v63 =	vsel vm5, v34, v58;
	v16 =	vsel vm6, $0x1, v19  }
0x112: {  	v60 =	vld [tilespmem:s28+$0x20];
	vm9 =	vge.f32 v13, v47;
	vm10 =	vge.f32 v45, v54;
	v54 =	vsel vm8, v32, v59  }
0x113: {  	vm11 =	vge.f32 v44, v55;
	v51 =	vadd.s32 v16, v51;
	v16 =	vsel vm4, v29, v56  }
0x114: {  	v58 =	vsel vm10, $0x1, v19;
	v59 =	vsel vm11, $0x1, v19;
	vm12 =	vge.f32 v46, v16  }
.Ltmp8:
0x115: {  	v16 =	vsel vm9, $0x1, v19;
	v49 =	vadd.s32 v58, v49;
	v48 =	vadd.s32 v59, v48;
	(pc) =	sbr.rel .LBB2_15-.Ltmp8, $4  }
0x116: {  	vm13 =	vge.f32 v52, v62;
	vm14 =	vge.f32 v53, v63;
	v46 =	vsel vm12, $0x1, v19  }
0x117: {  	v50 =	vadd.s32 v16, v50;
	vm15 =	vge.f32 v60, v54;
	v61 =	vsel vm13, $0x1, v19  }
0x118: {  	v62 =	vsel vm14, $0x1, v19;
	v47 =	vadd.s32 v46, v14;
	v63 =	vsel vm15, $0x1, v19  }
0x119: {  	v46 =	vadd.s32 v61, v15;
	v45 =	vadd.s32 v62, v17;
	v44 =	vadd.s32 v63, v12  }
.LBB2_12:
0x11a: {  	s30 =	simm.s32 $0x0  }
0x11b: {  	vm0 =	vlt.s32 v26, v4;
	v12 =	vld [tilespmem:s30+$0xD970]  }
0x11c: {  	vm1 =	vlt.s32 v24, v4;
	v57 =	vsel vm0, v31, v42;
	vm0 =	vlt.s32 v25, v4;
	v13 =	vld [tilespmem:s30+$0xD900]  }
0x11d: {  	v52 =	vsel vm1, v33, v43;
	v14 =	vld [tilespmem:s30+$0xD910];
	v55 =	vsel vm0, v28, v41;
	vm0 =	vlt.s32 v21, v4  }
0x11e: {  	vm1 =	vlt.s32 v27, v4;
	v61 =	vld [tilespmem:s30+$0xD920];
	v53 =	vsel vm0, v29, v40;
	vm0 =	vlt.s32 v23, v4  }
0x11f: {  	v62 =	vld [tilespmem:s30+$0xD930];
	v59 =	vsel vm1, v35, v38;
	v54 =	vsel vm0, v30, v39;
	vm0 =	vlt.s32 v22, v4  }
0x120: {  	v60 =	vld [tilespmem:s30+$0xD940];
	v56 =	vsel vm0, v34, v37;
	vm0 =	vlt.s32 v20, v4;
	vm1 =	vge.f32 v12, v59  }
0x121: {  	v63 =	vld [tilespmem:s30+$0xD950];
	v58 =	vsel vm0, v32, v36;
	vm0 =	vge.f32 v13, v57;
	v15 =	vsel vm1, $0x1, v19  }
0x122: {  	s28 =	simm.s32 $0x80;
	s29 =	simm.s32 $0x400;
	v12 =	vld [tilespmem:s30+$0xD960];
	v13 =	vsel vm0, $0x1, v19;
	vm0 =	vge.f32 v14, v55;
	v51 =	vadd.s32 v15, v51  }
.LBB2_13:
0x123: {  	p0 =	sne.s32 s29, $0x25E00;
	v14 =	vld [tilespmem:s28+$0xD970];
	v50 =	vadd.s32 v13, v50;
	v13 =	vsel vm0, $0x1, v19;
	vm0 =	vge.f32 v61, v52  }
0x124: {  	v15 =	vld [tilespmem:s28+$0xD900];
	v49 =	vadd.s32 v13, v49;
	v13 =	vsel vm0, $0x1, v19;
	vm0 =	vge.f32 v62, v53  }
0x125: {  	v16 =	vld [tilespmem:s28+$0xD910];
	v48 =	vadd.s32 v13, v48;
	v13 =	vsel vm0, $0x1, v19;
	vm0 =	vge.f32 v60, v54  }
.Ltmp9:
0x126: {  	v61 =	vld [tilespmem:s28+$0xD920];
	v47 =	vadd.s32 v13, v47;
	v13 =	vsel vm0, $0x1, v19;
	vm0 =	vge.f32 v63, v56;
	(pc) =	sbr.rel @p0 .LBB2_13-.Ltmp9, $4  }
0x127: {  	v62 =	vld [tilespmem:s28+$0xD930];
	v46 =	vadd.s32 v13, v46;
	v13 =	vsel vm0, $0x1, v19;
	vm0 =	vge.f32 v12, v58  }
0x128: {  	v60 =	vld [tilespmem:s28+$0xD940];
	vm1 =	vge.f32 v14, v59;
	v45 =	vadd.s32 v13, v45;
	v12 =	vsel vm0, $0x1, v19  }
0x129: {  	vm0 =	vge.f32 v15, v57;
	v63 =	vld [tilespmem:s28+$0xD950];
	v14 =	vsel vm1, $0x1, v19;
	v44 =	vadd.s32 v12, v44  }
0x12a: {  	v13 =	vsel vm0, $0x1, v19;
	vm0 =	vge.f32 v16, v55;
	v12 =	vld [tilespmem:s28+$0xD960];
	s28 =	sshra.s32 s29, $0x2;
	s29 =	sadd.s32 $0x200, s29;
	v51 =	vadd.s32 v14, v51  }
0x12b: {  	v14 =	vld [tilespmem:s28+$0xD970]  }
0x12c: {  	v13 =	vadd.s32 v13, v50;
	v15 =	vsel vm0, $0x1, v19;
	vm4 =	vge.f32 v61, v52;
	v16 =	vld [tilespmem:s28+$0xD900]  }
0x12d: {  	v61 =	vld [tilespmem:s28+$0xD930];
	v15 =	vadd.s32 v15, v49;
	v17 =	vsel vm4, $0x1, v19;
	vm5 =	vge.f32 v62, v53  }
0x12e: {  	v49 =	vld [tilespmem:s28+$0xD910];
	v17 =	vadd.s32 v17, v48;
	v48 =	vsel vm5, $0x1, v19;
	vm6 =	vge.f32 v60, v54  }
0x12f: {  	v62 =	vld [tilespmem:s28+$0xD960];
	v47 =	vadd.s32 v48, v47;
	v48 =	vsel vm6, $0x1, v19;
	vm7 =	vge.f32 v63, v56  }
0x130: {  	v60 =	vld [tilespmem:s28+$0xD920];
	v46 =	vadd.s32 v48, v46;
	v63 =	vsel vm7, $0x1, v19;
	vm8 =	vge.f32 v12, v58  }
0x131: {  	v12 =	vld [tilespmem:s28+$0xD940];
	vm1 =	vge.f32 v14, v59;
	v14 =	vadd.s32 v63, v45;
	v50 =	vsel vm8, $0x1, v19  }
0x132: {  	v59 =	vld [tilespmem:s28+$0xD950];
	vm9 =	vge.f32 v16, v57;
	vm12 =	vge.f32 v61, v53;
	v16 =	vsel vm1, $0x1, v19  }
0x133: {  	v44 =	vadd.s32 v50, v44;
	v63 =	vsel vm9, $0x1, v19;
	vm10 =	vge.f32 v49, v55  }
0x134: {  	v61 =	vsel vm12, $0x1, v19;
	vm15 =	vge.f32 v62, v58;
	v51 =	vadd.s32 v16, v51  }
0x135: {  	v50 =	vadd.s32 v63, v13;
	v57 =	vsel vm10, $0x1, v19;
	vm11 =	vge.f32 v60, v52  }
0x136: {  	v47 =	vadd.s32 v61, v47;
	v63 =	vsel vm15, $0x1, v19;
	v49 =	vadd.s32 v57, v15  }
0x137: {  	v60 =	vsel vm11, $0x1, v19;
	vm13 =	vge.f32 v12, v54;
	vm14 =	vge.f32 v59, v56  }
0x138: {  	v44 =	vadd.s32 v63, v44;
	v12 =	vsel vm13, $0x1, v19;
	v62 =	vsel vm14, $0x1, v19  }
0x139: {  	v48 =	vadd.s32 v60, v17;
	v46 =	vadd.s32 v12, v46;
	v45 =	vadd.s32 v62, v14  }
.LBB2_15:
0x13a: {  	vm0 =	vge.s32 v26, v4;
	vm1 =	vlt.s32 v26, v8  }
0x13b: {  	vm14 =	vge.s32 v25, v4;
	vm2 =	vlt.s32 v25, v8;
	vm15 =	vge.s32 v24, v4  }
0x13c: {  	vm3 =	vlt.s32 v24, v8;
	vm5 =	vge.s32 v21, v4;
	vm6 =	vlt.s32 v21, v8  }
0x13d: {  	vm7 =	vge.s32 v23, v4;
	vm8 =	vlt.s32 v23, v8;
	vm9 =	vge.s32 v22, v4  }
0x13e: {  	vm10 =	vlt.s32 v22, v8;
	vm12 =	vge.s32 v20, v4;
	vm13 =	vlt.s32 v20, v8  }
0x13f: {  	vm0 =	vmand vm0, vm1;
	vm1 =	vmand vm14, vm2;
	vm4 =	vmand vm15, vm3  }
0x140: {  	vm11 =	vmand vm9, vm10;
	v12 =	vmpcnt.ones.xlane vm0;
	v13 =	vmpcnt.ones.xlane vm1  }
0x141: {  	vm14 =	vge.s32 v27, v4;
	v14 =	vmpcnt.ones.xlane vm4;
	vm0 =	vmand vm5, vm6  }
0x142: {  	v59 =	vmpcnt.ones.xlane vm0;
	vm0 =	vmand vm7, vm8;
	v12 =	vadd.s32 v12, v13  }
0x143: {  	vm15 =	vlt.s32 v27, v8;
	v60 =	vmpcnt.ones.xlane vm0;
	v12 =	vadd.s32 v14, v12  }
0x144: {  	v61 =	vmpcnt.ones.xlane vm11;
	vm0 =	vmand vm12, vm13;
	v12 =	vadd.s32 v59, v12  }
0x145: {  	vm1 =	vmand vm14, vm15;
	v62 =	vmpcnt.ones.xlane vm0;
	v12 =	vadd.s32 v60, v12  }
0x146: {  	v63 =	vmpcnt.ones.xlane vm1;
	v12 =	vadd.s32 v61, v12  }
0x147: {  	v12 =	vadd.s32 v62, v12  }
0x148: {  	[tilespmem:s18], [sflag:$0x2] =	stream.linear.gather [hbm4b:s13+s4], $0x9800, $0x38;
	v12 =	vadd.s32 v63, v12;
	[tilespmem:$0x17180] =	vst v63  }
0x149: {  	_ =	swait.ge [sflag:s23], $0x9800;
	v12 =	vxor.u32 $0x80000000, v12  }
0x14a: {  	(xrf0) =	vmax.scan.msk.u32 $0xffff, v12;
	_ =	sdelay $0x5  }
0x14b: {  	v12, _, _ =	vpop (xrf0)  }
0x14c: {  	(v2sf) =	vpush v12, $0xF;
	_ =	sdelay $0xe  }
0x14d: {  	s28 =	spop (v2sf)  }
0x14e: {  	p0 =	slt.u32 s28, $0x80000001  }
.Ltmp10:
0x14f: {  	_ = 	snop;
	(pc) =	sbr.rel @p0 .LBB2_19-.Ltmp10, $3  }
0x150: {  	_ =	sdelay $0x1  }
0x151: {  	[sflag:s23] =	ssyncset.done $0x0  }
0x152: {  	[sflag:s23] =	ssyncadd.s32 $0xFFFF6800  }
0x153: {  	vm0 =	vgt.s32 v26, v4;
	vm1 =	vgt.s32 v25, v4  }
0x154: {  	vm7 =	vgt.s32 v24, v4;
	vm8 =	vgt.s32 v21, v4;
	vm9 =	vgt.s32 v23, v4  }
0x155: {  	s28 =	simm.s32 $0x4140;
	vm10 =	vgt.s32 v22, v4;
	vm11 =	vgt.s32 v20, v4;
	vm12 =	vgt.s32 v27, v4  }
0x156: {  	v12 =	vsel vm0, v42, v31;
	v13 =	vsel vm1, v41, v28;
	v14 =	vsel vm7, v43, v33;
	v17 =	vld [tilespmem:s28+$0x30]  }
0x157: {  	s29 =	sadd.s32 $0x0, s9;
	v15 =	vsel vm8, v40, v29;
	v16 =	vsel vm9, v39, v30;
	v58 =	vsel vm10, v37, v34;
	v59 =	vld [tilespmem:s28+$0xFFFFFFC0]  }
0x158: {  	v60 =	vsel vm11, v36, v32;
	v52 =	vsel vm12, v38, v35;
	v54 =	vmov s29;
	v61 =	vld [tilespmem:s28+$0xFFFFFFD0]  }
0x159: {  	v62 =	vld [tilespmem:s28+$0xFFFFFFE0];
	vm13 =	veq.s32 v54, v26;
	vm14 =	veq.s32 v54, v25;
	vm2 =	veq.s32 v54, v27  }
0x15a: {  	v63 =	vld [tilespmem:s28+$0xFFFFFFF0];
	vm3 =	veq.s32 v54, v24;
	vm4 =	veq.s32 v54, v21;
	vm15 =	veq.s32 v54, v23  }
0x15b: {  	v18 =	vld [tilespmem:s28+$0x0];
	vm5 =	veq.s32 v54, v22;
	vm8 =	veq.s32 v54, v20;
	v52 =	vsel vm2, v35, v52  }
0x15c: {  	v53 =	vsel vm13, v31, v12;
	v54 =	vsel vm14, v28, v13;
	v55 =	vsel vm3, v33, v14  }
0x15d: {  	v12 =	vld [tilespmem:s28+$0x10];
	v56 =	vsel vm4, v29, v15;
	v57 =	vsel vm15, v30, v16;
	v58 =	vsel vm5, v34, v58  }
0x15e: {  	v13 =	vld [tilespmem:s28+$0x20];
	vm6 =	vge.f32 v17, v52;
	vm9 =	vge.f32 v59, v53;
	vm10 =	vge.f32 v61, v54  }
0x15f: {  	v59 =	vsel vm8, v32, v60;
	vm11 =	vge.f32 v62, v55;
	vm12 =	vge.f32 v63, v56  }
0x160: {  	vm13 =	vge.f32 v18, v57;
	v17 =	vsel vm6, $0x1, v19;
	v14 =	vsel vm9, $0x1, v19  }
0x161: {  	v15 =	vsel vm10, $0x1, v19;
	v16 =	vsel vm11, $0x1, v19;
	v61 =	vsel vm12, $0x1, v19  }
0x162: {  	v63 =	vsel vm13, $0x1, v19;
	v51 =	vadd.s32 v17, v51;
	vm14 =	vge.f32 v12, v58  }
0x163: {  	s28 =	simm.s32 $0x41C0;
	vm15 =	vge.f32 v13, v59;
	v50 =	vadd.s32 v14, v50;
	v49 =	vadd.s32 v15, v49  }
0x164: {  	s30 =	simm.s32 $0x1;
	s29 =	simm.s32 $0x2;
	v60 =	vld [tilespmem:s28+$0x30];
	v48 =	vadd.s32 v16, v48;
	v62 =	vsel vm14, $0x1, v19;
	v12 =	vsel vm15, $0x1, v19  }
.LBB2_17:
0x165: {  	p0 =	seq.s32 s29, $0x12F;
	s31 =	sadd.s32 s9, s30;
	v13 =	vld [tilespmem:s28+$0xFFFFFFC0];
	v47 =	vadd.s32 v61, v47;
	v46 =	vadd.s32 v63, v46;
	v45 =	vadd.s32 v62, v45;
	s30 =	smov.u32 s29  }
0x166: {  	v44 =	vadd.s32 v12, v44;
	v14 =	vmov s31;
	v15 =	vld [tilespmem:s28+$0xFFFFFFD0]  }
0x167: {  	vm0 =	veq.s32 v14, v26;
	vm1 =	veq.s32 v14, v25;
	v12 =	vld [tilespmem:s28+$0xFFFFFFE0];
	vm2 =	veq.s32 v14, v27  }
0x168: {  	vm3 =	veq.s32 v14, v24;
	vm4 =	veq.s32 v14, v21;
	v16 =	vld [tilespmem:s28+$0xFFFFFFF0];
	v52 =	vsel vm2, v35, v52  }
0x169: {  	vm5 =	veq.s32 v14, v22;
	vm2 =	veq.s32 v14, v23;
	v17 =	vld [tilespmem:s28+$0x0];
	vm6 =	vge.f32 v60, v52  }
0x16a: {  	v53 =	vsel vm0, v31, v53;
	vm0 =	veq.s32 v14, v20;
	v18 =	vld [tilespmem:s28+$0x10];
	v14 =	vsel vm6, $0x1, v19  }
0x16b: {  	v54 =	vsel vm1, v28, v54;
	v55 =	vsel vm3, v33, v55;
	v60 =	vld [tilespmem:s28+$0x20];
	v51 =	vadd.s32 v14, v51  }
0x16c: {  	v56 =	vsel vm4, v29, v56;
	v58 =	vsel vm5, v34, v58;
	v57 =	vsel vm2, v30, v57  }
0x16d: {  	v59 =	vsel vm0, v32, v59;
	vm1 =	vge.f32 v13, v53;
	vm2 =	vge.f32 v15, v54  }
.Ltmp11:
0x16e: {  	vm0 =	vge.f32 v12, v55;
	vm3 =	vge.f32 v16, v56;
	vm4 =	vge.f32 v17, v57;
	(pc) =	sbr.rel @!p0 .LBB2_17-.Ltmp11, $4  }
0x16f: {  	v13 =	vsel vm1, $0x1, v19;
	v14 =	vsel vm2, $0x1, v19;
	vm1 =	vge.f32 v18, v58  }
0x170: {  	v15 =	vsel vm0, $0x1, v19;
	v61 =	vsel vm3, $0x1, v19;
	vm0 =	vge.f32 v60, v59  }
0x171: {  	s28 =	sadd.s32 $0x80, s28;
	v63 =	vsel vm4, $0x1, v19;
	v62 =	vsel vm1, $0x1, v19;
	v12 =	vsel vm0, $0x1, v19  }
0x172: {  	s29 =	sadd.s32 $0x1, s29;
	v50 =	vadd.s32 v13, v50;
	v49 =	vadd.s32 v14, v49;
	v48 =	vadd.s32 v15, v48;
	v60 =	vld [tilespmem:s28+$0x30]  }
0x173: {  	s29 =	sadd.s32 s9, s30  }
0x174: {  	v13 =	vld [tilespmem:s28+$0xFFFFFFC0];
	v14 =	vadd.s32 v61, v47;
	v15 =	vadd.s32 v63, v46;
	v16 =	vmov s29  }
0x175: {  	v17 =	vadd.s32 v62, v45;
	v18 =	vld [tilespmem:s28+$0xFFFFFFD0];
	v12 =	vadd.s32 v12, v44;
	vm0 =	veq.s32 v16, v26  }
0x176: {  	v44 =	vld [tilespmem:s28+$0xFFFFFFE0];
	vm1 =	veq.s32 v16, v25;
	vm2 =	veq.s32 v16, v27;
	vm3 =	veq.s32 v16, v24  }
0x177: {  	v47 =	vld [tilespmem:s28+$0x0];
	vm4 =	veq.s32 v16, v21;
	vm15 =	veq.s32 v16, v23;
	vm5 =	veq.s32 v16, v22  }
0x178: {  	v45 =	vld [tilespmem:s28+$0xFFFFFFF0];
	vm8 =	veq.s32 v16, v20;
	v52 =	vsel vm2, v35, v52;
	v46 =	vsel vm0, v31, v53  }
0x179: {  	v62 =	vld [tilespmem:s28+$0x20];
	v61 =	vsel vm1, v28, v54;
	v54 =	vsel vm3, v33, v55;
	vm6 =	vge.f32 v60, v52  }
0x17a: {  	v63 =	vsel vm15, v30, v57;
	v60 =	vsel vm5, v34, v58;
	v16 =	vsel vm6, $0x1, v19  }
0x17b: {  	v52 =	vld [tilespmem:s28+$0x10];
	vm9 =	vge.f32 v13, v46;
	vm10 =	vge.f32 v18, v61;
	v61 =	vsel vm8, v32, v59  }
0x17c: {  	vm11 =	vge.f32 v44, v54;
	vm13 =	vge.f32 v47, v63;
	v51 =	vadd.s32 v16, v51  }
0x17d: {  	v16 =	vsel vm4, v29, v56;
	v18 =	vsel vm10, $0x1, v19;
	v44 =	vsel vm11, $0x1, v19  }
.Ltmp12:
0x17e: {  	vm15 =	vge.f32 v62, v61;
	v62 =	vsel vm13, $0x1, v19;
	vm12 =	vge.f32 v45, v16;
	(pc) =	sbr.rel .LBB2_22-.Ltmp12, $4  }
0x17f: {  	v16 =	vsel vm9, $0x1, v19;
	v63 =	vsel vm15, $0x1, v19;
	v49 =	vadd.s32 v18, v49  }
0x180: {  	v48 =	vadd.s32 v44, v48;
	v46 =	vadd.s32 v62, v15;
	vm14 =	vge.f32 v52, v60  }
0x181: {  	v45 =	vsel vm12, $0x1, v19;
	v50 =	vadd.s32 v16, v50;
	v52 =	vsel vm14, $0x1, v19  }
0x182: {  	v44 =	vadd.s32 v63, v12;
	v47 =	vadd.s32 v45, v14;
	v45 =	vadd.s32 v52, v17  }
.LBB2_19:
0x183: {  	s30 =	simm.s32 $0x0  }
0x184: {  	vm0 =	vlt.s32 v26, v5;
	v12 =	vld [tilespmem:s30+$0x4170]  }
0x185: {  	vm1 =	vlt.s32 v24, v5;
	v57 =	vsel vm0, v31, v42;
	vm0 =	vlt.s32 v25, v5;
	v13 =	vld [tilespmem:s30+$0x4100]  }
0x186: {  	v52 =	vsel vm1, v33, v43;
	v14 =	vld [tilespmem:s30+$0x4110];
	v55 =	vsel vm0, v28, v41;
	vm0 =	vlt.s32 v21, v5  }
0x187: {  	vm1 =	vlt.s32 v27, v5;
	v61 =	vld [tilespmem:s30+$0x4120];
	v53 =	vsel vm0, v29, v40;
	vm0 =	vlt.s32 v23, v5  }
0x188: {  	v62 =	vld [tilespmem:s30+$0x4130];
	v59 =	vsel vm1, v35, v38;
	v54 =	vsel vm0, v30, v39;
	vm0 =	vlt.s32 v22, v5  }
0x189: {  	v60 =	vld [tilespmem:s30+$0x4140];
	v56 =	vsel vm0, v34, v37;
	vm0 =	vlt.s32 v20, v5;
	vm1 =	vge.f32 v12, v59  }
0x18a: {  	v63 =	vld [tilespmem:s30+$0x4150];
	v58 =	vsel vm0, v32, v36;
	vm0 =	vge.f32 v13, v57;
	v15 =	vsel vm1, $0x1, v19  }
0x18b: {  	s28 =	simm.s32 $0x80;
	s29 =	simm.s32 $0x400;
	v12 =	vld [tilespmem:s30+$0x4160];
	v13 =	vsel vm0, $0x1, v19;
	vm0 =	vge.f32 v14, v55;
	v51 =	vadd.s32 v15, v51  }
.LBB2_20:
0x18c: {  	p0 =	sne.s32 s29, $0x25E00;
	v14 =	vld [tilespmem:s28+$0x4170];
	v50 =	vadd.s32 v13, v50;
	v13 =	vsel vm0, $0x1, v19;
	vm0 =	vge.f32 v61, v52  }
0x18d: {  	v15 =	vld [tilespmem:s28+$0x4100];
	v49 =	vadd.s32 v13, v49;
	v13 =	vsel vm0, $0x1, v19;
	vm0 =	vge.f32 v62, v53  }
0x18e: {  	v16 =	vld [tilespmem:s28+$0x4110];
	v48 =	vadd.s32 v13, v48;
	v13 =	vsel vm0, $0x1, v19;
	vm0 =	vge.f32 v60, v54  }
.Ltmp13:
0x18f: {  	v61 =	vld [tilespmem:s28+$0x4120];
	v47 =	vadd.s32 v13, v47;
	v13 =	vsel vm0, $0x1, v19;
	vm0 =	vge.f32 v63, v56;
	(pc) =	sbr.rel @p0 .LBB2_20-.Ltmp13, $4  }
0x190: {  	v62 =	vld [tilespmem:s28+$0x4130];
	v46 =	vadd.s32 v13, v46;
	v13 =	vsel vm0, $0x1, v19;
	vm0 =	vge.f32 v12, v58  }
0x191: {  	v60 =	vld [tilespmem:s28+$0x4140];
	vm1 =	vge.f32 v14, v59;
	v45 =	vadd.s32 v13, v45;
	v12 =	vsel vm0, $0x1, v19  }
0x192: {  	vm0 =	vge.f32 v15, v57;
	v63 =	vld [tilespmem:s28+$0x4150];
	v14 =	vsel vm1, $0x1, v19;
	v44 =	vadd.s32 v12, v44  }
0x193: {  	v13 =	vsel vm0, $0x1, v19;
	vm0 =	vge.f32 v16, v55;
	v12 =	vld [tilespmem:s28+$0x4160];
	s28 =	sshra.s32 s29, $0x2;
	s29 =	sadd.s32 $0x200, s29;
	v51 =	vadd.s32 v14, v51  }
0x194: {  	v14 =	vld [tilespmem:s28+$0x4170]  }
0x195: {  	v13 =	vadd.s32 v13, v50;
	v15 =	vsel vm0, $0x1, v19;
	vm4 =	vge.f32 v61, v52;
	v16 =	vld [tilespmem:s28+$0x4100]  }
0x196: {  	v18 =	vld [tilespmem:s28+$0x4110];
	v15 =	vadd.s32 v15, v49;
	v17 =	vsel vm4, $0x1, v19;
	vm5 =	vge.f32 v62, v53  }
0x197: {  	v49 =	vld [tilespmem:s28+$0x4120];
	v17 =	vadd.s32 v17, v48;
	v62 =	vsel vm5, $0x1, v19;
	vm6 =	vge.f32 v60, v54  }
0x198: {  	v60 =	vld [tilespmem:s28+$0x4130];
	v47 =	vadd.s32 v62, v47;
	v48 =	vsel vm6, $0x1, v19;
	vm7 =	vge.f32 v63, v56  }
0x199: {  	v62 =	vld [tilespmem:s28+$0x4160];
	v46 =	vadd.s32 v48, v46;
	v63 =	vsel vm7, $0x1, v19;
	vm8 =	vge.f32 v12, v58  }
0x19a: {  	v12 =	vld [tilespmem:s28+$0x4140];
	vm1 =	vge.f32 v14, v59;
	v14 =	vadd.s32 v63, v45;
	v61 =	vsel vm8, $0x1, v19  }
0x19b: {  	v59 =	vld [tilespmem:s28+$0x4150];
	vm9 =	vge.f32 v16, v57;
	vm10 =	vge.f32 v18, v55;
	v16 =	vsel vm1, $0x1, v19  }
0x19c: {  	v44 =	vadd.s32 v61, v44;
	v63 =	vsel vm9, $0x1, v19;
	v55 =	vsel vm10, $0x1, v19  }
0x19d: {  	vm11 =	vge.f32 v49, v52;
	v51 =	vadd.s32 v16, v51;
	v50 =	vadd.s32 v63, v13  }
0x19e: {  	v49 =	vadd.s32 v55, v15;
	v57 =	vsel vm11, $0x1, v19;
	vm12 =	vge.f32 v60, v53  }
0x19f: {  	v48 =	vadd.s32 v57, v17;
	v61 =	vsel vm12, $0x1, v19;
	vm15 =	vge.f32 v62, v58  }
0x1a0: {  	vm13 =	vge.f32 v12, v54;
	v47 =	vadd.s32 v61, v47;
	vm14 =	vge.f32 v59, v56  }
0x1a1: {  	v63 =	vsel vm15, $0x1, v19;
	v12 =	vsel vm13, $0x1, v19;
	v62 =	vsel vm14, $0x1, v19  }
0x1a2: {  	v44 =	vadd.s32 v63, v44;
	v46 =	vadd.s32 v12, v46;
	v45 =	vadd.s32 v62, v14  }
.LBB2_22:
0x1a3: {  	vm0 =	vge.s32 v26, v5;
	vm1 =	vlt.s32 v26, v9  }
0x1a4: {  	vm14 =	vge.s32 v25, v5;
	vm2 =	vlt.s32 v25, v9;
	vm15 =	vge.s32 v24, v5  }
0x1a5: {  	vm3 =	vlt.s32 v24, v9;
	vm5 =	vge.s32 v21, v5;
	vm6 =	vlt.s32 v21, v9  }
0x1a6: {  	vm7 =	vge.s32 v23, v5;
	vm8 =	vlt.s32 v23, v9;
	vm9 =	vge.s32 v22, v5  }
0x1a7: {  	vm10 =	vlt.s32 v22, v9;
	vm12 =	vge.s32 v20, v5;
	vm13 =	vlt.s32 v20, v9  }
0x1a8: {  	vm0 =	vmand vm0, vm1;
	vm1 =	vmand vm14, vm2;
	vm4 =	vmand vm15, vm3  }
0x1a9: {  	vm11 =	vmand vm9, vm10;
	v12 =	vmpcnt.ones.xlane vm0;
	v13 =	vmpcnt.ones.xlane vm1  }
0x1aa: {  	vm14 =	vge.s32 v27, v5;
	v14 =	vmpcnt.ones.xlane vm4;
	vm0 =	vmand vm5, vm6  }
0x1ab: {  	v59 =	vmpcnt.ones.xlane vm0;
	vm0 =	vmand vm7, vm8;
	v12 =	vadd.s32 v12, v13  }
0x1ac: {  	vm15 =	vlt.s32 v27, v9;
	v60 =	vmpcnt.ones.xlane vm0;
	v12 =	vadd.s32 v14, v12  }
0x1ad: {  	v61 =	vmpcnt.ones.xlane vm11;
	vm0 =	vmand vm12, vm13;
	v12 =	vadd.s32 v59, v12  }
0x1ae: {  	vm1 =	vmand vm14, vm15;
	v62 =	vmpcnt.ones.xlane vm0;
	v12 =	vadd.s32 v60, v12  }
0x1af: {  	v63 =	vmpcnt.ones.xlane vm1;
	v12 =	vadd.s32 v61, v12  }
0x1b0: {  	v12 =	vadd.s32 v62, v12  }
0x1b1: {  	[tilespmem:s17], [sflag:$0x1] =	stream.linear.gather [hbm4b:s14+s4], $0x9800, $0x38;
	v12 =	vadd.s32 v63, v12;
	[tilespmem:$0x17180] =	vst v63  }
0x1b2: {  	_ =	swait.ge [sflag:s24], $0x9800;
	v12 =	vxor.u32 $0x80000000, v12  }
0x1b3: {  	(xrf0) =	vmax.scan.msk.u32 $0xffff, v12;
	_ =	sdelay $0x5  }
0x1b4: {  	v12, _, _ =	vpop (xrf0)  }
0x1b5: {  	(v2sf) =	vpush v12, $0xF;
	_ =	sdelay $0xe  }
0x1b6: {  	s28 =	spop (v2sf)  }
0x1b7: {  	p0 =	slt.u32 s28, $0x80000001  }
.Ltmp14:
0x1b8: {  	_ = 	snop;
	(pc) =	sbr.rel @p0 .LBB2_26-.Ltmp14, $3  }
0x1b9: {  	_ =	sdelay $0x1  }
0x1ba: {  	[sflag:s24] =	ssyncset.done $0x0  }
0x1bb: {  	[sflag:s24] =	ssyncadd.s32 $0xFFFF6800  }
0x1bc: {  	vm0 =	vgt.s32 v26, v5;
	vm1 =	vgt.s32 v25, v5  }
0x1bd: {  	vm7 =	vgt.s32 v24, v5;
	vm8 =	vgt.s32 v21, v5;
	vm9 =	vgt.s32 v23, v5  }
0x1be: {  	s28 =	simm.s32 $0xD940;
	vm10 =	vgt.s32 v22, v5;
	vm11 =	vgt.s32 v20, v5;
	vm12 =	vgt.s32 v27, v5  }
0x1bf: {  	v12 =	vsel vm0, v42, v31;
	v13 =	vsel vm1, v41, v28;
	v14 =	vsel vm7, v43, v33;
	v17 =	vld [tilespmem:s28+$0x30]  }
0x1c0: {  	s29 =	sadd.s32 $0x0, s10;
	v15 =	vsel vm8, v40, v29;
	v16 =	vsel vm9, v39, v30;
	v18 =	vsel vm10, v37, v34;
	v59 =	vld [tilespmem:s28+$0xFFFFFFC0]  }
0x1c1: {  	v60 =	vsel vm11, v36, v32;
	v52 =	vsel vm12, v38, v35;
	v54 =	vmov s29;
	v61 =	vld [tilespmem:s28+$0xFFFFFFD0]  }
0x1c2: {  	v62 =	vld [tilespmem:s28+$0xFFFFFFE0];
	vm13 =	veq.s32 v54, v26;
	vm14 =	veq.s32 v54, v25;
	vm2 =	veq.s32 v54, v27  }
0x1c3: {  	v63 =	vld [tilespmem:s28+$0xFFFFFFF0];
	vm3 =	veq.s32 v54, v24;
	vm4 =	veq.s32 v54, v21;
	vm15 =	veq.s32 v54, v23  }
0x1c4: {  	v7 =	vld [tilespmem:s28+$0x0];
	vm5 =	veq.s32 v54, v22;
	vm8 =	veq.s32 v54, v20;
	v52 =	vsel vm2, v35, v52  }
0x1c5: {  	v53 =	vsel vm13, v31, v12;
	v54 =	vsel vm14, v28, v13;
	v55 =	vsel vm3, v33, v14  }
0x1c6: {  	v12 =	vld [tilespmem:s28+$0x10];
	v56 =	vsel vm4, v29, v15;
	v57 =	vsel vm15, v30, v16;
	v58 =	vsel vm5, v34, v18  }
0x1c7: {  	v13 =	vld [tilespmem:s28+$0x20];
	vm6 =	vge.f32 v17, v52;
	vm9 =	vge.f32 v59, v53;
	vm10 =	vge.f32 v61, v54  }
0x1c8: {  	v59 =	vsel vm8, v32, v60;
	vm11 =	vge.f32 v62, v55;
	vm12 =	vge.f32 v63, v56  }
0x1c9: {  	vm13 =	vge.f32 v7, v57;
	v17 =	vsel vm6, $0x1, v19;
	v7 =	vsel vm9, $0x1, v19  }
0x1ca: {  	v14 =	vsel vm10, $0x1, v19;
	v15 =	vsel vm11, $0x1, v19;
	v61 =	vsel vm12, $0x1, v19  }
0x1cb: {  	v63 =	vsel vm13, $0x1, v19;
	v51 =	vadd.s32 v17, v51;
	vm14 =	vge.f32 v12, v58  }
0x1cc: {  	s28 =	simm.s32 $0xD9C0;
	vm15 =	vge.f32 v13, v59;
	v50 =	vadd.s32 v7, v50;
	v49 =	vadd.s32 v14, v49  }
0x1cd: {  	s30 =	simm.s32 $0x1;
	s29 =	simm.s32 $0x2;
	v60 =	vld [tilespmem:s28+$0x30];
	v48 =	vadd.s32 v15, v48;
	v62 =	vsel vm14, $0x1, v19;
	v12 =	vsel vm15, $0x1, v19  }
.LBB2_24:
0x1ce: {  	p0 =	seq.s32 s29, $0x12F;
	s31 =	sadd.s32 s10, s30;
	v7 =	vld [tilespmem:s28+$0xFFFFFFC0];
	v47 =	vadd.s32 v61, v47;
	v46 =	vadd.s32 v63, v46;
	v45 =	vadd.s32 v62, v45;
	s30 =	smov.u32 s29  }
0x1cf: {  	v44 =	vadd.s32 v12, v44;
	v13 =	vmov s31;
	v14 =	vld [tilespmem:s28+$0xFFFFFFD0]  }
0x1d0: {  	vm0 =	veq.s32 v13, v26;
	vm1 =	veq.s32 v13, v25;
	v12 =	vld [tilespmem:s28+$0xFFFFFFE0];
	vm2 =	veq.s32 v13, v27  }
0x1d1: {  	vm3 =	veq.s32 v13, v24;
	vm4 =	veq.s32 v13, v21;
	v15 =	vld [tilespmem:s28+$0xFFFFFFF0];
	v52 =	vsel vm2, v35, v52  }
0x1d2: {  	vm5 =	veq.s32 v13, v22;
	vm2 =	veq.s32 v13, v23;
	v16 =	vld [tilespmem:s28+$0x0];
	vm6 =	vge.f32 v60, v52  }
0x1d3: {  	v53 =	vsel vm0, v31, v53;
	vm0 =	veq.s32 v13, v20;
	v17 =	vld [tilespmem:s28+$0x10];
	v13 =	vsel vm6, $0x1, v19  }
0x1d4: {  	v54 =	vsel vm1, v28, v54;
	v55 =	vsel vm3, v33, v55;
	v18 =	vld [tilespmem:s28+$0x20];
	v51 =	vadd.s32 v13, v51  }
0x1d5: {  	v56 =	vsel vm4, v29, v56;
	v58 =	vsel vm5, v34, v58;
	v57 =	vsel vm2, v30, v57  }
0x1d6: {  	v59 =	vsel vm0, v32, v59;
	vm1 =	vge.f32 v7, v53;
	vm2 =	vge.f32 v14, v54  }
.Ltmp15:
0x1d7: {  	vm0 =	vge.f32 v12, v55;
	vm3 =	vge.f32 v15, v56;
	vm4 =	vge.f32 v16, v57;
	(pc) =	sbr.rel @!p0 .LBB2_24-.Ltmp15, $4  }
0x1d8: {  	v7 =	vsel vm1, $0x1, v19;
	v13 =	vsel vm2, $0x1, v19;
	vm1 =	vge.f32 v17, v58  }
0x1d9: {  	v14 =	vsel vm0, $0x1, v19;
	v61 =	vsel vm3, $0x1, v19;
	vm0 =	vge.f32 v18, v59  }
0x1da: {  	s28 =	sadd.s32 $0x80, s28;
	v63 =	vsel vm4, $0x1, v19;
	v62 =	vsel vm1, $0x1, v19;
	v12 =	vsel vm0, $0x1, v19  }
0x1db: {  	s29 =	sadd.s32 $0x1, s29;
	v50 =	vadd.s32 v7, v50;
	v49 =	vadd.s32 v13, v49;
	v48 =	vadd.s32 v14, v48;
	v60 =	vld [tilespmem:s28+$0x30]  }
0x1dc: {  	s29 =	sadd.s32 s10, s30;
	v7 =	vld [tilespmem:s28+$0xFFFFFFC0]  }
0x1dd: {  	v13 =	vadd.s32 v61, v47;
	v14 =	vadd.s32 v63, v46;
	v17 =	vld [tilespmem:s28+$0xFFFFFFD0];
	v15 =	vmov s29  }
0x1de: {  	v16 =	vadd.s32 v62, v45;
	v12 =	vadd.s32 v12, v44;
	v18 =	vld [tilespmem:s28+$0xFFFFFFE0];
	vm0 =	veq.s32 v15, v26  }
0x1df: {  	v44 =	vld [tilespmem:s28+$0xFFFFFFF0];
	vm1 =	veq.s32 v15, v25;
	vm2 =	veq.s32 v15, v27;
	vm3 =	veq.s32 v15, v24  }
0x1e0: {  	v46 =	vld [tilespmem:s28+$0x0];
	vm4 =	veq.s32 v15, v21;
	vm15 =	veq.s32 v15, v23;
	vm5 =	veq.s32 v15, v22  }
0x1e1: {  	vm8 =	veq.s32 v15, v20;
	v52 =	vsel vm2, v35, v52;
	v45 =	vsel vm0, v31, v53  }
0x1e2: {  	v61 =	vsel vm3, v33, v55;
	v62 =	vsel vm4, v29, v56;
	vm6 =	vge.f32 v60, v52  }
0x1e3: {  	v47 =	vld [tilespmem:s28+$0x10];
	v63 =	vsel vm15, v30, v57;
	v52 =	vsel vm1, v28, v54;
	v60 =	vsel vm6, $0x1, v19  }
0x1e4: {  	v54 =	vld [tilespmem:s28+$0x20];
	vm9 =	vge.f32 v7, v45;
	vm10 =	vge.f32 v17, v52;
	v7 =	vsel vm8, v32, v59  }
0x1e5: {  	vm11 =	vge.f32 v18, v61;
	vm12 =	vge.f32 v44, v62;
	vm13 =	vge.f32 v46, v63  }
0x1e6: {  	v51 =	vadd.s32 v60, v51;
	v60 =	vsel vm5, v34, v58;
	v61 =	vsel vm9, $0x1, v19  }
.Ltmp16:
0x1e7: {  	v17 =	vsel vm10, $0x1, v19;
	v18 =	vsel vm11, $0x1, v19;
	v44 =	vsel vm12, $0x1, v19;
	(pc) =	sbr.rel .LBB2_29-.Ltmp16, $4  }
0x1e8: {  	vm14 =	vge.f32 v47, v60;
	v50 =	vadd.s32 v61, v50;
	v49 =	vadd.s32 v17, v49  }
0x1e9: {  	v48 =	vadd.s32 v18, v48;
	v47 =	vadd.s32 v44, v13;
	vm15 =	vge.f32 v54, v7  }
0x1ea: {  	v62 =	vsel vm14, $0x1, v19;
	v7 =	vsel vm13, $0x1, v19;
	v63 =	vsel vm15, $0x1, v19  }
0x1eb: {  	v45 =	vadd.s32 v62, v16;
	v46 =	vadd.s32 v7, v14;
	v44 =	vadd.s32 v63, v12  }
.LBB2_26:
0x1ec: {  	s30 =	simm.s32 $0x0  }
0x1ed: {  	vm0 =	vlt.s32 v26, v6;
	v7 =	vld [tilespmem:s30+$0xD970]  }
0x1ee: {  	vm1 =	vlt.s32 v24, v6;
	v57 =	vsel vm0, v31, v42;
	vm0 =	vlt.s32 v25, v6;
	v12 =	vld [tilespmem:s30+$0xD900]  }
0x1ef: {  	v52 =	vsel vm1, v33, v43;
	v14 =	vld [tilespmem:s30+$0xD910];
	v55 =	vsel vm0, v28, v41;
	vm0 =	vlt.s32 v21, v6  }
0x1f0: {  	vm1 =	vlt.s32 v27, v6;
	v61 =	vld [tilespmem:s30+$0xD920];
	v53 =	vsel vm0, v29, v40;
	vm0 =	vlt.s32 v23, v6  }
0x1f1: {  	v62 =	vld [tilespmem:s30+$0xD930];
	v59 =	vsel vm1, v35, v38;
	v54 =	vsel vm0, v30, v39;
	vm0 =	vlt.s32 v22, v6  }
0x1f2: {  	v60 =	vld [tilespmem:s30+$0xD940];
	v56 =	vsel vm0, v34, v37;
	vm0 =	vlt.s32 v20, v6;
	vm1 =	vge.f32 v7, v59  }
0x1f3: {  	v63 =	vld [tilespmem:s30+$0xD950];
	v58 =	vsel vm0, v32, v36;
	vm0 =	vge.f32 v12, v57;
	v7 =	vsel vm1, $0x1, v19  }
0x1f4: {  	s28 =	simm.s32 $0x80;
	s29 =	simm.s32 $0x400;
	v12 =	vld [tilespmem:s30+$0xD960];
	v13 =	vsel vm0, $0x1, v19;
	vm0 =	vge.f32 v14, v55;
	v51 =	vadd.s32 v7, v51  }
.LBB2_27:
0x1f5: {  	p0 =	sne.s32 s29, $0x25E00;
	v7 =	vld [tilespmem:s28+$0xD970];
	v50 =	vadd.s32 v13, v50;
	v13 =	vsel vm0, $0x1, v19;
	vm0 =	vge.f32 v61, v52  }
0x1f6: {  	v14 =	vld [tilespmem:s28+$0xD900];
	v49 =	vadd.s32 v13, v49;
	v13 =	vsel vm0, $0x1, v19;
	vm0 =	vge.f32 v62, v53  }
0x1f7: {  	v15 =	vld [tilespmem:s28+$0xD910];
	v48 =	vadd.s32 v13, v48;
	v13 =	vsel vm0, $0x1, v19;
	vm0 =	vge.f32 v60, v54  }
.Ltmp17:
0x1f8: {  	v61 =	vld [tilespmem:s28+$0xD920];
	v47 =	vadd.s32 v13, v47;
	v13 =	vsel vm0, $0x1, v19;
	vm0 =	vge.f32 v63, v56;
	(pc) =	sbr.rel @p0 .LBB2_27-.Ltmp17, $4  }
0x1f9: {  	v62 =	vld [tilespmem:s28+$0xD930];
	v46 =	vadd.s32 v13, v46;
	v13 =	vsel vm0, $0x1, v19;
	vm0 =	vge.f32 v12, v58  }
0x1fa: {  	v60 =	vld [tilespmem:s28+$0xD940];
	vm1 =	vge.f32 v7, v59;
	v45 =	vadd.s32 v13, v45;
	v7 =	vsel vm0, $0x1, v19  }
0x1fb: {  	vm0 =	vge.f32 v14, v57;
	v63 =	vld [tilespmem:s28+$0xD950];
	v14 =	vsel vm1, $0x1, v19;
	v44 =	vadd.s32 v7, v44  }
0x1fc: {  	v13 =	vsel vm0, $0x1, v19;
	vm0 =	vge.f32 v15, v55;
	v12 =	vld [tilespmem:s28+$0xD960];
	s28 =	sshra.s32 s29, $0x2;
	s29 =	sadd.s32 $0x200, s29;
	v51 =	vadd.s32 v14, v51  }
0x1fd: {  	v7 =	vld [tilespmem:s28+$0xD970]  }
0x1fe: {  	v13 =	vadd.s32 v13, v50;
	v14 =	vsel vm0, $0x1, v19;
	vm4 =	vge.f32 v61, v52;
	v15 =	vld [tilespmem:s28+$0xD900]  }
0x1ff: {  	v17 =	vld [tilespmem:s28+$0xD910];
	v14 =	vadd.s32 v14, v49;
	v16 =	vsel vm4, $0x1, v19;
	vm5 =	vge.f32 v62, v53  }
0x200: {  	v62 =	vld [tilespmem:s28+$0xD960];
	v16 =	vadd.s32 v16, v48;
	v18 =	vsel vm5, $0x1, v19;
	vm6 =	vge.f32 v60, v54  }
0x201: {  	v48 =	vld [tilespmem:s28+$0xD920];
	v18 =	vadd.s32 v18, v47;
	v49 =	vsel vm6, $0x1, v19;
	vm7 =	vge.f32 v63, v56  }
0x202: {  	v60 =	vld [tilespmem:s28+$0xD930];
	v46 =	vadd.s32 v49, v46;
	v50 =	vsel vm7, $0x1, v19;
	vm8 =	vge.f32 v12, v58  }
0x203: {  	v47 =	vld [tilespmem:s28+$0xD950];
	vm1 =	vge.f32 v7, v59;
	v7 =	vadd.s32 v50, v45;
	v59 =	vsel vm8, $0x1, v19  }
0x204: {  	v12 =	vld [tilespmem:s28+$0xD940];
	vm9 =	vge.f32 v15, v57;
	vm10 =	vge.f32 v17, v55;
	v61 =	vsel vm1, $0x1, v19  }
0x205: {  	v44 =	vadd.s32 v59, v44;
	v63 =	vsel vm9, $0x1, v19;
	v57 =	vsel vm10, $0x1, v19  }
0x206: {  	vm15 =	vge.f32 v62, v58;
	v51 =	vadd.s32 v61, v51;
	v50 =	vadd.s32 v63, v13  }
0x207: {  	vm11 =	vge.f32 v48, v52;
	v49 =	vadd.s32 v57, v14;
	vm12 =	vge.f32 v60, v53  }
0x208: {  	v63 =	vsel vm15, $0x1, v19;
	v59 =	vsel vm11, $0x1, v19;
	v61 =	vsel vm12, $0x1, v19  }
0x209: {  	vm14 =	vge.f32 v47, v56;
	v44 =	vadd.s32 v63, v44;
	vm13 =	vge.f32 v12, v54  }
0x20a: {  	v48 =	vadd.s32 v59, v16;
	v62 =	vsel vm14, $0x1, v19;
	v12 =	vsel vm13, $0x1, v19  }
0x20b: {  	v47 =	vadd.s32 v61, v18;
	v45 =	vadd.s32 v62, v7;
	v46 =	vadd.s32 v12, v46  }
.LBB2_29:
0x20c: {  	vm0 =	vge.s32 v26, v6;
	vm1 =	vlt.s32 v26, v10  }
0x20d: {  	vm14 =	vge.s32 v25, v6;
	vm2 =	vlt.s32 v25, v10;
	vm15 =	vge.s32 v24, v6  }
0x20e: {  	vm3 =	vlt.s32 v24, v10;
	vm5 =	vge.s32 v21, v6;
	vm6 =	vlt.s32 v21, v10  }
0x20f: {  	vm7 =	vge.s32 v23, v6;
	vm8 =	vlt.s32 v23, v10;
	vm9 =	vge.s32 v22, v6  }
0x210: {  	vm10 =	vlt.s32 v22, v10;
	vm12 =	vge.s32 v20, v6;
	vm13 =	vlt.s32 v20, v10  }
0x211: {  	vm0 =	vmand vm0, vm1;
	vm1 =	vmand vm14, vm2;
	vm4 =	vmand vm15, vm3  }
0x212: {  	vm11 =	vmand vm9, vm10;
	v7 =	vmpcnt.ones.xlane vm0;
	v12 =	vmpcnt.ones.xlane vm1  }
0x213: {  	vm14 =	vge.s32 v27, v6;
	v13 =	vmpcnt.ones.xlane vm4;
	vm0 =	vmand vm5, vm6  }
0x214: {  	v59 =	vmpcnt.ones.xlane vm0;
	vm0 =	vmand vm7, vm8;
	v7 =	vadd.s32 v7, v12  }
0x215: {  	vm15 =	vlt.s32 v27, v10;
	v60 =	vmpcnt.ones.xlane vm0;
	v7 =	vadd.s32 v13, v7  }
0x216: {  	v61 =	vmpcnt.ones.xlane vm11;
	vm0 =	vmand vm12, vm13;
	v7 =	vadd.s32 v59, v7  }
0x217: {  	vm1 =	vmand vm14, vm15;
	v62 =	vmpcnt.ones.xlane vm0;
	v7 =	vadd.s32 v60, v7  }
0x218: {  	v63 =	vmpcnt.ones.xlane vm1;
	v7 =	vadd.s32 v61, v7  }
0x219: {  	v7 =	vadd.s32 v62, v7  }
0x21a: {  	v7 =	vadd.s32 v63, v7  }
0x21b: {  	_ =	swait.ge [sflag:s23], $0x9800;
	v7 =	vxor.u32 $0x80000000, v7  }
0x21c: {  	(xrf0) =	vmax.scan.msk.u32 $0xffff, v7;
	_ =	sdelay $0x5  }
0x21d: {  	v7, _, _ =	vpop (xrf0)  }
0x21e: {  	(v2sf) =	vpush v7, $0xF;
	_ =	sdelay $0xe  }
0x21f: {  	s28 =	spop (v2sf)  }
0x220: {  	p0 =	slt.u32 s28, $0x80000001  }
.Ltmp18:
0x221: {  	_ = 	snop;
	(pc) =	sbr.rel @p0 .LBB2_33-.Ltmp18, $3  }
0x222: {  	_ =	sdelay $0x1  }
0x223: {  	[sflag:s23] =	ssyncset.done $0x0  }
0x224: {  	[sflag:s23] =	ssyncadd.s32 $0xFFFF6800  }
0x225: {  	vm0 =	vgt.s32 v26, v6;
	vm1 =	vgt.s32 v25, v6  }
0x226: {  	vm7 =	vgt.s32 v24, v6;
	vm8 =	vgt.s32 v21, v6;
	vm9 =	vgt.s32 v23, v6;
	s28 =	simm.s32 $0x4140  }
0x227: {  	vm10 =	vgt.s32 v22, v6;
	vm11 =	vgt.s32 v20, v6;
	vm12 =	vgt.s32 v27, v6;
	v16 =	vld [tilespmem:s28+$0x30]  }
0x228: {  	v7 =	vsel vm0, v42, v31;
	v12 =	vsel vm1, v41, v28;
	v13 =	vsel vm7, v43, v33;
	v18 =	vld [tilespmem:s28+$0xFFFFFFC0]  }
0x229: {  	s29 =	sadd.s32 $0x0, s11;
	v14 =	vsel vm8, v40, v29;
	v15 =	vsel vm9, v39, v30;
	v17 =	vsel vm10, v37, v34;
	v53 =	vld [tilespmem:s28+$0xFFFFFFD0]  }
0x22a: {  	v52 =	vsel vm11, v36, v32;
	v62 =	vsel vm12, v38, v35;
	v63 =	vmov s29;
	v54 =	vld [tilespmem:s28+$0xFFFFFFE0]  }
0x22b: {  	v55 =	vld [tilespmem:s28+$0xFFFFFFF0];
	vm13 =	veq.s32 v63, v26;
	vm14 =	veq.s32 v63, v25;
	vm2 =	veq.s32 v63, v27  }
0x22c: {  	v56 =	vld [tilespmem:s28+$0x0];
	vm3 =	veq.s32 v63, v24;
	vm4 =	veq.s32 v63, v21;
	vm15 =	veq.s32 v63, v23  }
0x22d: {  	vm5 =	veq.s32 v63, v22;
	vm8 =	veq.s32 v63, v20;
	v36 =	vsel vm2, v35, v62  }
0x22e: {  	v37 =	vsel vm13, v31, v7;
	v38 =	vsel vm14, v28, v12;
	v39 =	vsel vm3, v33, v13  }
0x22f: {  	v7 =	vld [tilespmem:s28+$0x10];
	v41 =	vsel vm4, v29, v14;
	v42 =	vsel vm15, v30, v15;
	v43 =	vsel vm5, v34, v17  }
0x230: {  	v12 =	vld [tilespmem:s28+$0x20];
	vm6 =	vge.f32 v16, v36;
	vm9 =	vge.f32 v18, v37;
	vm10 =	vge.f32 v53, v38  }
0x231: {  	vm11 =	vge.f32 v54, v39;
	vm12 =	vge.f32 v55, v41;
	vm13 =	vge.f32 v56, v42  }
0x232: {  	v16 =	vsel vm6, $0x1, v19;
	v13 =	vsel vm9, $0x1, v19;
	v14 =	vsel vm10, $0x1, v19  }
0x233: {  	v53 =	vsel vm12, $0x1, v19;
	v55 =	vsel vm13, $0x1, v19;
	v40 =	vadd.s32 v16, v51  }
0x234: {  	v51 =	vsel vm8, v32, v52;
	vm14 =	vge.f32 v7, v43;
	v7 =	vsel vm11, $0x1, v19  }
0x235: {  	s28 =	simm.s32 $0x41C0;
	v50 =	vadd.s32 v13, v50;
	v49 =	vadd.s32 v14, v49;
	vm15 =	vge.f32 v12, v51  }
0x236: {  	s30 =	simm.s32 $0x1;
	s29 =	simm.s32 $0x2;
	v52 =	vld [tilespmem:s28+$0x30];
	v54 =	vsel vm14, $0x1, v19;
	v48 =	vadd.s32 v7, v48;
	v12 =	vsel vm15, $0x1, v19  }
.LBB2_31:
0x237: {  	p0 =	seq.s32 s29, $0x12F;
	s31 =	sadd.s32 s11, s30;
	v7 =	vld [tilespmem:s28+$0xFFFFFFC0];
	v47 =	vadd.s32 v53, v47;
	v46 =	vadd.s32 v55, v46;
	v45 =	vadd.s32 v54, v45;
	s30 =	smov.u32 s29  }
0x238: {  	v44 =	vadd.s32 v12, v44;
	v13 =	vmov s31;
	v14 =	vld [tilespmem:s28+$0xFFFFFFD0]  }
0x239: {  	vm0 =	veq.s32 v13, v26;
	vm1 =	veq.s32 v13, v25;
	v12 =	vld [tilespmem:s28+$0xFFFFFFE0];
	vm2 =	veq.s32 v13, v27  }
0x23a: {  	vm3 =	veq.s32 v13, v24;
	vm4 =	veq.s32 v13, v21;
	v15 =	vld [tilespmem:s28+$0xFFFFFFF0];
	v36 =	vsel vm2, v35, v36  }
0x23b: {  	vm5 =	veq.s32 v13, v22;
	vm2 =	veq.s32 v13, v23;
	v16 =	vld [tilespmem:s28+$0x0];
	vm6 =	vge.f32 v52, v36  }
0x23c: {  	v37 =	vsel vm0, v31, v37;
	vm0 =	veq.s32 v13, v20;
	v17 =	vld [tilespmem:s28+$0x10];
	v13 =	vsel vm6, $0x1, v19  }
0x23d: {  	v38 =	vsel vm1, v28, v38;
	v39 =	vsel vm3, v33, v39;
	v18 =	vld [tilespmem:s28+$0x20];
	v40 =	vadd.s32 v13, v40  }
0x23e: {  	v41 =	vsel vm4, v29, v41;
	v43 =	vsel vm5, v34, v43;
	v42 =	vsel vm2, v30, v42  }
0x23f: {  	v51 =	vsel vm0, v32, v51;
	vm1 =	vge.f32 v7, v37;
	vm2 =	vge.f32 v14, v38  }
.Ltmp19:
0x240: {  	vm0 =	vge.f32 v12, v39;
	vm3 =	vge.f32 v15, v41;
	vm4 =	vge.f32 v16, v42;
	(pc) =	sbr.rel @!p0 .LBB2_31-.Ltmp19, $4  }
0x241: {  	v7 =	vsel vm1, $0x1, v19;
	v13 =	vsel vm2, $0x1, v19;
	vm1 =	vge.f32 v17, v43  }
0x242: {  	v14 =	vsel vm0, $0x1, v19;
	v53 =	vsel vm3, $0x1, v19;
	vm0 =	vge.f32 v18, v51  }
0x243: {  	s28 =	sadd.s32 $0x80, s28;
	v55 =	vsel vm4, $0x1, v19;
	v54 =	vsel vm1, $0x1, v19;
	v12 =	vsel vm0, $0x1, v19  }
0x244: {  	s29 =	sadd.s32 $0x1, s29;
	v50 =	vadd.s32 v7, v50;
	v49 =	vadd.s32 v13, v49;
	v48 =	vadd.s32 v14, v48;
	v52 =	vld [tilespmem:s28+$0x30]  }
0x245: {  	s29 =	sadd.s32 s11, s30;
	v7 =	vld [tilespmem:s28+$0xFFFFFFC0]  }
0x246: {  	v14 =	vadd.s32 v53, v47;
	v15 =	vadd.s32 v55, v46;
	v17 =	vld [tilespmem:s28+$0xFFFFFFD0];
	v13 =	vmov s29  }
0x247: {  	v16 =	vadd.s32 v54, v45;
	v18 =	vadd.s32 v12, v44;
	vm1 =	veq.s32 v13, v25;
	v25 =	vld [tilespmem:s28+$0xFFFFFFE0]  }
0x248: {  	vm0 =	veq.s32 v13, v26;
	vm2 =	veq.s32 v13, v27;
	vm3 =	veq.s32 v13, v24;
	v24 =	vld [tilespmem:s28+$0xFFFFFFF0]  }
0x249: {  	vm4 =	veq.s32 v13, v21;
	vm15 =	veq.s32 v13, v23;
	v21 =	vld [tilespmem:s28+$0x0];
	vm5 =	veq.s32 v13, v22  }
0x24a: {  	v23 =	vld [tilespmem:s28+$0x10];
	vm8 =	veq.s32 v13, v20;
	v12 =	vsel vm2, v35, v36;
	v22 =	vsel vm0, v31, v37  }
0x24b: {  	v26 =	vld [tilespmem:s28+$0x20];
	v13 =	vsel vm1, v28, v38;
	v20 =	vsel vm3, v33, v39;
	v27 =	vsel vm4, v29, v41  }
0x24c: {  	v62 =	vsel vm15, v30, v42;
	v63 =	vsel vm5, v34, v43;
	vm6 =	vge.f32 v52, v12  }
0x24d: {  	v12 =	vsel vm6, $0x1, v19;
	vm9 =	vge.f32 v7, v22;
	vm10 =	vge.f32 v17, v13  }
0x24e: {  	v7 =	vsel vm8, v32, v51;
	v12 =	vadd.s32 v12, v40;
	v13 =	vsel vm9, $0x1, v19  }
0x24f: {  	v17 =	vsel vm10, $0x1, v19;
	vm11 =	vge.f32 v25, v20;
	vm12 =	vge.f32 v24, v27  }
.Ltmp20:
0x250: {  	vm13 =	vge.f32 v21, v62;
	vm14 =	vge.f32 v23, v63;
	vm15 =	vge.f32 v26, v7;
	(pc) =	sbr.rel .LBB2_36-.Ltmp20, $4  }
0x251: {  	v25 =	vadd.s32 v13, v50;
	v13 =	vadd.s32 v17, v49;
	v20 =	vsel vm11, $0x1, v19  }
0x252: {  	v22 =	vsel vm12, $0x1, v19;
	v7 =	vsel vm13, $0x1, v19;
	v23 =	vsel vm14, $0x1, v19  }
0x253: {  	v24 =	vsel vm15, $0x1, v19;
	v21 =	vadd.s32 v20, v48;
	v20 =	vadd.s32 v22, v14  }
0x254: {  	v22 =	vadd.s32 v7, v15;
	v23 =	vadd.s32 v23, v16;
	v24 =	vadd.s32 v24, v18  }
.LBB2_33:
0x255: {  	s30 =	simm.s32 $0x0  }
0x256: {  	vm0 =	vlt.s32 v26, v11;
	v7 =	vld [tilespmem:s30+$0x4170]  }
0x257: {  	vm1 =	vlt.s32 v24, v11;
	v26 =	vsel vm0, v31, v42;
	vm0 =	vlt.s32 v25, v11;
	v12 =	vld [tilespmem:s30+$0x4100]  }
0x258: {  	v24 =	vsel vm1, v33, v43;
	v14 =	vld [tilespmem:s30+$0x4110];
	v25 =	vsel vm0, v28, v41;
	vm0 =	vlt.s32 v21, v11  }
0x259: {  	vm1 =	vlt.s32 v27, v11;
	v31 =	vld [tilespmem:s30+$0x4120];
	v21 =	vsel vm0, v29, v40;
	vm0 =	vlt.s32 v23, v11  }
0x25a: {  	v27 =	vsel vm1, v35, v38;
	v23 =	vsel vm0, v30, v39;
	vm0 =	vlt.s32 v22, v11;
	v30 =	vld [tilespmem:s30+$0x4130]  }
0x25b: {  	v29 =	vld [tilespmem:s30+$0x4140];
	v22 =	vsel vm0, v34, v37;
	vm0 =	vlt.s32 v20, v11;
	vm1 =	vge.f32 v7, v27  }
0x25c: {  	v20 =	vsel vm0, v32, v36;
	vm0 =	vge.f32 v12, v26;
	v32 =	vld [tilespmem:s30+$0x4150];
	v7 =	vsel vm1, $0x1, v19  }
0x25d: {  	s28 =	simm.s32 $0x80;
	s29 =	simm.s32 $0x400;
	v12 =	vld [tilespmem:s30+$0x4160];
	v13 =	vsel vm0, $0x1, v19;
	vm0 =	vge.f32 v14, v25;
	v28 =	vadd.s32 v7, v51  }
.LBB2_34:
0x25e: {  	p0 =	sne.s32 s29, $0x25E00;
	v7 =	vld [tilespmem:s28+$0x4170];
	v50 =	vadd.s32 v13, v50;
	v13 =	vsel vm0, $0x1, v19;
	vm0 =	vge.f32 v31, v24  }
0x25f: {  	v14 =	vld [tilespmem:s28+$0x4100];
	v49 =	vadd.s32 v13, v49;
	v13 =	vsel vm0, $0x1, v19;
	vm0 =	vge.f32 v30, v21  }
0x260: {  	v15 =	vld [tilespmem:s28+$0x4110];
	v48 =	vadd.s32 v13, v48;
	v13 =	vsel vm0, $0x1, v19;
	vm0 =	vge.f32 v29, v23  }
.Ltmp21:
0x261: {  	v31 =	vld [tilespmem:s28+$0x4120];
	v47 =	vadd.s32 v13, v47;
	v13 =	vsel vm0, $0x1, v19;
	vm0 =	vge.f32 v32, v22;
	(pc) =	sbr.rel @p0 .LBB2_34-.Ltmp21, $4  }
0x262: {  	v30 =	vld [tilespmem:s28+$0x4130];
	v46 =	vadd.s32 v13, v46;
	v13 =	vsel vm0, $0x1, v19;
	vm0 =	vge.f32 v12, v20  }
0x263: {  	v29 =	vld [tilespmem:s28+$0x4140];
	vm1 =	vge.f32 v7, v27;
	v45 =	vadd.s32 v13, v45;
	v7 =	vsel vm0, $0x1, v19  }
0x264: {  	vm0 =	vge.f32 v14, v26;
	v32 =	vld [tilespmem:s28+$0x4150];
	v14 =	vsel vm1, $0x1, v19;
	v44 =	vadd.s32 v7, v44  }
0x265: {  	v13 =	vsel vm0, $0x1, v19;
	vm0 =	vge.f32 v15, v25;
	v12 =	vld [tilespmem:s28+$0x4160];
	s28 =	sshra.s32 s29, $0x2;
	s29 =	sadd.s32 $0x200, s29;
	v28 =	vadd.s32 v14, v28  }
.Ltmp22:
0x266: {  	_ = 	snop;
	(pc) =	sbr.rel .LBB2_35-.Ltmp22, $1  }
0x267: {  	_ =	sdelay $0x3  }
.LBB2_37:
0x268: {  	_ =	sfence.sel $0x180000  }
0x269: {  	[bflag:$0x0] =	sbarrier.arrive $0xFFFF  }
0x26a: {  	p0 =	sne.s32 s0, $0x0;
	_ =	strace $0x90000047  }
0x26b: {  	s0 =	sadd.s32 @!p0 $0x100000, s2;
	[bflag:$0x2] =	sbarrier.arrive $0xFFFF  }
0x26c: {  	[sflag:s0] =	ssyncadd.tile.s32 @!p0 $0x1;
	_ =	shalt  }
.Lfunc_end2:
_tile_overlayer_lowered:
.L_overlay_start_2:
0x26d: {  	(tag) =	ssettag $0x2  }
0x26e: {  	s0 =	rddreg [dreg:$0x0];
	s2 =	stileid.u32  }
0x26f: {  	s1 =	rddreg [dreg:$0x1];
	p0 =	sne.s32 s2, $0x0  }
0x270: {  	s3 =	rddreg [dreg:$0x2];
	[bflag:$0x3] =	sbarrier.arrive $0xFFFF;
	s2 =	simm.s32 @!p0 $0x1C04  }
0x271: {  	[timem:s3], [sflag:s2] =	dma.local @!p0 [hbm:s0], s1  }
0x272: {  	s0 =	simm.s32 @!p0 $0x4  }
0x273: {  	_ =	swait.ge @!p0 [sflag:s0], s1  }
0x274: {  	s1 =	ssub.s32 @!p0 $0x0, s1;
	[sflag:s0] =	ssyncset.done @!p0 $0x0  }
0x275: {  	[sflag:s0] =	ssyncadd.s32 @!p0 s1  }
0x276: {  	[bflag:$0x3] =	sbarrier.arrive $0xFFFF  }
0x277: {  	_ =	shalt  }

</sc_bundles>
